<compile_context>
chip_gen: v7x
topology: tpu7x:2x2x1
jax: 0.10.2.dev20260603
libtpu: 0.0.44.dev20260713+nightly
codegen_flags: <defaults>
</compile_context>

<pallas_src>
import jax
import jax.numpy as jnp
from jax.experimental import pallas as pl
from jax.experimental.pallas import tpu as pltpu
from jax.experimental.pallas import tpu_sc as plsc

_SIZE = 1600000
_COLS = 128
_ROWS = _SIZE // _COLS

_NC = 2
_NS = 16
_NW = _NC * _NS
_PER_W = _SIZE // _NW
_CHUNK = 10000
_NCHUNK = _PER_W // _CHUNK
_VECS = _CHUNK // 16
_UNROLL = 5

_NBINS = 4096
_KH = _UNROLL
_HIST_WORDS = _KH * _NBINS

_LCAP = 257
_REG = 4160
_CAPP = _UNROLL * _REG


def _sc_keys_hist_body(probs_hbm, noise_hbm, zeros_hbm, skey_hbm, hist_hbm,
                       pbuf0, nbuf0, kbuf0, pbuf1, nbuf1, kbuf1, hist,
                       sp0, sn0, sk0, sp1, sn1, sk1, sz):
    wid = jax.lax.axis_index("s") * _NC + jax.lax.axis_index("c")
    lane = jax.lax.iota(jnp.int32, 16)
    ones = (lane >= 0).astype(jnp.int32)
    pb, nb, kb = [pbuf0, pbuf1], [nbuf0, nbuf1], [kbuf0, kbuf1]
    sp, sn, sk = [sp0, sp1], [sn0, sn1], [sk0, sk1]

    def base(c):
        return wid * _PER_W + c * _CHUNK

    hz = pltpu.async_copy(zeros_hbm, hist, sz)
    in_h = {0: (pltpu.async_copy(probs_hbm.at[pl.ds(base(0), _CHUNK)],
                                 pb[0], sp[0]),
                pltpu.async_copy(noise_hbm.at[pl.ds(base(0), _CHUNK)],
                                 nb[0], sn[0]))}
    hz.wait()
    out_h = {}
    for c in range(_NCHUNK):
        cur = c & 1
        if c + 1 < _NCHUNK:
            nxt = (c + 1) & 1
            in_h[c + 1] = (
                pltpu.async_copy(probs_hbm.at[pl.ds(base(c + 1), _CHUNK)],
                                 pb[nxt], sp[nxt]),
                pltpu.async_copy(noise_hbm.at[pl.ds(base(c + 1), _CHUNK)],
                                 nb[nxt], sn[nxt]))
        in_h[c][0].wait()
        in_h[c][1].wait()
        if c >= 2:
            out_h[c - 2].wait()
        pbuf, nbuf, kbuf = pb[cur], nb[cur], kb[cur]

        def vec(i, _):
            for j in range(_UNROLL):
                sl = pl.ds((i * _UNROLL + j) * 16, 16)
                x = pbuf[sl] + nbuf[sl]
                k = plsc.bitcast(x, jnp.int32)
                s = k ^ (jax.lax.shift_right_arithmetic(k, 31)
                         & jnp.int32(0x7FFFFFFF))
                kbuf[sl] = s
                idx = jax.lax.shift_right_arithmetic(s, 20) + (j * _NBINS + 2048)
                plsc.addupdate_scatter(hist, [idx], ones)
            return 0

        jax.lax.fori_loop(0, _VECS // _UNROLL, vec, 0)
        out_h[c] = pltpu.async_copy(kbuf, skey_hbm.at[pl.ds(base(c), _CHUNK)],
                                    sk[cur])
    out_h[_NCHUNK - 2].wait()
    out_h[_NCHUNK - 1].wait()
    pltpu.sync_copy(hist, hist_hbm.at[wid])


def _tc_hist_body(n_ref, hist_ref, scal_ref):
    n = n_ref[0, 0]
    total = jnp.sum(hist_ref[...], axis=0)
    r = jax.lax.broadcasted_iota(jnp.int32, (32, 128), 0)
    c = jax.lax.broadcasted_iota(jnp.int32, (32, 128), 1)
    bin2 = r * 128 + c

    def hstep(b, B):
        cand = B | jnp.left_shift(jnp.int32(1), jnp.int32(11) - b)
        cnt = jnp.sum(jnp.where(bin2 >= cand, total, 0))
        return jnp.where(cnt >= n, cand, B)

    B = jax.lax.fori_loop(0, 12, hstep, jnp.int32(0))
    cnt_above = jnp.sum(jnp.where(bin2 > B, total, 0))
    c8 = jax.lax.broadcasted_iota(jnp.int32, (8, 128), 1)
    scal_ref[...] = jnp.where(c8 < 64, B, cnt_above)


def _sc_compact_body(skey_hbm, scal_hbm, negs_hbm, compact_hbm,
                     kbuf0, kbuf1, sbuf, cbuf, sa0, sa1, sb, sc_):
    wid = jax.lax.axis_index("s") * _NC + jax.lax.axis_index("c")
    lane = jax.lax.iota(jnp.int32, 16)
    lanebase = lane * _LCAP
    kb, sa = [kbuf0, kbuf1], [sa0, sa1]

    def base(c):
        return wid * _PER_W + c * _CHUNK

    hn = pltpu.async_copy(negs_hbm, cbuf, sc_)
    hs = pltpu.async_copy(scal_hbm.at[pl.ds(0, 16)], sbuf, sb)
    in_h = {0: pltpu.async_copy(skey_hbm.at[pl.ds(base(0), _CHUNK)],
                                kb[0], sa[0])}
    hs.wait()
    bvec = sbuf[...]
    hn.wait()

    cnt = (jnp.zeros((16,), jnp.int32),) * _UNROLL
    for c in range(_NCHUNK):
        cur = c & 1
        if c + 1 < _NCHUNK:
            nxt = (c + 1) & 1
            in_h[c + 1] = pltpu.async_copy(
                skey_hbm.at[pl.ds(base(c + 1), _CHUNK)], kb[nxt], sa[nxt])
        in_h[c].wait()
        kbuf = kb[cur]

        def vec(i, cnt):
            cnt = list(cnt)
            for j in range(_UNROLL):
                sl = pl.ds((i * _UNROLL + j) * 16, 16)
                s = kbuf[sl]
                m = (jax.lax.shift_right_arithmetic(s, 20) + 2048) == bvec
                low = s & jnp.int32(0xFFFFF)
                idx = (j * _REG) + lanebase + jnp.minimum(cnt[j], _LCAP - 1)
                plsc.store_scatter(cbuf, [idx], low, mask=m)
                cnt[j] = cnt[j] + m.astype(jnp.int32)
            return tuple(cnt)

        cnt = jax.lax.fori_loop(0, _VECS // _UNROLL, vec, cnt)
    pltpu.sync_copy(cbuf, compact_hbm.at[wid])


def _tc_final_body(n_ref, scal_ref, skey_ref, compact_ref, out_ref):
    n = n_ref[0, 0]
    B = scal_ref[0, 0]
    cnt_above = scal_ref[0, 64]
    v = compact_ref[...]

    def lstep(b, L):
        cand = L | jnp.left_shift(jnp.int32(1), jnp.int32(19) - b)
        cnt = cnt_above + jnp.sum((v >= cand).astype(jnp.int32))
        return jnp.where(cnt >= n, cand, L)

    L = jax.lax.fori_loop(0, 20, lstep, jnp.int32(0))
    thr_s = jnp.left_shift(B ^ jnp.int32(2048), 20) | L
    out_ref[...] = (skey_ref[...] >= thr_s).astype(jnp.float32)


def kernel(mst_probs, n):
    noise = jax.random.gumbel(jax.random.key(42), mst_probs.shape,
                              mst_probs.dtype)
    zeros = jnp.zeros((_HIST_WORDS,), jnp.int32)
    negs = jnp.full((_CAPP,), -1, jnp.int32)
    n_arr = jnp.asarray(n, jnp.int32).reshape(1, 1)

    mesh = plsc.VectorSubcoreMesh(core_axis_name="c", subcore_axis_name="s",
                                  num_cores=_NC, num_subcores=_NS)
    sc_params = pltpu.CompilerParams(needs_layout_passes=False)

    skeys, hists = pl.kernel(
        _sc_keys_hist_body,
        out_type=[
            jax.ShapeDtypeStruct((_SIZE,), jnp.int32),
            jax.ShapeDtypeStruct((_NW, _HIST_WORDS), jnp.int32),
        ],
        mesh=mesh,
        compiler_params=sc_params,
        scratch_types=[
            pltpu.VMEM((_CHUNK,), jnp.float32),
            pltpu.VMEM((_CHUNK,), jnp.float32),
            pltpu.VMEM((_CHUNK,), jnp.int32),
            pltpu.VMEM((_CHUNK,), jnp.float32),
            pltpu.VMEM((_CHUNK,), jnp.float32),
            pltpu.VMEM((_CHUNK,), jnp.int32),
            pltpu.VMEM((_HIST_WORDS,), jnp.int32),
        ] + [pltpu.SemaphoreType.DMA] * 7,
    )(mst_probs, noise, zeros)

    scal = pl.pallas_call(
        _tc_hist_body,
        out_shape=jax.ShapeDtypeStruct((8, 128), jnp.int32),
        in_specs=[
            pl.BlockSpec(memory_space=pltpu.SMEM),
            pl.BlockSpec(memory_space=pltpu.VMEM),
        ],
        out_specs=pl.BlockSpec(memory_space=pltpu.VMEM),
    )(n_arr, hists.reshape(_NW * _KH, 32, 128))

    compact = pl.kernel(
        _sc_compact_body,
        out_type=jax.ShapeDtypeStruct((_NW, _CAPP), jnp.int32),
        mesh=mesh,
        compiler_params=sc_params,
        scratch_types=[
            pltpu.VMEM((_CHUNK,), jnp.int32),
            pltpu.VMEM((_CHUNK,), jnp.int32),
            pltpu.VMEM((16,), jnp.int32),
            pltpu.VMEM((_CAPP,), jnp.int32),
        ] + [pltpu.SemaphoreType.DMA] * 4,
    )(skeys, scal.reshape(8 * 128), negs)

    out = pl.pallas_call(
        _tc_final_body,
        out_shape=jax.ShapeDtypeStruct((_ROWS, _COLS), jnp.float32),
        in_specs=[
            pl.BlockSpec(memory_space=pltpu.SMEM),
            pl.BlockSpec(memory_space=pltpu.SMEM),
            pl.BlockSpec(memory_space=pltpu.VMEM),
            pl.BlockSpec(memory_space=pltpu.VMEM),
        ],
        out_specs=pl.BlockSpec(memory_space=pltpu.VMEM),
    )(n_arr, scal, skeys.reshape(_ROWS, _COLS),
      compact.reshape(_NW * _CAPP // _COLS, _COLS))
    return out.reshape(_SIZE)

# --- scband reference (transcript-rebuilt; emitter-appended) ---
"""Pipeline reference for scband-global-connectivity-loss-48344151884179 (READ-ONLY COPY).

The authoritative reference and input builder live on the scoring server;
editing this copy changes nothing except your own understanding.
"""

import jax, jax.numpy as jnp
import numpy as np

TEMP = 2.5

def setup_inputs(seed: int = 0) -> dict:
    key = jax.random.key(seed)
    k1, _ = jax.random.split(key)
    mst_probs = jax.random.normal(k1, (1600000,), dtype=jnp.float32)
    n = 100000
    return {"mst_probs": mst_probs, "n": n}

def reference(mst_probs, n):
    # Faithful translation of GlobalConnectivityLoss.sample_edges (the core
    # sampling op of this module; the class defines no plain forward()).
    # torch: gumbel_noise = -Exponential(1).log()  ==  Gumbel(0,1) noise
    gkey = jax.random.key(42)
    gumbel_noise = jax.random.gumbel(gkey, mst_probs.shape, dtype=mst_probs.dtype)
    perturbed_scores = mst_probs + gumbel_noise
    y_soft = jax.nn.softmax(perturbed_scores / TEMP, axis=0)
    size = mst_probs.shape[0]
    _, order = jax.lax.top_k(y_soft, size)
    hot_vals = (jnp.arange(size) < n).astype(mst_probs.dtype)
    y_n_hot = jnp.zeros_like(mst_probs).at[order].set(hot_vals)
    # straight-through estimator: hard one-hot in fwd, soft grad in bwd
    ret = y_n_hot - jax.lax.stop_gradient(y_soft) + y_soft
    return ret

if __name__ == "__main__":
    import jax
    _d = setup_inputs()
    print(jax.jit(kernel)(*tuple(_d.values())))

</pallas_src>

<mosaic_0001>
#map = affine_map<(d0, d1) -> (0)>
#map1 = affine_map<(d0, d1) -> (0, 0)>
module attributes {stable_mosaic.version = 14 : i64} {
  func.func @_sc_keys_hist_body(%arg0: i32, %arg1: i32, %arg2: memref<1600000xf32, #tpu.memory_space<hbm>>, %arg3: memref<1600000xf32, #tpu.memory_space<hbm>>, %arg4: memref<20480xi32, #tpu.memory_space<hbm>>, %arg5: memref<1600000xi32, #tpu.memory_space<hbm>>, %arg6: memref<32x20480xi32, #tpu.memory_space<hbm>>, %arg7: memref<10000xf32, #tpu.memory_space<vmem>>, %arg8: memref<10000xf32, #tpu.memory_space<vmem>>, %arg9: memref<10000xi32, #tpu.memory_space<vmem>>, %arg10: memref<10000xf32, #tpu.memory_space<vmem>>, %arg11: memref<10000xf32, #tpu.memory_space<vmem>>, %arg12: memref<10000xi32, #tpu.memory_space<vmem>>, %arg13: memref<20480xi32, #tpu.memory_space<vmem>>, %arg14: memref<!tpu.dma_semaphore, #tpu.memory_space<semaphore_mem>>, %arg15: memref<!tpu.dma_semaphore, #tpu.memory_space<semaphore_mem>>, %arg16: memref<!tpu.dma_semaphore, #tpu.memory_space<semaphore_mem>>, %arg17: memref<!tpu.dma_semaphore, #tpu.memory_space<semaphore_mem>>, %arg18: memref<!tpu.dma_semaphore, #tpu.memory_space<semaphore_mem>>, %arg19: memref<!tpu.dma_semaphore, #tpu.memory_space<semaphore_mem>>, %arg20: memref<!tpu.dma_semaphore, #tpu.memory_space<semaphore_mem>>) attributes {dimension_semantics = [#tpu.dimension_semantics<core_parallel>, #tpu.dimension_semantics<subcore_parallel>], iteration_bounds = array<i64: 2, 16>, scalar_prefetch = 0 : i64, scratch_operands = 14 : i64, tpu.core_type = #tpu.core_type<sc_vector_subcore>, window_params = [{transform_indices = #map}, {transform_indices = #map}, {transform_indices = #map}, {transform_indices = #map}, {transform_indices = #map1}]} {
    %mul3A = arith.constant 2 : i32
    %mul3A_0 = arith.muli %arg1, %mul3A : i32
    %add3A = arith.addi %mul3A_0, %arg0 : i32
    %iota3A = tpu.iota {dimensions = array<i32: 0>} : vector<16xi32>
    %ge3A = arith.constant 0 : i32
    %ge3A_1 = vector.broadcast %ge3A : i32 to vector<16xi32>
    %ge3A_2 = arith.cmpi sge, %iota3A, %ge3A_1 : vector<16xi32>
    %convert_element_type3A = arith.extui %ge3A_2 : vector<16xi1> to vector<16xi32>
    tpu.enqueue_dma source(%arg4 : memref<20480xi32, #tpu.memory_space<hbm>>) target(%arg13 : memref<20480xi32, #tpu.memory_space<vmem>>) target_semaphore(%arg20 : memref<!tpu.dma_semaphore, #tpu.memory_space<semaphore_mem>>)
    %mul3A_3 = arith.constant 50000 : i32
    %mul3A_4 = arith.muli %add3A, %mul3A_3 : i32
    %add3A_5 = arith.constant 0 : i32
    %add3A_6 = arith.addi %mul3A_4, %add3A_5 : i32
    %dma_start3A = tpu.memref_slice %arg2[%add3A_6] : memref<1600000xf32, #tpu.memory_space<hbm>> -> memref<10000xf32, #tpu.memory_space<hbm>>
    %dma_start3A_7 = tpu.memref_slice %arg2[%add3A_6] : memref<1600000xf32, #tpu.memory_space<hbm>> -> memref<10000xf32, #tpu.memory_space<hbm>>
    tpu.enqueue_dma source(%dma_start3A_7 : memref<10000xf32, #tpu.memory_space<hbm>>) target(%arg7 : memref<10000xf32, #tpu.memory_space<vmem>>) target_semaphore(%arg14 : memref<!tpu.dma_semaphore, #tpu.memory_space<semaphore_mem>>)
    %mul3A_8 = arith.constant 50000 : i32
    %mul3A_9 = arith.muli %add3A, %mul3A_8 : i32
    %add3A_10 = arith.constant 0 : i32
    %add3A_11 = arith.addi %mul3A_9, %add3A_10 : i32
    %dma_start3A_12 = tpu.memref_slice %arg3[%add3A_11] : memref<1600000xf32, #tpu.memory_space<hbm>> -> memref<10000xf32, #tpu.memory_space<hbm>>
    %dma_start3A_13 = tpu.memref_slice %arg3[%add3A_11] : memref<1600000xf32, #tpu.memory_space<hbm>> -> memref<10000xf32, #tpu.memory_space<hbm>>
    tpu.enqueue_dma source(%dma_start3A_13 : memref<10000xf32, #tpu.memory_space<hbm>>) target(%arg8 : memref<10000xf32, #tpu.memory_space<vmem>>) target_semaphore(%arg15 : memref<!tpu.dma_semaphore, #tpu.memory_space<semaphore_mem>>)
    tpu.wait_dma2 semaphore(%arg20 : memref<!tpu.dma_semaphore, #tpu.memory_space<semaphore_mem>>) src(%arg4 : memref<20480xi32, #tpu.memory_space<hbm>>) dst(%arg13 : memref<20480xi32, #tpu.memory_space<vmem>>)
    %mul3A_14 = arith.constant 50000 : i32
    %mul3A_15 = arith.muli %add3A, %mul3A_14 : i32
    %add3A_16 = arith.constant 10000 : i32
    %add3A_17 = arith.addi %mul3A_15, %add3A_16 : i32
    %dma_start3A_18 = tpu.memref_slice %arg2[%add3A_17] : memref<1600000xf32, #tpu.memory_space<hbm>> -> memref<10000xf32, #tpu.memory_space<hbm>>
    %dma_start3A_19 = tpu.memref_slice %arg2[%add3A_17] : memref<1600000xf32, #tpu.memory_space<hbm>> -> memref<10000xf32, #tpu.memory_space<hbm>>
    tpu.enqueue_dma source(%dma_start3A_19 : memref<10000xf32, #tpu.memory_space<hbm>>) target(%arg10 : memref<10000xf32, #tpu.memory_space<vmem>>) target_semaphore(%arg17 : memref<!tpu.dma_semaphore, #tpu.memory_space<semaphore_mem>>)
    %mul3A_20 = arith.constant 50000 : i32
    %mul3A_21 = arith.muli %add3A, %mul3A_20 : i32
    %add3A_22 = arith.constant 10000 : i32
    %add3A_23 = arith.addi %mul3A_21, %add3A_22 : i32
    %dma_start3A_24 = tpu.memref_slice %arg3[%add3A_23] : memref<1600000xf32, #tpu.memory_space<hbm>> -> memref<10000xf32, #tpu.memory_space<hbm>>
    %dma_start3A_25 = tpu.memref_slice %arg3[%add3A_23] : memref<1600000xf32, #tpu.memory_space<hbm>> -> memref<10000xf32, #tpu.memory_space<hbm>>
    tpu.enqueue_dma source(%dma_start3A_25 : memref<10000xf32, #tpu.memory_space<hbm>>) target(%arg11 : memref<10000xf32, #tpu.memory_space<vmem>>) target_semaphore(%arg18 : memref<!tpu.dma_semaphore, #tpu.memory_space<semaphore_mem>>)
    %dma_wait3A = tpu.memref_slice %arg2[%add3A_6] : memref<1600000xf32, #tpu.memory_space<hbm>> -> memref<10000xf32, #tpu.memory_space<hbm>>
    %dma_wait3A_26 = tpu.memref_slice %arg2[%add3A_6] : memref<1600000xf32, #tpu.memory_space<hbm>> -> memref<10000xf32, #tpu.memory_space<hbm>>
    tpu.wait_dma2 semaphore(%arg14 : memref<!tpu.dma_semaphore, #tpu.memory_space<semaphore_mem>>) src(%dma_wait3A_26 : memref<10000xf32, #tpu.memory_space<hbm>>) dst(%arg7 : memref<10000xf32, #tpu.memory_space<vmem>>)
    %dma_wait3A_27 = tpu.memref_slice %arg3[%add3A_11] : memref<1600000xf32, #tpu.memory_space<hbm>> -> memref<10000xf32, #tpu.memory_space<hbm>>
    %dma_wait3A_28 = tpu.memref_slice %arg3[%add3A_11] : memref<1600000xf32, #tpu.memory_space<hbm>> -> memref<10000xf32, #tpu.memory_space<hbm>>
    tpu.wait_dma2 semaphore(%arg15 : memref<!tpu.dma_semaphore, #tpu.memory_space<semaphore_mem>>) src(%dma_wait3A_28 : memref<10000xf32, #tpu.memory_space<hbm>>) dst(%arg8 : memref<10000xf32, #tpu.memory_space<vmem>>)
    %scan3A = arith.constant 0 : i32
    %scan3A_29 = arith.constant 0 : i32
    %scan3A_30 = arith.constant 125 : i32
    %scan3A_31 = arith.addi %scan3A_29, %scan3A_30 : i32
    %scan3A_32 = arith.constant 1 : i32
    %scan3A_33 = scf.for %scan3A_155 = %scan3A_29 to %scan3A_31 step %scan3A_32 iter_args(%scan3A_156 = %scan3A) -> (i32)  : i32 {
      %mul3A_157 = arith.constant 5 : i32
      %mul3A_158 = arith.muli %scan3A_155, %mul3A_157 : i32
      %add3A_159 = arith.constant 0 : i32
      %add3A_160 = arith.addi %mul3A_158, %add3A_159 : i32
      %mul3A_161 = arith.constant 16 : i32
      %mul3A_162 = arith.muli %add3A_160, %mul3A_161 : i32
      %get3A = arith.index_cast %mul3A_162 : i32 to index
      %get3A_163 = tpu.vector_load %arg7[%get3A] {strides = array<i32>} : memref<10000xf32, #tpu.memory_space<vmem>>, vector<16xf32>,
      %get3A_164 = arith.index_cast %mul3A_162 : i32 to index
      %get3A_165 = tpu.vector_load %arg8[%get3A_164] {strides = array<i32>} : memref<10000xf32, #tpu.memory_space<vmem>>, vector<16xf32>,
      %add3A_166 = arith.addf %get3A_163, %get3A_165 : vector<16xf32>
      %bitcast3A = vector.bitcast %add3A_166 : vector<16xf32> to vector<16xi32>
      %shift_right_arithmetic3A = arith.constant 31 : i32
      %shift_right_arithmetic3A_167 = vector.broadcast %shift_right_arithmetic3A : i32 to vector<16xi32>
      %shift_right_arithmetic3A_168 = arith.shrsi %bitcast3A, %shift_right_arithmetic3A_167 : vector<16xi32>
      %and3A = arith.constant 2147483647 : i32
      %and3A_169 = vector.broadcast %and3A : i32 to vector<16xi32>
      %and3A_170 = arith.andi %shift_right_arithmetic3A_168, %and3A_169 : vector<16xi32>
      %xor3A = arith.xori %bitcast3A, %and3A_170 : vector<16xi32>
      %swap3A = arith.index_cast %mul3A_162 : i32 to index
      %swap3A_171 = tpu.vector_load %arg9[%swap3A] {strides = array<i32>} : memref<10000xi32, #tpu.memory_space<vmem>>, vector<16xi32>,
      tpu.vector_store %arg9[%swap3A], %xor3A {strides = array<i32>} : memref<10000xi32, #tpu.memory_space<vmem>>, vector<16xi32>,
      %shift_right_arithmetic3A_172 = arith.constant 20 : i32
      %shift_right_arithmetic3A_173 = vector.broadcast %shift_right_arithmetic3A_172 : i32 to vector<16xi32>
      %shift_right_arithmetic3A_174 = arith.shrsi %xor3A, %shift_right_arithmetic3A_173 : vector<16xi32>
      %add3A_175 = arith.constant 2048 : i32
      %add3A_176 = vector.broadcast %add3A_175 : i32 to vector<16xi32>
      %add3A_177 = arith.addi %shift_right_arithmetic3A_174, %add3A_176 : vector<16xi32>
      tpu.vector_store_idx %arg13[%add3A_177], %convert_element_type3A {add = true} : memref<20480xi32, #tpu.memory_space<vmem>>[vector<16xi32>], vector<16xi32>,
      %mul3A_178 = arith.constant 5 : i32
      %mul3A_179 = arith.muli %scan3A_155, %mul3A_178 : i32
      %add3A_180 = arith.constant 1 : i32
      %add3A_181 = arith.addi %mul3A_179, %add3A_180 : i32
      %mul3A_182 = arith.constant 16 : i32
      %mul3A_183 = arith.muli %add3A_181, %mul3A_182 : i32
      %get3A_184 = arith.index_cast %mul3A_183 : i32 to index
      %get3A_185 = tpu.vector_load %arg7[%get3A_184] {strides = array<i32>} : memref<10000xf32, #tpu.memory_space<vmem>>, vector<16xf32>,
      %get3A_186 = arith.index_cast %mul3A_183 : i32 to index
      %get3A_187 = tpu.vector_load %arg8[%get3A_186] {strides = array<i32>} : memref<10000xf32, #tpu.memory_space<vmem>>, vector<16xf32>,
      %add3A_188 = arith.addf %get3A_185, %get3A_187 : vector<16xf32>
      %bitcast3A_189 = vector.bitcast %add3A_188 : vector<16xf32> to vector<16xi32>
      %shift_right_arithmetic3A_190 = arith.constant 31 : i32
      %shift_right_arithmetic3A_191 = vector.broadcast %shift_right_arithmetic3A_190 : i32 to vector<16xi32>
      %shift_right_arithmetic3A_192 = arith.shrsi %bitcast3A_189, %shift_right_arithmetic3A_191 : vector<16xi32>
      %and3A_193 = arith.constant 2147483647 : i32
      %and3A_194 = vector.broadcast %and3A_193 : i32 to vector<16xi32>
      %and3A_195 = arith.andi %shift_right_arithmetic3A_192, %and3A_194 : vector<16xi32>
      %xor3A_196 = arith.xori %bitcast3A_189, %and3A_195 : vector<16xi32>
      %swap3A_197 = arith.index_cast %mul3A_183 : i32 to index
      %swap3A_198 = tpu.vector_load %arg9[%swap3A_197] {strides = array<i32>} : memref<10000xi32, #tpu.memory_space<vmem>>, vector<16xi32>,
      tpu.vector_store %arg9[%swap3A_197], %xor3A_196 {strides = array<i32>} : memref<10000xi32, #tpu.memory_space<vmem>>, vector<16xi32>,
      %shift_right_arithmetic3A_199 = arith.constant 20 : i32
      %shift_right_arithmetic3A_200 = vector.broadcast %shift_right_arithmetic3A_199 : i32 to vector<16xi32>
      %shift_right_arithmetic3A_201 = arith.shrsi %xor3A_196, %shift_right_arithmetic3A_200 : vector<16xi32>
      %add3A_202 = arith.constant 6144 : i32
      %add3A_203 = vector.broadcast %add3A_202 : i32 to vector<16xi32>
      %add3A_204 = arith.addi %shift_right_arithmetic3A_201, %add3A_203 : vector<16xi32>
      tpu.vector_store_idx %arg13[%add3A_204], %convert_element_type3A {add = true} : memref<20480xi32, #tpu.memory_space<vmem>>[vector<16xi32>], vector<16xi32>,
      %mul3A_205 = arith.constant 5 : i32
      %mul3A_206 = arith.muli %scan3A_155, %mul3A_205 : i32
      %add3A_207 = arith.constant 2 : i32
      %add3A_208 = arith.addi %mul3A_206, %add3A_207 : i32
      %mul3A_209 = arith.constant 16 : i32
      %mul3A_210 = arith.muli %add3A_208, %mul3A_209 : i32
      %get3A_211 = arith.index_cast %mul3A_210 : i32 to index
      %get3A_212 = tpu.vector_load %arg7[%get3A_211] {strides = array<i32>} : memref<10000xf32, #tpu.memory_space<vmem>>, vector<16xf32>,
      %get3A_213 = arith.index_cast %mul3A_210 : i32 to index
      %get3A_214 = tpu.vector_load %arg8[%get3A_213] {strides = array<i32>} : memref<10000xf32, #tpu.memory_space<vmem>>, vector<16xf32>,
      %add3A_215 = arith.addf %get3A_212, %get3A_214 : vector<16xf32>
      %bitcast3A_216 = vector.bitcast %add3A_215 : vector<16xf32> to vector<16xi32>
      %shift_right_arithmetic3A_217 = arith.constant 31 : i32
      %shift_right_arithmetic3A_218 = vector.broadcast %shift_right_arithmetic3A_217 : i32 to vector<16xi32>
      %shift_right_arithmetic3A_219 = arith.shrsi %bitcast3A_216, %shift_right_arithmetic3A_218 : vector<16xi32>
      %and3A_220 = arith.constant 2147483647 : i32
      %and3A_221 = vector.broadcast %and3A_220 : i32 to vector<16xi32>
      %and3A_222 = arith.andi %shift_right_arithmetic3A_219, %and3A_221 : vector<16xi32>
      %xor3A_223 = arith.xori %bitcast3A_216, %and3A_222 : vector<16xi32>
      %swap3A_224 = arith.index_cast %mul3A_210 : i32 to index
      %swap3A_225 = tpu.vector_load %arg9[%swap3A_224] {strides = array<i32>} : memref<10000xi32, #tpu.memory_space<vmem>>, vector<16xi32>,
      tpu.vector_store %arg9[%swap3A_224], %xor3A_223 {strides = array<i32>} : memref<10000xi32, #tpu.memory_space<vmem>>, vector<16xi32>,
      %shift_right_arithmetic3A_226 = arith.constant 20 : i32
      %shift_right_arithmetic3A_227 = vector.broadcast %shift_right_arithmetic3A_226 : i32 to vector<16xi32>
      %shift_right_arithmetic3A_228 = arith.shrsi %xor3A_223, %shift_right_arithmetic3A_227 : vector<16xi32>
      %add3A_229 = arith.constant 10240 : i32
      %add3A_230 = vector.broadcast %add3A_229 : i32 to vector<16xi32>
      %add3A_231 = arith.addi %shift_right_arithmetic3A_228, %add3A_230 : vector<16xi32>
      tpu.vector_store_idx %arg13[%add3A_231], %convert_element_type3A {add = true} : memref<20480xi32, #tpu.memory_space<vmem>>[vector<16xi32>], vector<16xi32>,
      %mul3A_232 = arith.constant 5 : i32
      %mul3A_233 = arith.muli %scan3A_155, %mul3A_232 : i32
      %add3A_234 = arith.constant 3 : i32
      %add3A_235 = arith.addi %mul3A_233, %add3A_234 : i32
      %mul3A_236 = arith.constant 16 : i32
      %mul3A_237 = arith.muli %add3A_235, %mul3A_236 : i32
      %get3A_238 = arith.index_cast %mul3A_237 : i32 to index
      %get3A_239 = tpu.vector_load %arg7[%get3A_238] {strides = array<i32>} : memref<10000xf32, #tpu.memory_space<vmem>>, vector<16xf32>,
      %get3A_240 = arith.index_cast %mul3A_237 : i32 to index
      %get3A_241 = tpu.vector_load %arg8[%get3A_240] {strides = array<i32>} : memref<10000xf32, #tpu.memory_space<vmem>>, vector<16xf32>,
      %add3A_242 = arith.addf %get3A_239, %get3A_241 : vector<16xf32>
      %bitcast3A_243 = vector.bitcast %add3A_242 : vector<16xf32> to vector<16xi32>
      %shift_right_arithmetic3A_244 = arith.constant 31 : i32
      %shift_right_arithmetic3A_245 = vector.broadcast %shift_right_arithmetic3A_244 : i32 to vector<16xi32>
      %shift_right_arithmetic3A_246 = arith.shrsi %bitcast3A_243, %shift_right_arithmetic3A_245 : vector<16xi32>
      %and3A_247 = arith.constant 2147483647 : i32
      %and3A_248 = vector.broadcast %and3A_247 : i32 to vector<16xi32>
      %and3A_249 = arith.andi %shift_right_arithmetic3A_246, %and3A_248 : vector<16xi32>
      %xor3A_250 = arith.xori %bitcast3A_243, %and3A_249 : vector<16xi32>
      %swap3A_251 = arith.index_cast %mul3A_237 : i32 to index
      %swap3A_252 = tpu.vector_load %arg9[%swap3A_251] {strides = array<i32>} : memref<10000xi32, #tpu.memory_space<vmem>>, vector<16xi32>,
      tpu.vector_store %arg9[%swap3A_251], %xor3A_250 {strides = array<i32>} : memref<10000xi32, #tpu.memory_space<vmem>>, vector<16xi32>,
      %shift_right_arithmetic3A_253 = arith.constant 20 : i32
      %shift_right_arithmetic3A_254 = vector.broadcast %shift_right_arithmetic3A_253 : i32 to vector<16xi32>
      %shift_right_arithmetic3A_255 = arith.shrsi %xor3A_250, %shift_right_arithmetic3A_254 : vector<16xi32>
      %add3A_256 = arith.constant 14336 : i32
      %add3A_257 = vector.broadcast %add3A_256 : i32 to vector<16xi32>
      %add3A_258 = arith.addi %shift_right_arithmetic3A_255, %add3A_257 : vector<16xi32>
      tpu.vector_store_idx %arg13[%add3A_258], %convert_element_type3A {add = true} : memref<20480xi32, #tpu.memory_space<vmem>>[vector<16xi32>], vector<16xi32>,
      %mul3A_259 = arith.constant 5 : i32
      %mul3A_260 = arith.muli %scan3A_155, %mul3A_259 : i32
      %add3A_261 = arith.constant 4 : i32
      %add3A_262 = arith.addi %mul3A_260, %add3A_261 : i32
      %mul3A_263 = arith.constant 16 : i32
      %mul3A_264 = arith.muli %add3A_262, %mul3A_263 : i32
      %get3A_265 = arith.index_cast %mul3A_264 : i32 to index
      %get3A_266 = tpu.vector_load %arg7[%get3A_265] {strides = array<i32>} : memref<10000xf32, #tpu.memory_space<vmem>>, vector<16xf32>,
      %get3A_267 = arith.index_cast %mul3A_264 : i32 to index
      %get3A_268 = tpu.vector_load %arg8[%get3A_267] {strides = array<i32>} : memref<10000xf32, #tpu.memory_space<vmem>>, vector<16xf32>,
      %add3A_269 = arith.addf %get3A_266, %get3A_268 : vector<16xf32>
      %bitcast3A_270 = vector.bitcast %add3A_269 : vector<16xf32> to vector<16xi32>
      %shift_right_arithmetic3A_271 = arith.constant 31 : i32
      %shift_right_arithmetic3A_272 = vector.broadcast %shift_right_arithmetic3A_271 : i32 to vector<16xi32>
      %shift_right_arithmetic3A_273 = arith.shrsi %bitcast3A_270, %shift_right_arithmetic3A_272 : vector<16xi32>
      %and3A_274 = arith.constant 2147483647 : i32
      %and3A_275 = vector.broadcast %and3A_274 : i32 to vector<16xi32>
      %and3A_276 = arith.andi %shift_right_arithmetic3A_273, %and3A_275 : vector<16xi32>
      %xor3A_277 = arith.xori %bitcast3A_270, %and3A_276 : vector<16xi32>
      %swap3A_278 = arith.index_cast %mul3A_264 : i32 to index
      %swap3A_279 = tpu.vector_load %arg9[%swap3A_278] {strides = array<i32>} : memref<10000xi32, #tpu.memory_space<vmem>>, vector<16xi32>,
      tpu.vector_store %arg9[%swap3A_278], %xor3A_277 {strides = array<i32>} : memref<10000xi32, #tpu.memory_space<vmem>>, vector<16xi32>,
      %shift_right_arithmetic3A_280 = arith.constant 20 : i32
      %shift_right_arithmetic3A_281 = vector.broadcast %shift_right_arithmetic3A_280 : i32 to vector<16xi32>
      %shift_right_arithmetic3A_282 = arith.shrsi %xor3A_277, %shift_right_arithmetic3A_281 : vector<16xi32>
      %add3A_283 = arith.constant 18432 : i32
      %add3A_284 = vector.broadcast %add3A_283 : i32 to vector<16xi32>
      %add3A_285 = arith.addi %shift_right_arithmetic3A_282, %add3A_284 : vector<16xi32>
      tpu.vector_store_idx %arg13[%add3A_285], %convert_element_type3A {add = true} : memref<20480xi32, #tpu.memory_space<vmem>>[vector<16xi32>], vector<16xi32>,
      %scan3A_286 = arith.constant 0 : i32
      scf.yield %scan3A_286 : i32
    }
    %scan3A_34 = arith.constant 125 : i32
    %mul3A_35 = arith.constant 50000 : i32
    %mul3A_36 = arith.muli %add3A, %mul3A_35 : i32
    %add3A_37 = arith.constant 0 : i32
    %add3A_38 = arith.addi %mul3A_36, %add3A_37 : i32
    %dma_start3A_39 = tpu.memref_slice %arg5[%add3A_38] : memref<1600000xi32, #tpu.memory_space<hbm>> -> memref<10000xi32, #tpu.memory_space<hbm>>
    %dma_start3A_40 = tpu.memref_slice %arg5[%add3A_38] : memref<1600000xi32, #tpu.memory_space<hbm>> -> memref<10000xi32, #tpu.memory_space<hbm>>
    tpu.enqueue_dma source(%arg9 : memref<10000xi32, #tpu.memory_space<vmem>>) target(%dma_start3A_40 : memref<10000xi32, #tpu.memory_space<hbm>>) target_semaphore(%arg16 : memref<!tpu.dma_semaphore, #tpu.memory_space<semaphore_mem>>)
    %mul3A_41 = arith.constant 50000 : i32
    %mul3A_42 = arith.muli %add3A, %mul3A_41 : i32
    %add3A_43 = arith.constant 20000 : i32
    %add3A_44 = arith.addi %mul3A_42, %add3A_43 : i32
    %dma_start3A_45 = tpu.memref_slice %arg2[%add3A_44] : memref<1600000xf32, #tpu.memory_space<hbm>> -> memref<10000xf32, #tpu.memory_space<hbm>>
    %dma_start3A_46 = tpu.memref_slice %arg2[%add3A_44] : memref<1600000xf32, #tpu.memory_space<hbm>> -> memref<10000xf32, #tpu.memory_space<hbm>>
    tpu.enqueue_dma source(%dma_start3A_46 : memref<10000xf32, #tpu.memory_space<hbm>>) target(%arg7 : memref<10000xf32, #tpu.memory_space<vmem>>) target_semaphore(%arg14 : memref<!tpu.dma_semaphore, #tpu.memory_space<semaphore_mem>>)
    %mul3A_47 = arith.constant 50000 : i32
    %mul3A_48 = arith.muli %add3A, %mul3A_47 : i32
    %add3A_49 = arith.constant 20000 : i32
    %add3A_50 = arith.addi %mul3A_48, %add3A_49 : i32
    %dma_start3A_51 = tpu.memref_slice %arg3[%add3A_50] : memref<1600000xf32, #tpu.memory_space<hbm>> -> memref<10000xf32, #tpu.memory_space<hbm>>
    %dma_start3A_52 = tpu.memref_slice %arg3[%add3A_50] : memref<1600000xf32, #tpu.memory_space<hbm>> -> memref<10000xf32, #tpu.memory_space<hbm>>
    tpu.enqueue_dma source(%dma_start3A_52 : memref<10000xf32, #tpu.memory_space<hbm>>) target(%arg8 : memref<10000xf32, #tpu.memory_space<vmem>>) target_semaphore(%arg15 : memref<!tpu.dma_semaphore, #tpu.memory_space<semaphore_mem>>)
    %dma_wait3A_53 = tpu.memref_slice %arg2[%add3A_17] : memref<1600000xf32, #tpu.memory_space<hbm>> -> memref<10000xf32, #tpu.memory_space<hbm>>
    %dma_wait3A_54 = tpu.memref_slice %arg2[%add3A_17] : memref<1600000xf32, #tpu.memory_space<hbm>> -> memref<10000xf32, #tpu.memory_space<hbm>>
    tpu.wait_dma2 semaphore(%arg17 : memref<!tpu.dma_semaphore, #tpu.memory_space<semaphore_mem>>) src(%dma_wait3A_54 : memref<10000xf32, #tpu.memory_space<hbm>>) dst(%arg10 : memref<10000xf32, #tpu.memory_space<vmem>>)
    %dma_wait3A_55 = tpu.memref_slice %arg3[%add3A_23] : memref<1600000xf32, #tpu.memory_space<hbm>> -> memref<10000xf32, #tpu.memory_space<hbm>>
    %dma_wait3A_56 = tpu.memref_slice %arg3[%add3A_23] : memref<1600000xf32, #tpu.memory_space<hbm>> -> memref<10000xf32, #tpu.memory_space<hbm>>
    tpu.wait_dma2 semaphore(%arg18 : memref<!tpu.dma_semaphore, #tpu.memory_space<semaphore_mem>>) src(%dma_wait3A_56 : memref<10000xf32, #tpu.memory_space<hbm>>) dst(%arg11 : memref<10000xf32, #tpu.memory_space<vmem>>)
    %scan3A_57 = arith.constant 0 : i32
    %scan3A_58 = arith.constant 0 : i32
    %scan3A_59 = arith.constant 125 : i32
    %scan3A_60 = arith.addi %scan3A_58, %scan3A_59 : i32
    %scan3A_61 = arith.constant 1 : i32
    %scan3A_62 = scf.for %scan3A_155 = %scan3A_58 to %scan3A_60 step %scan3A_61 iter_args(%scan3A_156 = %scan3A_57) -> (i32)  : i32 {
      %mul3A_157 = arith.constant 5 : i32
      %mul3A_158 = arith.muli %scan3A_155, %mul3A_157 : i32
      %add3A_159 = arith.constant 0 : i32
      %add3A_160 = arith.addi %mul3A_158, %add3A_159 : i32
      %mul3A_161 = arith.constant 16 : i32
      %mul3A_162 = arith.muli %add3A_160, %mul3A_161 : i32
      %get3A = arith.index_cast %mul3A_162 : i32 to index
      %get3A_163 = tpu.vector_load %arg10[%get3A] {strides = array<i32>} : memref<10000xf32, #tpu.memory_space<vmem>>, vector<16xf32>,
      %get3A_164 = arith.index_cast %mul3A_162 : i32 to index
      %get3A_165 = tpu.vector_load %arg11[%get3A_164] {strides = array<i32>} : memref<10000xf32, #tpu.memory_space<vmem>>, vector<16xf32>,
      %add3A_166 = arith.addf %get3A_163, %get3A_165 : vector<16xf32>
      %bitcast3A = vector.bitcast %add3A_166 : vector<16xf32> to vector<16xi32>
      %shift_right_arithmetic3A = arith.constant 31 : i32
      %shift_right_arithmetic3A_167 = vector.broadcast %shift_right_arithmetic3A : i32 to vector<16xi32>
      %shift_right_arithmetic3A_168 = arith.shrsi %bitcast3A, %shift_right_arithmetic3A_167 : vector<16xi32>
      %and3A = arith.constant 2147483647 : i32
      %and3A_169 = vector.broadcast %and3A : i32 to vector<16xi32>
      %and3A_170 = arith.andi %shift_right_arithmetic3A_168, %and3A_169 : vector<16xi32>
      %xor3A = arith.xori %bitcast3A, %and3A_170 : vector<16xi32>
      %swap3A = arith.index_cast %mul3A_162 : i32 to index
      %swap3A_171 = tpu.vector_load %arg12[%swap3A] {strides = array<i32>} : memref<10000xi32, #tpu.memory_space<vmem>>, vector<16xi32>,
      tpu.vector_store %arg12[%swap3A], %xor3A {strides = array<i32>} : memref<10000xi32, #tpu.memory_space<vmem>>, vector<16xi32>,
      %shift_right_arithmetic3A_172 = arith.constant 20 : i32
      %shift_right_arithmetic3A_173 = vector.broadcast %shift_right_arithmetic3A_172 : i32 to vector<16xi32>
      %shift_right_arithmetic3A_174 = arith.shrsi %xor3A, %shift_right_arithmetic3A_173 : vector<16xi32>
      %add3A_175 = arith.constant 2048 : i32
      %add3A_176 = vector.broadcast %add3A_175 : i32 to vector<16xi32>
      %add3A_177 = arith.addi %shift_right_arithmetic3A_174, %add3A_176 : vector<16xi32>
      tpu.vector_store_idx %arg13[%add3A_177], %convert_element_type3A {add = true} : memref<20480xi32, #tpu.memory_space<vmem>>[vector<16xi32>], vector<16xi32>,
      %mul3A_178 = arith.constant 5 : i32
      %mul3A_179 = arith.muli %scan3A_155, %mul3A_178 : i32
      %add3A_180 = arith.constant 1 : i32
      %add3A_181 = arith.addi %mul3A_179, %add3A_180 : i32
      %mul3A_182 = arith.constant 16 : i32
      %mul3A_183 = arith.muli %add3A_181, %mul3A_182 : i32
      %get3A_184 = arith.index_cast %mul3A_183 : i32 to index
      %get3A_185 = tpu.vector_load %arg10[%get3A_184] {strides = array<i32>} : memref<10000xf32, #tpu.memory_space<vmem>>, vector<16xf32>,
      %get3A_186 = arith.index_cast %mul3A_183 : i32 to index
      %get3A_187 = tpu.vector_load %arg11[%get3A_186] {strides = array<i32>} : memref<10000xf32, #tpu.memory_space<vmem>>, vector<16xf32>,
      %add3A_188 = arith.addf %get3A_185, %get3A_187 : vector<16xf32>
      %bitcast3A_189 = vector.bitcast %add3A_188 : vector<16xf32> to vector<16xi32>
      %shift_right_arithmetic3A_190 = arith.constant 31 : i32
      %shift_right_arithmetic3A_191 = vector.broadcast %shift_right_arithmetic3A_190 : i32 to vector<16xi32>
      %shift_right_arithmetic3A_192 = arith.shrsi %bitcast3A_189, %shift_right_arithmetic3A_191 : vector<16xi32>
      %and3A_193 = arith.constant 2147483647 : i32
      %and3A_194 = vector.broadcast %and3A_193 : i32 to vector<16xi32>
      %and3A_195 = arith.andi %shift_right_arithmetic3A_192, %and3A_194 : vector<16xi32>
      %xor3A_196 = arith.xori %bitcast3A_189, %and3A_195 : vector<16xi32>
      %swap3A_197 = arith.index_cast %mul3A_183 : i32 to index
      %swap3A_198 = tpu.vector_load %arg12[%swap3A_197] {strides = array<i32>} : memref<10000xi32, #tpu.memory_space<vmem>>, vector<16xi32>,
      tpu.vector_store %arg12[%swap3A_197], %xor3A_196 {strides = array<i32>} : memref<10000xi32, #tpu.memory_space<vmem>>, vector<16xi32>,
      %shift_right_arithmetic3A_199 = arith.constant 20 : i32
      %shift_right_arithmetic3A_200 = vector.broadcast %shift_right_arithmetic3A_199 : i32 to vector<16xi32>
      %shift_right_arithmetic3A_201 = arith.shrsi %xor3A_196, %shift_right_arithmetic3A_200 : vector<16xi32>
      %add3A_202 = arith.constant 6144 : i32
      %add3A_203 = vector.broadcast %add3A_202 : i32 to vector<16xi32>
      %add3A_204 = arith.addi %shift_right_arithmetic3A_201, %add3A_203 : vector<16xi32>
      tpu.vector_store_idx %arg13[%add3A_204], %convert_element_type3A {add = true} : memref<20480xi32, #tpu.memory_space<vmem>>[vector<16xi32>], vector<16xi32>,
      %mul3A_205 = arith.constant 5 : i32
      %mul3A_206 = arith.muli %scan3A_155, %mul3A_205 : i32
      %add3A_207 = arith.constant 2 : i32
      %add3A_208 = arith.addi %mul3A_206, %add3A_207 : i32
      %mul3A_209 = arith.constant 16 : i32
      %mul3A_210 = arith.muli %add3A_208, %mul3A_209 : i32
      %get3A_211 = arith.index_cast %mul3A_210 : i32 to index
      %get3A_212 = tpu.vector_load %arg10[%get3A_211] {strides = array<i32>} : memref<10000xf32, #tpu.memory_space<vmem>>, vector<16xf32>,
      %get3A_213 = arith.index_cast %mul3A_210 : i32 to index
      %get3A_214 = tpu.vector_load %arg11[%get3A_213] {strides = array<i32>} : memref<10000xf32, #tpu.memory_space<vmem>>, vector<16xf32>,
      %add3A_215 = arith.addf %get3A_212, %get3A_214 : vector<16xf32>
      %bitcast3A_216 = vector.bitcast %add3A_215 : vector<16xf32> to vector<16xi32>
      %shift_right_arithmetic3A_217 = arith.constant 31 : i32
      %shift_right_arithmetic3A_218 = vector.broadcast %shift_right_arithmetic3A_217 : i32 to vector<16xi32>
      %shift_right_arithmetic3A_219 = arith.shrsi %bitcast3A_216, %shift_right_arithmetic3A_218 : vector<16xi32>
      %and3A_220 = arith.constant 2147483647 : i32
      %and3A_221 = vector.broadcast %and3A_220 : i32 to vector<16xi32>
      %and3A_222 = arith.andi %shift_right_arithmetic3A_219, %and3A_221 : vector<16xi32>
      %xor3A_223 = arith.xori %bitcast3A_216, %and3A_222 : vector<16xi32>
      %swap3A_224 = arith.index_cast %mul3A_210 : i32 to index
      %swap3A_225 = tpu.vector_load %arg12[%swap3A_224] {strides = array<i32>} : memref<10000xi32, #tpu.memory_space<vmem>>, vector<16xi32>,
      tpu.vector_store %arg12[%swap3A_224], %xor3A_223 {strides = array<i32>} : memref<10000xi32, #tpu.memory_space<vmem>>, vector<16xi32>,
      %shift_right_arithmetic3A_226 = arith.constant 20 : i32
      %shift_right_arithmetic3A_227 = vector.broadcast %shift_right_arithmetic3A_226 : i32 to vector<16xi32>
      %shift_right_arithmetic3A_228 = arith.shrsi %xor3A_223, %shift_right_arithmetic3A_227 : vector<16xi32>
      %add3A_229 = arith.constant 10240 : i32
      %add3A_230 = vector.broadcast %add3A_229 : i32 to vector<16xi32>
      %add3A_231 = arith.addi %shift_right_arithmetic3A_228, %add3A_230 : vector<16xi32>
      tpu.vector_store_idx %arg13[%add3A_231], %convert_element_type3A {add = true} : memref<20480xi32, #tpu.memory_space<vmem>>[vector<16xi32>], vector<16xi32>,
      %mul3A_232 = arith.constant 5 : i32
      %mul3A_233 = arith.muli %scan3A_155, %mul3A_232 : i32
      %add3A_234 = arith.constant 3 : i32
      %add3A_235 = arith.addi %mul3A_233, %add3A_234 : i32
      %mul3A_236 = arith.constant 16 : i32
      %mul3A_237 = arith.muli %add3A_235, %mul3A_236 : i32
      %get3A_238 = arith.index_cast %mul3A_237 : i32 to index
      %get3A_239 = tpu.vector_load %arg10[%get3A_238] {strides = array<i32>} : memref<10000xf32, #tpu.memory_space<vmem>>, vector<16xf32>,
      %get3A_240 = arith.index_cast %mul3A_237 : i32 to index
      %get3A_241 = tpu.vector_load %arg11[%get3A_240] {strides = array<i32>} : memref<10000xf32, #tpu.memory_space<vmem>>, vector<16xf32>,
      %add3A_242 = arith.addf %get3A_239, %get3A_241 : vector<16xf32>
      %bitcast3A_243 = vector.bitcast %add3A_242 : vector<16xf32> to vector<16xi32>
      %shift_right_arithmetic3A_244 = arith.constant 31 : i32
      %shift_right_arithmetic3A_245 = vector.broadcast %shift_right_arithmetic3A_244 : i32 to vector<16xi32>
      %shift_right_arithmetic3A_246 = arith.shrsi %bitcast3A_243, %shift_right_arithmetic3A_245 : vector<16xi32>
      %and3A_247 = arith.constant 2147483647 : i32
      %and3A_248 = vector.broadcast %and3A_247 : i32 to vector<16xi32>
      %and3A_249 = arith.andi %shift_right_arithmetic3A_246, %and3A_248 : vector<16xi32>
      %xor3A_250 = arith.xori %bitcast3A_243, %and3A_249 : vector<16xi32>
      %swap3A_251 = arith.index_cast %mul3A_237 : i32 to index
      %swap3A_252 = tpu.vector_load %arg12[%swap3A_251] {strides = array<i32>} : memref<10000xi32, #tpu.memory_space<vmem>>, vector<16xi32>,
      tpu.vector_store %arg12[%swap3A_251], %xor3A_250 {strides = array<i32>} : memref<10000xi32, #tpu.memory_space<vmem>>, vector<16xi32>,
      %shift_right_arithmetic3A_253 = arith.constant 20 : i32
      %shift_right_arithmetic3A_254 = vector.broadcast %shift_right_arithmetic3A_253 : i32 to vector<16xi32>
      %shift_right_arithmetic3A_255 = arith.shrsi %xor3A_250, %shift_right_arithmetic3A_254 : vector<16xi32>
      %add3A_256 = arith.constant 14336 : i32
      %add3A_257 = vector.broadcast %add3A_256 : i32 to vector<16xi32>
      %add3A_258 = arith.addi %shift_right_arithmetic3A_255, %add3A_257 : vector<16xi32>
      tpu.vector_store_idx %arg13[%add3A_258], %convert_element_type3A {add = true} : memref<20480xi32, #tpu.memory_space<vmem>>[vector<16xi32>], vector<16xi32>,
      %mul3A_259 = arith.constant 5 : i32
      %mul3A_260 = arith.muli %scan3A_155, %mul3A_259 : i32
      %add3A_261 = arith.constant 4 : i32
      %add3A_262 = arith.addi %mul3A_260, %add3A_261 : i32
      %mul3A_263 = arith.constant 16 : i32
      %mul3A_264 = arith.muli %add3A_262, %mul3A_263 : i32
      %get3A_265 = arith.index_cast %mul3A_264 : i32 to index
      %get3A_266 = tpu.vector_load %arg10[%get3A_265] {strides = array<i32>} : memref<10000xf32, #tpu.memory_space<vmem>>, vector<16xf32>,
      %get3A_267 = arith.index_cast %mul3A_264 : i32 to index
      %get3A_268 = tpu.vector_load %arg11[%get3A_267] {strides = array<i32>} : memref<10000xf32, #tpu.memory_space<vmem>>, vector<16xf32>,
      %add3A_269 = arith.addf %get3A_266, %get3A_268 : vector<16xf32>
      %bitcast3A_270 = vector.bitcast %add3A_269 : vector<16xf32> to vector<16xi32>
      %shift_right_arithmetic3A_271 = arith.constant 31 : i32
      %shift_right_arithmetic3A_272 = vector.broadcast %shift_right_arithmetic3A_271 : i32 to vector<16xi32>
      %shift_right_arithmetic3A_273 = arith.shrsi %bitcast3A_270, %shift_right_arithmetic3A_272 : vector<16xi32>
      %and3A_274 = arith.constant 2147483647 : i32
      %and3A_275 = vector.broadcast %and3A_274 : i32 to vector<16xi32>
      %and3A_276 = arith.andi %shift_right_arithmetic3A_273, %and3A_275 : vector<16xi32>
      %xor3A_277 = arith.xori %bitcast3A_270, %and3A_276 : vector<16xi32>
      %swap3A_278 = arith.index_cast %mul3A_264 : i32 to index
      %swap3A_279 = tpu.vector_load %arg12[%swap3A_278] {strides = array<i32>} : memref<10000xi32, #tpu.memory_space<vmem>>, vector<16xi32>,
      tpu.vector_store %arg12[%swap3A_278], %xor3A_277 {strides = array<i32>} : memref<10000xi32, #tpu.memory_space<vmem>>, vector<16xi32>,
      %shift_right_arithmetic3A_280 = arith.constant 20 : i32
      %shift_right_arithmetic3A_281 = vector.broadcast %shift_right_arithmetic3A_280 : i32 to vector<16xi32>
      %shift_right_arithmetic3A_282 = arith.shrsi %xor3A_277, %shift_right_arithmetic3A_281 : vector<16xi32>
      %add3A_283 = arith.constant 18432 : i32
      %add3A_284 = vector.broadcast %add3A_283 : i32 to vector<16xi32>
      %add3A_285 = arith.addi %shift_right_arithmetic3A_282, %add3A_284 : vector<16xi32>
      tpu.vector_store_idx %arg13[%add3A_285], %convert_element_type3A {add = true} : memref<20480xi32, #tpu.memory_space<vmem>>[vector<16xi32>], vector<16xi32>,
      %scan3A_286 = arith.constant 0 : i32
      scf.yield %scan3A_286 : i32
    }
    %scan3A_63 = arith.constant 125 : i32
    %mul3A_64 = arith.constant 50000 : i32
    %mul3A_65 = arith.muli %add3A, %mul3A_64 : i32
    %add3A_66 = arith.constant 10000 : i32
    %add3A_67 = arith.addi %mul3A_65, %add3A_66 : i32
    %dma_start3A_68 = tpu.memref_slice %arg5[%add3A_67] : memref<1600000xi32, #tpu.memory_space<hbm>> -> memref<10000xi32, #tpu.memory_space<hbm>>
    %dma_start3A_69 = tpu.memref_slice %arg5[%add3A_67] : memref<1600000xi32, #tpu.memory_space<hbm>> -> memref<10000xi32, #tpu.memory_space<hbm>>
    tpu.enqueue_dma source(%arg12 : memref<10000xi32, #tpu.memory_space<vmem>>) target(%dma_start3A_69 : memref<10000xi32, #tpu.memory_space<hbm>>) target_semaphore(%arg19 : memref<!tpu.dma_semaphore, #tpu.memory_space<semaphore_mem>>)
    %mul3A_70 = arith.constant 50000 : i32
    %mul3A_71 = arith.muli %add3A, %mul3A_70 : i32
    %add3A_72 = arith.constant 30000 : i32
    %add3A_73 = arith.addi %mul3A_71, %add3A_72 : i32
    %dma_start3A_74 = tpu.memref_slice %arg2[%add3A_73] : memref<1600000xf32, #tpu.memory_space<hbm>> -> memref<10000xf32, #tpu.memory_space<hbm>>
    %dma_start3A_75 = tpu.memref_slice %arg2[%add3A_73] : memref<1600000xf32, #tpu.memory_space<hbm>> -> memref<10000xf32, #tpu.memory_space<hbm>>
    tpu.enqueue_dma source(%dma_start3A_75 : memref<10000xf32, #tpu.memory_space<hbm>>) target(%arg10 : memref<10000xf32, #tpu.memory_space<vmem>>) target_semaphore(%arg17 : memref<!tpu.dma_semaphore, #tpu.memory_space<semaphore_mem>>)
    %mul3A_76 = arith.constant 50000 : i32
    %mul3A_77 = arith.muli %add3A, %mul3A_76 : i32
    %add3A_78 = arith.constant 30000 : i32
    %add3A_79 = arith.addi %mul3A_77, %add3A_78 : i32
    %dma_start3A_80 = tpu.memref_slice %arg3[%add3A_79] : memref<1600000xf32, #tpu.memory_space<hbm>> -> memref<10000xf32, #tpu.memory_space<hbm>>
    %dma_start3A_81 = tpu.memref_slice %arg3[%add3A_79] : memref<1600000xf32, #tpu.memory_space<hbm>> -> memref<10000xf32, #tpu.memory_space<hbm>>
    tpu.enqueue_dma source(%dma_start3A_81 : memref<10000xf32, #tpu.memory_space<hbm>>) target(%arg11 : memref<10000xf32, #tpu.memory_space<vmem>>) target_semaphore(%arg18 : memref<!tpu.dma_semaphore, #tpu.memory_space<semaphore_mem>>)
    %dma_wait3A_82 = tpu.memref_slice %arg2[%add3A_44] : memref<1600000xf32, #tpu.memory_space<hbm>> -> memref<10000xf32, #tpu.memory_space<hbm>>
    %dma_wait3A_83 = tpu.memref_slice %arg2[%add3A_44] : memref<1600000xf32, #tpu.memory_space<hbm>> -> memref<10000xf32, #tpu.memory_space<hbm>>
    tpu.wait_dma2 semaphore(%arg14 : memref<!tpu.dma_semaphore, #tpu.memory_space<semaphore_mem>>) src(%dma_wait3A_83 : memref<10000xf32, #tpu.memory_space<hbm>>) dst(%arg7 : memref<10000xf32, #tpu.memory_space<vmem>>)
    %dma_wait3A_84 = tpu.memref_slice %arg3[%add3A_50] : memref<1600000xf32, #tpu.memory_space<hbm>> -> memref<10000xf32, #tpu.memory_space<hbm>>
    %dma_wait3A_85 = tpu.memref_slice %arg3[%add3A_50] : memref<1600000xf32, #tpu.memory_space<hbm>> -> memref<10000xf32, #tpu.memory_space<hbm>>
    tpu.wait_dma2 semaphore(%arg15 : memref<!tpu.dma_semaphore, #tpu.memory_space<semaphore_mem>>) src(%dma_wait3A_85 : memref<10000xf32, #tpu.memory_space<hbm>>) dst(%arg8 : memref<10000xf32, #tpu.memory_space<vmem>>)
    %dma_wait3A_86 = tpu.memref_slice %arg5[%add3A_38] : memref<1600000xi32, #tpu.memory_space<hbm>> -> memref<10000xi32, #tpu.memory_space<hbm>>
    %dma_wait3A_87 = tpu.memref_slice %arg5[%add3A_38] : memref<1600000xi32, #tpu.memory_space<hbm>> -> memref<10000xi32, #tpu.memory_space<hbm>>
    tpu.wait_dma2 semaphore(%arg16 : memref<!tpu.dma_semaphore, #tpu.memory_space<semaphore_mem>>) src(%arg9 : memref<10000xi32, #tpu.memory_space<vmem>>) dst(%dma_wait3A_87 : memref<10000xi32, #tpu.memory_space<hbm>>)
    %scan3A_88 = arith.constant 0 : i32
    %scan3A_89 = arith.constant 0 : i32
    %scan3A_90 = arith.constant 125 : i32
    %scan3A_91 = arith.addi %scan3A_89, %scan3A_90 : i32
    %scan3A_92 = arith.constant 1 : i32
    %scan3A_93 = scf.for %scan3A_155 = %scan3A_89 to %scan3A_91 step %scan3A_92 iter_args(%scan3A_156 = %scan3A_88) -> (i32)  : i32 {
      %mul3A_157 = arith.constant 5 : i32
      %mul3A_158 = arith.muli %scan3A_155, %mul3A_157 : i32
      %add3A_159 = arith.constant 0 : i32
      %add3A_160 = arith.addi %mul3A_158, %add3A_159 : i32
      %mul3A_161 = arith.constant 16 : i32
      %mul3A_162 = arith.muli %add3A_160, %mul3A_161 : i32
      %get3A = arith.index_cast %mul3A_162 : i32 to index
      %get3A_163 = tpu.vector_load %arg7[%get3A] {strides = array<i32>} : memref<10000xf32, #tpu.memory_space<vmem>>, vector<16xf32>,
      %get3A_164 = arith.index_cast %mul3A_162 : i32 to index
      %get3A_165 = tpu.vector_load %arg8[%get3A_164] {strides = array<i32>} : memref<10000xf32, #tpu.memory_space<vmem>>, vector<16xf32>,
      %add3A_166 = arith.addf %get3A_163, %get3A_165 : vector<16xf32>
      %bitcast3A = vector.bitcast %add3A_166 : vector<16xf32> to vector<16xi32>
      %shift_right_arithmetic3A = arith.constant 31 : i32
      %shift_right_arithmetic3A_167 = vector.broadcast %shift_right_arithmetic3A : i32 to vector<16xi32>
      %shift_right_arithmetic3A_168 = arith.shrsi %bitcast3A, %shift_right_arithmetic3A_167 : vector<16xi32>
      %and3A = arith.constant 2147483647 : i32
      %and3A_169 = vector.broadcast %and3A : i32 to vector<16xi32>
      %and3A_170 = arith.andi %shift_right_arithmetic3A_168, %and3A_169 : vector<16xi32>
      %xor3A = arith.xori %bitcast3A, %and3A_170 : vector<16xi32>
      %swap3A = arith.index_cast %mul3A_162 : i32 to index
      %swap3A_171 = tpu.vector_load %arg9[%swap3A] {strides = array<i32>} : memref<10000xi32, #tpu.memory_space<vmem>>, vector<16xi32>,
      tpu.vector_store %arg9[%swap3A], %xor3A {strides = array<i32>} : memref<10000xi32, #tpu.memory_space<vmem>>, vector<16xi32>,
      %shift_right_arithmetic3A_172 = arith.constant 20 : i32
      %shift_right_arithmetic3A_173 = vector.broadcast %shift_right_arithmetic3A_172 : i32 to vector<16xi32>
      %shift_right_arithmetic3A_174 = arith.shrsi %xor3A, %shift_right_arithmetic3A_173 : vector<16xi32>
      %add3A_175 = arith.constant 2048 : i32
      %add3A_176 = vector.broadcast %add3A_175 : i32 to vector<16xi32>
      %add3A_177 = arith.addi %shift_right_arithmetic3A_174, %add3A_176 : vector<16xi32>
      tpu.vector_store_idx %arg13[%add3A_177], %convert_element_type3A {add = true} : memref<20480xi32, #tpu.memory_space<vmem>>[vector<16xi32>], vector<16xi32>,
      %mul3A_178 = arith.constant 5 : i32
      %mul3A_179 = arith.muli %scan3A_155, %mul3A_178 : i32
      %add3A_180 = arith.constant 1 : i32
      %add3A_181 = arith.addi %mul3A_179, %add3A_180 : i32
      %mul3A_182 = arith.constant 16 : i32
      %mul3A_183 = arith.muli %add3A_181, %mul3A_182 : i32
      %get3A_184 = arith.index_cast %mul3A_183 : i32 to index
      %get3A_185 = tpu.vector_load %arg7[%get3A_184] {strides = array<i32>} : memref<10000xf32, #tpu.memory_space<vmem>>, vector<16xf32>,
      %get3A_186 = arith.index_cast %mul3A_183 : i32 to index
      %get3A_187 = tpu.vector_load %arg8[%get3A_186] {strides = array<i32>} : memref<10000xf32, #tpu.memory_space<vmem>>, vector<16xf32>,
      %add3A_188 = arith.addf %get3A_185, %get3A_187 : vector<16xf32>
      %bitcast3A_189 = vector.bitcast %add3A_188 : vector<16xf32> to vector<16xi32>
      %shift_right_arithmetic3A_190 = arith.constant 31 : i32
      %shift_right_arithmetic3A_191 = vector.broadcast %shift_right_arithmetic3A_190 : i32 to vector<16xi32>
      %shift_right_arithmetic3A_192 = arith.shrsi %bitcast3A_189, %shift_right_arithmetic3A_191 : vector<16xi32>
      %and3A_193 = arith.constant 2147483647 : i32
      %and3A_194 = vector.broadcast %and3A_193 : i32 to vector<16xi32>
      %and3A_195 = arith.andi %shift_right_arithmetic3A_192, %and3A_194 : vector<16xi32>
      %xor3A_196 = arith.xori %bitcast3A_189, %and3A_195 : vector<16xi32>
      %swap3A_197 = arith.index_cast %mul3A_183 : i32 to index
      %swap3A_198 = tpu.vector_load %arg9[%swap3A_197] {strides = array<i32>} : memref<10000xi32, #tpu.memory_space<vmem>>, vector<16xi32>,
      tpu.vector_store %arg9[%swap3A_197], %xor3A_196 {strides = array<i32>} : memref<10000xi32, #tpu.memory_space<vmem>>, vector<16xi32>,
      %shift_right_arithmetic3A_199 = arith.constant 20 : i32
      %shift_right_arithmetic3A_200 = vector.broadcast %shift_right_arithmetic3A_199 : i32 to vector<16xi32>
      %shift_right_arithmetic3A_201 = arith.shrsi %xor3A_196, %shift_right_arithmetic3A_200 : vector<16xi32>
      %add3A_202 = arith.constant 6144 : i32
      %add3A_203 = vector.broadcast %add3A_202 : i32 to vector<16xi32>
      %add3A_204 = arith.addi %shift_right_arithmetic3A_201, %add3A_203 : vector<16xi32>
      tpu.vector_store_idx %arg13[%add3A_204], %convert_element_type3A {add = true} : memref<20480xi32, #tpu.memory_space<vmem>>[vector<16xi32>], vector<16xi32>,
      %mul3A_205 = arith.constant 5 : i32
      %mul3A_206 = arith.muli %scan3A_155, %mul3A_205 : i32
      %add3A_207 = arith.constant 2 : i32
      %add3A_208 = arith.addi %mul3A_206, %add3A_207 : i32
      %mul3A_209 = arith.constant 16 : i32
      %mul3A_210 = arith.muli %add3A_208, %mul3A_209 : i32
      %get3A_211 = arith.index_cast %mul3A_210 : i32 to index
      %get3A_212 = tpu.vector_load %arg7[%get3A_211] {strides = array<i32>} : memref<10000xf32, #tpu.memory_space<vmem>>, vector<16xf32>,
      %get3A_213 = arith.index_cast %mul3A_210 : i32 to index
      %get3A_214 = tpu.vector_load %arg8[%get3A_213] {strides = array<i32>} : memref<10000xf32, #tpu.memory_space<vmem>>, vector<16xf32>,
      %add3A_215 = arith.addf %get3A_212, %get3A_214 : vector<16xf32>
      %bitcast3A_216 = vector.bitcast %add3A_215 : vector<16xf32> to vector<16xi32>
      %shift_right_arithmetic3A_217 = arith.constant 31 : i32
      %shift_right_arithmetic3A_218 = vector.broadcast %shift_right_arithmetic3A_217 : i32 to vector<16xi32>
      %shift_right_arithmetic3A_219 = arith.shrsi %bitcast3A_216, %shift_right_arithmetic3A_218 : vector<16xi32>
      %and3A_220 = arith.constant 2147483647 : i32
      %and3A_221 = vector.broadcast %and3A_220 : i32 to vector<16xi32>
      %and3A_222 = arith.andi %shift_right_arithmetic3A_219, %and3A_221 : vector<16xi32>
      %xor3A_223 = arith.xori %bitcast3A_216, %and3A_222 : vector<16xi32>
      %swap3A_224 = arith.index_cast %mul3A_210 : i32 to index
      %swap3A_225 = tpu.vector_load %arg9[%swap3A_224] {strides = array<i32>} : memref<10000xi32, #tpu.memory_space<vmem>>, vector<16xi32>,
      tpu.vector_store %arg9[%swap3A_224], %xor3A_223 {strides = array<i32>} : memref<10000xi32, #tpu.memory_space<vmem>>, vector<16xi32>,
      %shift_right_arithmetic3A_226 = arith.constant 20 : i32
      %shift_right_arithmetic3A_227 = vector.broadcast %shift_right_arithmetic3A_226 : i32 to vector<16xi32>
      %shift_right_arithmetic3A_228 = arith.shrsi %xor3A_223, %shift_right_arithmetic3A_227 : vector<16xi32>
      %add3A_229 = arith.constant 10240 : i32
      %add3A_230 = vector.broadcast %add3A_229 : i32 to vector<16xi32>
      %add3A_231 = arith.addi %shift_right_arithmetic3A_228, %add3A_230 : vector<16xi32>
      tpu.vector_store_idx %arg13[%add3A_231], %convert_element_type3A {add = true} : memref<20480xi32, #tpu.memory_space<vmem>>[vector<16xi32>], vector<16xi32>,
      %mul3A_232 = arith.constant 5 : i32
      %mul3A_233 = arith.muli %scan3A_155, %mul3A_232 : i32
      %add3A_234 = arith.constant 3 : i32
      %add3A_235 = arith.addi %mul3A_233, %add3A_234 : i32
      %mul3A_236 = arith.constant 16 : i32
      %mul3A_237 = arith.muli %add3A_235, %mul3A_236 : i32
      %get3A_238 = arith.index_cast %mul3A_237 : i32 to index
      %get3A_239 = tpu.vector_load %arg7[%get3A_238] {strides = array<i32>} : memref<10000xf32, #tpu.memory_space<vmem>>, vector<16xf32>,
      %get3A_240 = arith.index_cast %mul3A_237 : i32 to index
      %get3A_241 = tpu.vector_load %arg8[%get3A_240] {strides = array<i32>} : memref<10000xf32, #tpu.memory_space<vmem>>, vector<16xf32>,
      %add3A_242 = arith.addf %get3A_239, %get3A_241 : vector<16xf32>
      %bitcast3A_243 = vector.bitcast %add3A_242 : vector<16xf32> to vector<16xi32>
      %shift_right_arithmetic3A_244 = arith.constant 31 : i32
      %shift_right_arithmetic3A_245 = vector.broadcast %shift_right_arithmetic3A_244 : i32 to vector<16xi32>
      %shift_right_arithmetic3A_246 = arith.shrsi %bitcast3A_243, %shift_right_arithmetic3A_245 : vector<16xi32>
      %and3A_247 = arith.constant 2147483647 : i32
      %and3A_248 = vector.broadcast %and3A_247 : i32 to vector<16xi32>
      %and3A_249 = arith.andi %shift_right_arithmetic3A_246, %and3A_248 : vector<16xi32>
      %xor3A_250 = arith.xori %bitcast3A_243, %and3A_249 : vector<16xi32>
      %swap3A_251 = arith.index_cast %mul3A_237 : i32 to index
      %swap3A_252 = tpu.vector_load %arg9[%swap3A_251] {strides = array<i32>} : memref<10000xi32, #tpu.memory_space<vmem>>, vector<16xi32>,
      tpu.vector_store %arg9[%swap3A_251], %xor3A_250 {strides = array<i32>} : memref<10000xi32, #tpu.memory_space<vmem>>, vector<16xi32>,
      %shift_right_arithmetic3A_253 = arith.constant 20 : i32
      %shift_right_arithmetic3A_254 = vector.broadcast %shift_right_arithmetic3A_253 : i32 to vector<16xi32>
      %shift_right_arithmetic3A_255 = arith.shrsi %xor3A_250, %shift_right_arithmetic3A_254 : vector<16xi32>
      %add3A_256 = arith.constant 14336 : i32
      %add3A_257 = vector.broadcast %add3A_256 : i32 to vector<16xi32>
      %add3A_258 = arith.addi %shift_right_arithmetic3A_255, %add3A_257 : vector<16xi32>
      tpu.vector_store_idx %arg13[%add3A_258], %convert_element_type3A {add = true} : memref<20480xi32, #tpu.memory_space<vmem>>[vector<16xi32>], vector<16xi32>,
      %mul3A_259 = arith.constant 5 : i32
      %mul3A_260 = arith.muli %scan3A_155, %mul3A_259 : i32
      %add3A_261 = arith.constant 4 : i32
      %add3A_262 = arith.addi %mul3A_260, %add3A_261 : i32
      %mul3A_263 = arith.constant 16 : i32
      %mul3A_264 = arith.muli %add3A_262, %mul3A_263 : i32
      %get3A_265 = arith.index_cast %mul3A_264 : i32 to index
      %get3A_266 = tpu.vector_load %arg7[%get3A_265] {strides = array<i32>} : memref<10000xf32, #tpu.memory_space<vmem>>, vector<16xf32>,
      %get3A_267 = arith.index_cast %mul3A_264 : i32 to index
      %get3A_268 = tpu.vector_load %arg8[%get3A_267] {strides = array<i32>} : memref<10000xf32, #tpu.memory_space<vmem>>, vector<16xf32>,
      %add3A_269 = arith.addf %get3A_266, %get3A_268 : vector<16xf32>
      %bitcast3A_270 = vector.bitcast %add3A_269 : vector<16xf32> to vector<16xi32>
      %shift_right_arithmetic3A_271 = arith.constant 31 : i32
      %shift_right_arithmetic3A_272 = vector.broadcast %shift_right_arithmetic3A_271 : i32 to vector<16xi32>
      %shift_right_arithmetic3A_273 = arith.shrsi %bitcast3A_270, %shift_right_arithmetic3A_272 : vector<16xi32>
      %and3A_274 = arith.constant 2147483647 : i32
      %and3A_275 = vector.broadcast %and3A_274 : i32 to vector<16xi32>
      %and3A_276 = arith.andi %shift_right_arithmetic3A_273, %and3A_275 : vector<16xi32>
      %xor3A_277 = arith.xori %bitcast3A_270, %and3A_276 : vector<16xi32>
      %swap3A_278 = arith.index_cast %mul3A_264 : i32 to index
      %swap3A_279 = tpu.vector_load %arg9[%swap3A_278] {strides = array<i32>} : memref<10000xi32, #tpu.memory_space<vmem>>, vector<16xi32>,
      tpu.vector_store %arg9[%swap3A_278], %xor3A_277 {strides = array<i32>} : memref<10000xi32, #tpu.memory_space<vmem>>, vector<16xi32>,
      %shift_right_arithmetic3A_280 = arith.constant 20 : i32
      %shift_right_arithmetic3A_281 = vector.broadcast %shift_right_arithmetic3A_280 : i32 to vector<16xi32>
      %shift_right_arithmetic3A_282 = arith.shrsi %xor3A_277, %shift_right_arithmetic3A_281 : vector<16xi32>
      %add3A_283 = arith.constant 18432 : i32
      %add3A_284 = vector.broadcast %add3A_283 : i32 to vector<16xi32>
      %add3A_285 = arith.addi %shift_right_arithmetic3A_282, %add3A_284 : vector<16xi32>
      tpu.vector_store_idx %arg13[%add3A_285], %convert_element_type3A {add = true} : memref<20480xi32, #tpu.memory_space<vmem>>[vector<16xi32>], vector<16xi32>,
      %scan3A_286 = arith.constant 0 : i32
      scf.yield %scan3A_286 : i32
    }
    %scan3A_94 = arith.constant 125 : i32
    %mul3A_95 = arith.constant 50000 : i32
    %mul3A_96 = arith.muli %add3A, %mul3A_95 : i32
    %add3A_97 = arith.constant 20000 : i32
    %add3A_98 = arith.addi %mul3A_96, %add3A_97 : i32
    %dma_start3A_99 = tpu.memref_slice %arg5[%add3A_98] : memref<1600000xi32, #tpu.memory_space<hbm>> -> memref<10000xi32, #tpu.memory_space<hbm>>
    %dma_start3A_100 = tpu.memref_slice %arg5[%add3A_98] : memref<1600000xi32, #tpu.memory_space<hbm>> -> memref<10000xi32, #tpu.memory_space<hbm>>
    tpu.enqueue_dma source(%arg9 : memref<10000xi32, #tpu.memory_space<vmem>>) target(%dma_start3A_100 : memref<10000xi32, #tpu.memory_space<hbm>>) target_semaphore(%arg16 : memref<!tpu.dma_semaphore, #tpu.memory_space<semaphore_mem>>)
    %mul3A_101 = arith.constant 50000 : i32
    %mul3A_102 = arith.muli %add3A, %mul3A_101 : i32
    %add3A_103 = arith.constant 40000 : i32
    %add3A_104 = arith.addi %mul3A_102, %add3A_103 : i32
    %dma_start3A_105 = tpu.memref_slice %arg2[%add3A_104] : memref<1600000xf32, #tpu.memory_space<hbm>> -> memref<10000xf32, #tpu.memory_space<hbm>>
    %dma_start3A_106 = tpu.memref_slice %arg2[%add3A_104] : memref<1600000xf32, #tpu.memory_space<hbm>> -> memref<10000xf32, #tpu.memory_space<hbm>>
    tpu.enqueue_dma source(%dma_start3A_106 : memref<10000xf32, #tpu.memory_space<hbm>>) target(%arg7 : memref<10000xf32, #tpu.memory_space<vmem>>) target_semaphore(%arg14 : memref<!tpu.dma_semaphore, #tpu.memory_space<semaphore_mem>>)
    %mul3A_107 = arith.constant 50000 : i32
    %mul3A_108 = arith.muli %add3A, %mul3A_107 : i32
    %add3A_109 = arith.constant 40000 : i32
    %add3A_110 = arith.addi %mul3A_108, %add3A_109 : i32
    %dma_start3A_111 = tpu.memref_slice %arg3[%add3A_110] : memref<1600000xf32, #tpu.memory_space<hbm>> -> memref<10000xf32, #tpu.memory_space<hbm>>
    %dma_start3A_112 = tpu.memref_slice %arg3[%add3A_110] : memref<1600000xf32, #tpu.memory_space<hbm>> -> memref<10000xf32, #tpu.memory_space<hbm>>
    tpu.enqueue_dma source(%dma_start3A_112 : memref<10000xf32, #tpu.memory_space<hbm>>) target(%arg8 : memref<10000xf32, #tpu.memory_space<vmem>>) target_semaphore(%arg15 : memref<!tpu.dma_semaphore, #tpu.memory_space<semaphore_mem>>)
    %dma_wait3A_113 = tpu.memref_slice %arg2[%add3A_73] : memref<1600000xf32, #tpu.memory_space<hbm>> -> memref<10000xf32, #tpu.memory_space<hbm>>
    %dma_wait3A_114 = tpu.memref_slice %arg2[%add3A_73] : memref<1600000xf32, #tpu.memory_space<hbm>> -> memref<10000xf32, #tpu.memory_space<hbm>>
    tpu.wait_dma2 semaphore(%arg17 : memref<!tpu.dma_semaphore, #tpu.memory_space<semaphore_mem>>) src(%dma_wait3A_114 : memref<10000xf32, #tpu.memory_space<hbm>>) dst(%arg10 : memref<10000xf32, #tpu.memory_space<vmem>>)
    %dma_wait3A_115 = tpu.memref_slice %arg3[%add3A_79] : memref<1600000xf32, #tpu.memory_space<hbm>> -> memref<10000xf32, #tpu.memory_space<hbm>>
    %dma_wait3A_116 = tpu.memref_slice %arg3[%add3A_79] : memref<1600000xf32, #tpu.memory_space<hbm>> -> memref<10000xf32, #tpu.memory_space<hbm>>
    tpu.wait_dma2 semaphore(%arg18 : memref<!tpu.dma_semaphore, #tpu.memory_space<semaphore_mem>>) src(%dma_wait3A_116 : memref<10000xf32, #tpu.memory_space<hbm>>) dst(%arg11 : memref<10000xf32, #tpu.memory_space<vmem>>)
    %dma_wait3A_117 = tpu.memref_slice %arg5[%add3A_67] : memref<1600000xi32, #tpu.memory_space<hbm>> -> memref<10000xi32, #tpu.memory_space<hbm>>
    %dma_wait3A_118 = tpu.memref_slice %arg5[%add3A_67] : memref<1600000xi32, #tpu.memory_space<hbm>> -> memref<10000xi32, #tpu.memory_space<hbm>>
    tpu.wait_dma2 semaphore(%arg19 : memref<!tpu.dma_semaphore, #tpu.memory_space<semaphore_mem>>) src(%arg12 : memref<10000xi32, #tpu.memory_space<vmem>>) dst(%dma_wait3A_118 : memref<10000xi32, #tpu.memory_space<hbm>>)
    %scan3A_119 = arith.constant 0 : i32
    %scan3A_120 = arith.constant 0 : i32
    %scan3A_121 = arith.constant 125 : i32
    %scan3A_122 = arith.addi %scan3A_120, %scan3A_121 : i32
    %scan3A_123 = arith.constant 1 : i32
    %scan3A_124 = scf.for %scan3A_155 = %scan3A_120 to %scan3A_122 step %scan3A_123 iter_args(%scan3A_156 = %scan3A_119) -> (i32)  : i32 {
      %mul3A_157 = arith.constant 5 : i32
      %mul3A_158 = arith.muli %scan3A_155, %mul3A_157 : i32
      %add3A_159 = arith.constant 0 : i32
      %add3A_160 = arith.addi %mul3A_158, %add3A_159 : i32
      %mul3A_161 = arith.constant 16 : i32
      %mul3A_162 = arith.muli %add3A_160, %mul3A_161 : i32
      %get3A = arith.index_cast %mul3A_162 : i32 to index
      %get3A_163 = tpu.vector_load %arg10[%get3A] {strides = array<i32>} : memref<10000xf32, #tpu.memory_space<vmem>>, vector<16xf32>,
      %get3A_164 = arith.index_cast %mul3A_162 : i32 to index
      %get3A_165 = tpu.vector_load %arg11[%get3A_164] {strides = array<i32>} : memref<10000xf32, #tpu.memory_space<vmem>>, vector<16xf32>,
      %add3A_166 = arith.addf %get3A_163, %get3A_165 : vector<16xf32>
      %bitcast3A = vector.bitcast %add3A_166 : vector<16xf32> to vector<16xi32>
      %shift_right_arithmetic3A = arith.constant 31 : i32
      %shift_right_arithmetic3A_167 = vector.broadcast %shift_right_arithmetic3A : i32 to vector<16xi32>
      %shift_right_arithmetic3A_168 = arith.shrsi %bitcast3A, %shift_right_arithmetic3A_167 : vector<16xi32>
      %and3A = arith.constant 2147483647 : i32
      %and3A_169 = vector.broadcast %and3A : i32 to vector<16xi32>
      %and3A_170 = arith.andi %shift_right_arithmetic3A_168, %and3A_169 : vector<16xi32>
      %xor3A = arith.xori %bitcast3A, %and3A_170 : vector<16xi32>
      %swap3A = arith.index_cast %mul3A_162 : i32 to index
      %swap3A_171 = tpu.vector_load %arg12[%swap3A] {strides = array<i32>} : memref<10000xi32, #tpu.memory_space<vmem>>, vector<16xi32>,
      tpu.vector_store %arg12[%swap3A], %xor3A {strides = array<i32>} : memref<10000xi32, #tpu.memory_space<vmem>>, vector<16xi32>,
      %shift_right_arithmetic3A_172 = arith.constant 20 : i32
      %shift_right_arithmetic3A_173 = vector.broadcast %shift_right_arithmetic3A_172 : i32 to vector<16xi32>
      %shift_right_arithmetic3A_174 = arith.shrsi %xor3A, %shift_right_arithmetic3A_173 : vector<16xi32>
      %add3A_175 = arith.constant 2048 : i32
      %add3A_176 = vector.broadcast %add3A_175 : i32 to vector<16xi32>
      %add3A_177 = arith.addi %shift_right_arithmetic3A_174, %add3A_176 : vector<16xi32>
      tpu.vector_store_idx %arg13[%add3A_177], %convert_element_type3A {add = true} : memref<20480xi32, #tpu.memory_space<vmem>>[vector<16xi32>], vector<16xi32>,
      %mul3A_178 = arith.constant 5 : i32
      %mul3A_179 = arith.muli %scan3A_155, %mul3A_178 : i32
      %add3A_180 = arith.constant 1 : i32
      %add3A_181 = arith.addi %mul3A_179, %add3A_180 : i32
      %mul3A_182 = arith.constant 16 : i32
      %mul3A_183 = arith.muli %add3A_181, %mul3A_182 : i32
      %get3A_184 = arith.index_cast %mul3A_183 : i32 to index
      %get3A_185 = tpu.vector_load %arg10[%get3A_184] {strides = array<i32>} : memref<10000xf32, #tpu.memory_space<vmem>>, vector<16xf32>,
      %get3A_186 = arith.index_cast %mul3A_183 : i32 to index
      %get3A_187 = tpu.vector_load %arg11[%get3A_186] {strides = array<i32>} : memref<10000xf32, #tpu.memory_space<vmem>>, vector<16xf32>,
      %add3A_188 = arith.addf %get3A_185, %get3A_187 : vector<16xf32>
      %bitcast3A_189 = vector.bitcast %add3A_188 : vector<16xf32> to vector<16xi32>
      %shift_right_arithmetic3A_190 = arith.constant 31 : i32
      %shift_right_arithmetic3A_191 = vector.broadcast %shift_right_arithmetic3A_190 : i32 to vector<16xi32>
      %shift_right_arithmetic3A_192 = arith.shrsi %bitcast3A_189, %shift_right_arithmetic3A_191 : vector<16xi32>
      %and3A_193 = arith.constant 2147483647 : i32
      %and3A_194 = vector.broadcast %and3A_193 : i32 to vector<16xi32>
      %and3A_195 = arith.andi %shift_right_arithmetic3A_192, %and3A_194 : vector<16xi32>
      %xor3A_196 = arith.xori %bitcast3A_189, %and3A_195 : vector<16xi32>
      %swap3A_197 = arith.index_cast %mul3A_183 : i32 to index
      %swap3A_198 = tpu.vector_load %arg12[%swap3A_197] {strides = array<i32>} : memref<10000xi32, #tpu.memory_space<vmem>>, vector<16xi32>,
      tpu.vector_store %arg12[%swap3A_197], %xor3A_196 {strides = array<i32>} : memref<10000xi32, #tpu.memory_space<vmem>>, vector<16xi32>,
      %shift_right_arithmetic3A_199 = arith.constant 20 : i32
      %shift_right_arithmetic3A_200 = vector.broadcast %shift_right_arithmetic3A_199 : i32 to vector<16xi32>
      %shift_right_arithmetic3A_201 = arith.shrsi %xor3A_196, %shift_right_arithmetic3A_200 : vector<16xi32>
      %add3A_202 = arith.constant 6144 : i32
      %add3A_203 = vector.broadcast %add3A_202 : i32 to vector<16xi32>
      %add3A_204 = arith.addi %shift_right_arithmetic3A_201, %add3A_203 : vector<16xi32>
      tpu.vector_store_idx %arg13[%add3A_204], %convert_element_type3A {add = true} : memref<20480xi32, #tpu.memory_space<vmem>>[vector<16xi32>], vector<16xi32>,
      %mul3A_205 = arith.constant 5 : i32
      %mul3A_206 = arith.muli %scan3A_155, %mul3A_205 : i32
      %add3A_207 = arith.constant 2 : i32
      %add3A_208 = arith.addi %mul3A_206, %add3A_207 : i32
      %mul3A_209 = arith.constant 16 : i32
      %mul3A_210 = arith.muli %add3A_208, %mul3A_209 : i32
      %get3A_211 = arith.index_cast %mul3A_210 : i32 to index
      %get3A_212 = tpu.vector_load %arg10[%get3A_211] {strides = array<i32>} : memref<10000xf32, #tpu.memory_space<vmem>>, vector<16xf32>,
      %get3A_213 = arith.index_cast %mul3A_210 : i32 to index
      %get3A_214 = tpu.vector_load %arg11[%get3A_213] {strides = array<i32>} : memref<10000xf32, #tpu.memory_space<vmem>>, vector<16xf32>,
      %add3A_215 = arith.addf %get3A_212, %get3A_214 : vector<16xf32>
      %bitcast3A_216 = vector.bitcast %add3A_215 : vector<16xf32> to vector<16xi32>
      %shift_right_arithmetic3A_217 = arith.constant 31 : i32
      %shift_right_arithmetic3A_218 = vector.broadcast %shift_right_arithmetic3A_217 : i32 to vector<16xi32>
      %shift_right_arithmetic3A_219 = arith.shrsi %bitcast3A_216, %shift_right_arithmetic3A_218 : vector<16xi32>
      %and3A_220 = arith.constant 2147483647 : i32
      %and3A_221 = vector.broadcast %and3A_220 : i32 to vector<16xi32>
      %and3A_222 = arith.andi %shift_right_arithmetic3A_219, %and3A_221 : vector<16xi32>
      %xor3A_223 = arith.xori %bitcast3A_216, %and3A_222 : vector<16xi32>
      %swap3A_224 = arith.index_cast %mul3A_210 : i32 to index
      %swap3A_225 = tpu.vector_load %arg12[%swap3A_224] {strides = array<i32>} : memref<10000xi32, #tpu.memory_space<vmem>>, vector<16xi32>,
      tpu.vector_store %arg12[%swap3A_224], %xor3A_223 {strides = array<i32>} : memref<10000xi32, #tpu.memory_space<vmem>>, vector<16xi32>,
      %shift_right_arithmetic3A_226 = arith.constant 20 : i32
      %shift_right_arithmetic3A_227 = vector.broadcast %shift_right_arithmetic3A_226 : i32 to vector<16xi32>
      %shift_right_arithmetic3A_228 = arith.shrsi %xor3A_223, %shift_right_arithmetic3A_227 : vector<16xi32>
      %add3A_229 = arith.constant 10240 : i32
      %add3A_230 = vector.broadcast %add3A_229 : i32 to vector<16xi32>
      %add3A_231 = arith.addi %shift_right_arithmetic3A_228, %add3A_230 : vector<16xi32>
      tpu.vector_store_idx %arg13[%add3A_231], %convert_element_type3A {add = true} : memref<20480xi32, #tpu.memory_space<vmem>>[vector<16xi32>], vector<16xi32>,
      %mul3A_232 = arith.constant 5 : i32
      %mul3A_233 = arith.muli %scan3A_155, %mul3A_232 : i32
      %add3A_234 = arith.constant 3 : i32
      %add3A_235 = arith.addi %mul3A_233, %add3A_234 : i32
      %mul3A_236 = arith.constant 16 : i32
      %mul3A_237 = arith.muli %add3A_235, %mul3A_236 : i32
      %get3A_238 = arith.index_cast %mul3A_237 : i32 to index
      %get3A_239 = tpu.vector_load %arg10[%get3A_238] {strides = array<i32>} : memref<10000xf32, #tpu.memory_space<vmem>>, vector<16xf32>,
      %get3A_240 = arith.index_cast %mul3A_237 : i32 to index
      %get3A_241 = tpu.vector_load %arg11[%get3A_240] {strides = array<i32>} : memref<10000xf32, #tpu.memory_space<vmem>>, vector<16xf32>,
      %add3A_242 = arith.addf %get3A_239, %get3A_241 : vector<16xf32>
      %bitcast3A_243 = vector.bitcast %add3A_242 : vector<16xf32> to vector<16xi32>
      %shift_right_arithmetic3A_244 = arith.constant 31 : i32
      %shift_right_arithmetic3A_245 = vector.broadcast %shift_right_arithmetic3A_244 : i32 to vector<16xi32>
      %shift_right_arithmetic3A_246 = arith.shrsi %bitcast3A_243, %shift_right_arithmetic3A_245 : vector<16xi32>
      %and3A_247 = arith.constant 2147483647 : i32
      %and3A_248 = vector.broadcast %and3A_247 : i32 to vector<16xi32>
      %and3A_249 = arith.andi %shift_right_arithmetic3A_246, %and3A_248 : vector<16xi32>
      %xor3A_250 = arith.xori %bitcast3A_243, %and3A_249 : vector<16xi32>
      %swap3A_251 = arith.index_cast %mul3A_237 : i32 to index
      %swap3A_252 = tpu.vector_load %arg12[%swap3A_251] {strides = array<i32>} : memref<10000xi32, #tpu.memory_space<vmem>>, vector<16xi32>,
      tpu.vector_store %arg12[%swap3A_251], %xor3A_250 {strides = array<i32>} : memref<10000xi32, #tpu.memory_space<vmem>>, vector<16xi32>,
      %shift_right_arithmetic3A_253 = arith.constant 20 : i32
      %shift_right_arithmetic3A_254 = vector.broadcast %shift_right_arithmetic3A_253 : i32 to vector<16xi32>
      %shift_right_arithmetic3A_255 = arith.shrsi %xor3A_250, %shift_right_arithmetic3A_254 : vector<16xi32>
      %add3A_256 = arith.constant 14336 : i32
      %add3A_257 = vector.broadcast %add3A_256 : i32 to vector<16xi32>
      %add3A_258 = arith.addi %shift_right_arithmetic3A_255, %add3A_257 : vector<16xi32>
      tpu.vector_store_idx %arg13[%add3A_258], %convert_element_type3A {add = true} : memref<20480xi32, #tpu.memory_space<vmem>>[vector<16xi32>], vector<16xi32>,
      %mul3A_259 = arith.constant 5 : i32
      %mul3A_260 = arith.muli %scan3A_155, %mul3A_259 : i32
      %add3A_261 = arith.constant 4 : i32
      %add3A_262 = arith.addi %mul3A_260, %add3A_261 : i32
      %mul3A_263 = arith.constant 16 : i32
      %mul3A_264 = arith.muli %add3A_262, %mul3A_263 : i32
      %get3A_265 = arith.index_cast %mul3A_264 : i32 to index
      %get3A_266 = tpu.vector_load %arg10[%get3A_265] {strides = array<i32>} : memref<10000xf32, #tpu.memory_space<vmem>>, vector<16xf32>,
      %get3A_267 = arith.index_cast %mul3A_264 : i32 to index
      %get3A_268 = tpu.vector_load %arg11[%get3A_267] {strides = array<i32>} : memref<10000xf32, #tpu.memory_space<vmem>>, vector<16xf32>,
      %add3A_269 = arith.addf %get3A_266, %get3A_268 : vector<16xf32>
      %bitcast3A_270 = vector.bitcast %add3A_269 : vector<16xf32> to vector<16xi32>
      %shift_right_arithmetic3A_271 = arith.constant 31 : i32
      %shift_right_arithmetic3A_272 = vector.broadcast %shift_right_arithmetic3A_271 : i32 to vector<16xi32>
      %shift_right_arithmetic3A_273 = arith.shrsi %bitcast3A_270, %shift_right_arithmetic3A_272 : vector<16xi32>
      %and3A_274 = arith.constant 2147483647 : i32
      %and3A_275 = vector.broadcast %and3A_274 : i32 to vector<16xi32>
      %and3A_276 = arith.andi %shift_right_arithmetic3A_273, %and3A_275 : vector<16xi32>
      %xor3A_277 = arith.xori %bitcast3A_270, %and3A_276 : vector<16xi32>
      %swap3A_278 = arith.index_cast %mul3A_264 : i32 to index
      %swap3A_279 = tpu.vector_load %arg12[%swap3A_278] {strides = array<i32>} : memref<10000xi32, #tpu.memory_space<vmem>>, vector<16xi32>,
      tpu.vector_store %arg12[%swap3A_278], %xor3A_277 {strides = array<i32>} : memref<10000xi32, #tpu.memory_space<vmem>>, vector<16xi32>,
      %shift_right_arithmetic3A_280 = arith.constant 20 : i32
      %shift_right_arithmetic3A_281 = vector.broadcast %shift_right_arithmetic3A_280 : i32 to vector<16xi32>
      %shift_right_arithmetic3A_282 = arith.shrsi %xor3A_277, %shift_right_arithmetic3A_281 : vector<16xi32>
      %add3A_283 = arith.constant 18432 : i32
      %add3A_284 = vector.broadcast %add3A_283 : i32 to vector<16xi32>
      %add3A_285 = arith.addi %shift_right_arithmetic3A_282, %add3A_284 : vector<16xi32>
      tpu.vector_store_idx %arg13[%add3A_285], %convert_element_type3A {add = true} : memref<20480xi32, #tpu.memory_space<vmem>>[vector<16xi32>], vector<16xi32>,
      %scan3A_286 = arith.constant 0 : i32
      scf.yield %scan3A_286 : i32
    }
    %scan3A_125 = arith.constant 125 : i32
    %mul3A_126 = arith.constant 50000 : i32
    %mul3A_127 = arith.muli %add3A, %mul3A_126 : i32
    %add3A_128 = arith.constant 30000 : i32
    %add3A_129 = arith.addi %mul3A_127, %add3A_128 : i32
    %dma_start3A_130 = tpu.memref_slice %arg5[%add3A_129] : memref<1600000xi32, #tpu.memory_space<hbm>> -> memref<10000xi32, #tpu.memory_space<hbm>>
    %dma_start3A_131 = tpu.memref_slice %arg5[%add3A_129] : memref<1600000xi32, #tpu.memory_space<hbm>> -> memref<10000xi32, #tpu.memory_space<hbm>>
    tpu.enqueue_dma source(%arg12 : memref<10000xi32, #tpu.memory_space<vmem>>) target(%dma_start3A_131 : memref<10000xi32, #tpu.memory_space<hbm>>) target_semaphore(%arg19 : memref<!tpu.dma_semaphore, #tpu.memory_space<semaphore_mem>>)
    %dma_wait3A_132 = tpu.memref_slice %arg2[%add3A_104] : memref<1600000xf32, #tpu.memory_space<hbm>> -> memref<10000xf32, #tpu.memory_space<hbm>>
    %dma_wait3A_133 = tpu.memref_slice %arg2[%add3A_104] : memref<1600000xf32, #tpu.memory_space<hbm>> -> memref<10000xf32, #tpu.memory_space<hbm>>
    tpu.wait_dma2 semaphore(%arg14 : memref<!tpu.dma_semaphore, #tpu.memory_space<semaphore_mem>>) src(%dma_wait3A_133 : memref<10000xf32, #tpu.memory_space<hbm>>) dst(%arg7 : memref<10000xf32, #tpu.memory_space<vmem>>)
    %dma_wait3A_134 = tpu.memref_slice %arg3[%add3A_110] : memref<1600000xf32, #tpu.memory_space<hbm>> -> memref<10000xf32, #tpu.memory_space<hbm>>
    %dma_wait3A_135 = tpu.memref_slice %arg3[%add3A_110] : memref<1600000xf32, #tpu.memory_space<hbm>> -> memref<10000xf32, #tpu.memory_space<hbm>>
    tpu.wait_dma2 semaphore(%arg15 : memref<!tpu.dma_semaphore, #tpu.memory_space<semaphore_mem>>) src(%dma_wait3A_135 : memref<10000xf32, #tpu.memory_space<hbm>>) dst(%arg8 : memref<10000xf32, #tpu.memory_space<vmem>>)
    %dma_wait3A_136 = tpu.memref_slice %arg5[%add3A_98] : memref<1600000xi32, #tpu.memory_space<hbm>> -> memref<10000xi32, #tpu.memory_space<hbm>>
    %dma_wait3A_137 = tpu.memref_slice %arg5[%add3A_98] : memref<1600000xi32, #tpu.memory_space<hbm>> -> memref<10000xi32, #tpu.memory_space<hbm>>
    tpu.wait_dma2 semaphore(%arg16 : memref<!tpu.dma_semaphore, #tpu.memory_space<semaphore_mem>>) src(%arg9 : memref<10000xi32, #tpu.memory_space<vmem>>) dst(%dma_wait3A_137 : memref<10000xi32, #tpu.memory_space<hbm>>)
    %scan3A_138 = arith.constant 0 : i32
    %scan3A_139 = arith.constant 0 : i32
    %scan3A_140 = arith.constant 125 : i32
    %scan3A_141 = arith.addi %scan3A_139, %scan3A_140 : i32
    %scan3A_142 = arith.constant 1 : i32
    %scan3A_143 = scf.for %scan3A_155 = %scan3A_139 to %scan3A_141 step %scan3A_142 iter_args(%scan3A_156 = %scan3A_138) -> (i32)  : i32 {
      %mul3A_157 = arith.constant 5 : i32
      %mul3A_158 = arith.muli %scan3A_155, %mul3A_157 : i32
      %add3A_159 = arith.constant 0 : i32
      %add3A_160 = arith.addi %mul3A_158, %add3A_159 : i32
      %mul3A_161 = arith.constant 16 : i32
      %mul3A_162 = arith.muli %add3A_160, %mul3A_161 : i32
      %get3A = arith.index_cast %mul3A_162 : i32 to index
      %get3A_163 = tpu.vector_load %arg7[%get3A] {strides = array<i32>} : memref<10000xf32, #tpu.memory_space<vmem>>, vector<16xf32>,
      %get3A_164 = arith.index_cast %mul3A_162 : i32 to index
      %get3A_165 = tpu.vector_load %arg8[%get3A_164] {strides = array<i32>} : memref<10000xf32, #tpu.memory_space<vmem>>, vector<16xf32>,
      %add3A_166 = arith.addf %get3A_163, %get3A_165 : vector<16xf32>
      %bitcast3A = vector.bitcast %add3A_166 : vector<16xf32> to vector<16xi32>
      %shift_right_arithmetic3A = arith.constant 31 : i32
      %shift_right_arithmetic3A_167 = vector.broadcast %shift_right_arithmetic3A : i32 to vector<16xi32>
      %shift_right_arithmetic3A_168 = arith.shrsi %bitcast3A, %shift_right_arithmetic3A_167 : vector<16xi32>
      %and3A = arith.constant 2147483647 : i32
      %and3A_169 = vector.broadcast %and3A : i32 to vector<16xi32>
      %and3A_170 = arith.andi %shift_right_arithmetic3A_168, %and3A_169 : vector<16xi32>
      %xor3A = arith.xori %bitcast3A, %and3A_170 : vector<16xi32>
      %swap3A = arith.index_cast %mul3A_162 : i32 to index
      %swap3A_171 = tpu.vector_load %arg9[%swap3A] {strides = array<i32>} : memref<10000xi32, #tpu.memory_space<vmem>>, vector<16xi32>,
      tpu.vector_store %arg9[%swap3A], %xor3A {strides = array<i32>} : memref<10000xi32, #tpu.memory_space<vmem>>, vector<16xi32>,
      %shift_right_arithmetic3A_172 = arith.constant 20 : i32
      %shift_right_arithmetic3A_173 = vector.broadcast %shift_right_arithmetic3A_172 : i32 to vector<16xi32>
      %shift_right_arithmetic3A_174 = arith.shrsi %xor3A, %shift_right_arithmetic3A_173 : vector<16xi32>
      %add3A_175 = arith.constant 2048 : i32
      %add3A_176 = vector.broadcast %add3A_175 : i32 to vector<16xi32>
      %add3A_177 = arith.addi %shift_right_arithmetic3A_174, %add3A_176 : vector<16xi32>
      tpu.vector_store_idx %arg13[%add3A_177], %convert_element_type3A {add = true} : memref<20480xi32, #tpu.memory_space<vmem>>[vector<16xi32>], vector<16xi32>,
      %mul3A_178 = arith.constant 5 : i32
      %mul3A_179 = arith.muli %scan3A_155, %mul3A_178 : i32
      %add3A_180 = arith.constant 1 : i32
      %add3A_181 = arith.addi %mul3A_179, %add3A_180 : i32
      %mul3A_182 = arith.constant 16 : i32
      %mul3A_183 = arith.muli %add3A_181, %mul3A_182 : i32
      %get3A_184 = arith.index_cast %mul3A_183 : i32 to index
      %get3A_185 = tpu.vector_load %arg7[%get3A_184] {strides = array<i32>} : memref<10000xf32, #tpu.memory_space<vmem>>, vector<16xf32>,
      %get3A_186 = arith.index_cast %mul3A_183 : i32 to index
      %get3A_187 = tpu.vector_load %arg8[%get3A_186] {strides = array<i32>} : memref<10000xf32, #tpu.memory_space<vmem>>, vector<16xf32>,
      %add3A_188 = arith.addf %get3A_185, %get3A_187 : vector<16xf32>
      %bitcast3A_189 = vector.bitcast %add3A_188 : vector<16xf32> to vector<16xi32>
      %shift_right_arithmetic3A_190 = arith.constant 31 : i32
      %shift_right_arithmetic3A_191 = vector.broadcast %shift_right_arithmetic3A_190 : i32 to vector<16xi32>
      %shift_right_arithmetic3A_192 = arith.shrsi %bitcast3A_189, %shift_right_arithmetic3A_191 : vector<16xi32>
      %and3A_193 = arith.constant 2147483647 : i32
      %and3A_194 = vector.broadcast %and3A_193 : i32 to vector<16xi32>
      %and3A_195 = arith.andi %shift_right_arithmetic3A_192, %and3A_194 : vector<16xi32>
      %xor3A_196 = arith.xori %bitcast3A_189, %and3A_195 : vector<16xi32>
      %swap3A_197 = arith.index_cast %mul3A_183 : i32 to index
      %swap3A_198 = tpu.vector_load %arg9[%swap3A_197] {strides = array<i32>} : memref<10000xi32, #tpu.memory_space<vmem>>, vector<16xi32>,
      tpu.vector_store %arg9[%swap3A_197], %xor3A_196 {strides = array<i32>} : memref<10000xi32, #tpu.memory_space<vmem>>, vector<16xi32>,
      %shift_right_arithmetic3A_199 = arith.constant 20 : i32
      %shift_right_arithmetic3A_200 = vector.broadcast %shift_right_arithmetic3A_199 : i32 to vector<16xi32>
      %shift_right_arithmetic3A_201 = arith.shrsi %xor3A_196, %shift_right_arithmetic3A_200 : vector<16xi32>
      %add3A_202 = arith.constant 6144 : i32
      %add3A_203 = vector.broadcast %add3A_202 : i32 to vector<16xi32>
      %add3A_204 = arith.addi %shift_right_arithmetic3A_201, %add3A_203 : vector<16xi32>
      tpu.vector_store_idx %arg13[%add3A_204], %convert_element_type3A {add = true} : memref<20480xi32, #tpu.memory_space<vmem>>[vector<16xi32>], vector<16xi32>,
      %mul3A_205 = arith.constant 5 : i32
      %mul3A_206 = arith.muli %scan3A_155, %mul3A_205 : i32
      %add3A_207 = arith.constant 2 : i32
      %add3A_208 = arith.addi %mul3A_206, %add3A_207 : i32
      %mul3A_209 = arith.constant 16 : i32
      %mul3A_210 = arith.muli %add3A_208, %mul3A_209 : i32
      %get3A_211 = arith.index_cast %mul3A_210 : i32 to index
      %get3A_212 = tpu.vector_load %arg7[%get3A_211] {strides = array<i32>} : memref<10000xf32, #tpu.memory_space<vmem>>, vector<16xf32>,
      %get3A_213 = arith.index_cast %mul3A_210 : i32 to index
      %get3A_214 = tpu.vector_load %arg8[%get3A_213] {strides = array<i32>} : memref<10000xf32, #tpu.memory_space<vmem>>, vector<16xf32>,
      %add3A_215 = arith.addf %get3A_212, %get3A_214 : vector<16xf32>
      %bitcast3A_216 = vector.bitcast %add3A_215 : vector<16xf32> to vector<16xi32>
      %shift_right_arithmetic3A_217 = arith.constant 31 : i32
      %shift_right_arithmetic3A_218 = vector.broadcast %shift_right_arithmetic3A_217 : i32 to vector<16xi32>
      %shift_right_arithmetic3A_219 = arith.shrsi %bitcast3A_216, %shift_right_arithmetic3A_218 : vector<16xi32>
      %and3A_220 = arith.constant 2147483647 : i32
      %and3A_221 = vector.broadcast %and3A_220 : i32 to vector<16xi32>
      %and3A_222 = arith.andi %shift_right_arithmetic3A_219, %and3A_221 : vector<16xi32>
      %xor3A_223 = arith.xori %bitcast3A_216, %and3A_222 : vector<16xi32>
      %swap3A_224 = arith.index_cast %mul3A_210 : i32 to index
      %swap3A_225 = tpu.vector_load %arg9[%swap3A_224] {strides = array<i32>} : memref<10000xi32, #tpu.memory_space<vmem>>, vector<16xi32>,
      tpu.vector_store %arg9[%swap3A_224], %xor3A_223 {strides = array<i32>} : memref<10000xi32, #tpu.memory_space<vmem>>, vector<16xi32>,
      %shift_right_arithmetic3A_226 = arith.constant 20 : i32
      %shift_right_arithmetic3A_227 = vector.broadcast %shift_right_arithmetic3A_226 : i32 to vector<16xi32>
      %shift_right_arithmetic3A_228 = arith.shrsi %xor3A_223, %shift_right_arithmetic3A_227 : vector<16xi32>
      %add3A_229 = arith.constant 10240 : i32
      %add3A_230 = vector.broadcast %add3A_229 : i32 to vector<16xi32>
      %add3A_231 = arith.addi %shift_right_arithmetic3A_228, %add3A_230 : vector<16xi32>
      tpu.vector_store_idx %arg13[%add3A_231], %convert_element_type3A {add = true} : memref<20480xi32, #tpu.memory_space<vmem>>[vector<16xi32>], vector<16xi32>,
      %mul3A_232 = arith.constant 5 : i32
      %mul3A_233 = arith.muli %scan3A_155, %mul3A_232 : i32
      %add3A_234 = arith.constant 3 : i32
      %add3A_235 = arith.addi %mul3A_233, %add3A_234 : i32
      %mul3A_236 = arith.constant 16 : i32
      %mul3A_237 = arith.muli %add3A_235, %mul3A_236 : i32
      %get3A_238 = arith.index_cast %mul3A_237 : i32 to index
      %get3A_239 = tpu.vector_load %arg7[%get3A_238] {strides = array<i32>} : memref<10000xf32, #tpu.memory_space<vmem>>, vector<16xf32>,
      %get3A_240 = arith.index_cast %mul3A_237 : i32 to index
      %get3A_241 = tpu.vector_load %arg8[%get3A_240] {strides = array<i32>} : memref<10000xf32, #tpu.memory_space<vmem>>, vector<16xf32>,
      %add3A_242 = arith.addf %get3A_239, %get3A_241 : vector<16xf32>
      %bitcast3A_243 = vector.bitcast %add3A_242 : vector<16xf32> to vector<16xi32>
      %shift_right_arithmetic3A_244 = arith.constant 31 : i32
      %shift_right_arithmetic3A_245 = vector.broadcast %shift_right_arithmetic3A_244 : i32 to vector<16xi32>
      %shift_right_arithmetic3A_246 = arith.shrsi %bitcast3A_243, %shift_right_arithmetic3A_245 : vector<16xi32>
      %and3A_247 = arith.constant 2147483647 : i32
      %and3A_248 = vector.broadcast %and3A_247 : i32 to vector<16xi32>
      %and3A_249 = arith.andi %shift_right_arithmetic3A_246, %and3A_248 : vector<16xi32>
      %xor3A_250 = arith.xori %bitcast3A_243, %and3A_249 : vector<16xi32>
      %swap3A_251 = arith.index_cast %mul3A_237 : i32 to index
      %swap3A_252 = tpu.vector_load %arg9[%swap3A_251] {strides = array<i32>} : memref<10000xi32, #tpu.memory_space<vmem>>, vector<16xi32>,
      tpu.vector_store %arg9[%swap3A_251], %xor3A_250 {strides = array<i32>} : memref<10000xi32, #tpu.memory_space<vmem>>, vector<16xi32>,
      %shift_right_arithmetic3A_253 = arith.constant 20 : i32
      %shift_right_arithmetic3A_254 = vector.broadcast %shift_right_arithmetic3A_253 : i32 to vector<16xi32>
      %shift_right_arithmetic3A_255 = arith.shrsi %xor3A_250, %shift_right_arithmetic3A_254 : vector<16xi32>
      %add3A_256 = arith.constant 14336 : i32
      %add3A_257 = vector.broadcast %add3A_256 : i32 to vector<16xi32>
      %add3A_258 = arith.addi %shift_right_arithmetic3A_255, %add3A_257 : vector<16xi32>
      tpu.vector_store_idx %arg13[%add3A_258], %convert_element_type3A {add = true} : memref<20480xi32, #tpu.memory_space<vmem>>[vector<16xi32>], vector<16xi32>,
      %mul3A_259 = arith.constant 5 : i32
      %mul3A_260 = arith.muli %scan3A_155, %mul3A_259 : i32
      %add3A_261 = arith.constant 4 : i32
      %add3A_262 = arith.addi %mul3A_260, %add3A_261 : i32
      %mul3A_263 = arith.constant 16 : i32
      %mul3A_264 = arith.muli %add3A_262, %mul3A_263 : i32
      %get3A_265 = arith.index_cast %mul3A_264 : i32 to index
      %get3A_266 = tpu.vector_load %arg7[%get3A_265] {strides = array<i32>} : memref<10000xf32, #tpu.memory_space<vmem>>, vector<16xf32>,
      %get3A_267 = arith.index_cast %mul3A_264 : i32 to index
      %get3A_268 = tpu.vector_load %arg8[%get3A_267] {strides = array<i32>} : memref<10000xf32, #tpu.memory_space<vmem>>, vector<16xf32>,
      %add3A_269 = arith.addf %get3A_266, %get3A_268 : vector<16xf32>
      %bitcast3A_270 = vector.bitcast %add3A_269 : vector<16xf32> to vector<16xi32>
      %shift_right_arithmetic3A_271 = arith.constant 31 : i32
      %shift_right_arithmetic3A_272 = vector.broadcast %shift_right_arithmetic3A_271 : i32 to vector<16xi32>
      %shift_right_arithmetic3A_273 = arith.shrsi %bitcast3A_270, %shift_right_arithmetic3A_272 : vector<16xi32>
      %and3A_274 = arith.constant 2147483647 : i32
      %and3A_275 = vector.broadcast %and3A_274 : i32 to vector<16xi32>
      %and3A_276 = arith.andi %shift_right_arithmetic3A_273, %and3A_275 : vector<16xi32>
      %xor3A_277 = arith.xori %bitcast3A_270, %and3A_276 : vector<16xi32>
      %swap3A_278 = arith.index_cast %mul3A_264 : i32 to index
      %swap3A_279 = tpu.vector_load %arg9[%swap3A_278] {strides = array<i32>} : memref<10000xi32, #tpu.memory_space<vmem>>, vector<16xi32>,
      tpu.vector_store %arg9[%swap3A_278], %xor3A_277 {strides = array<i32>} : memref<10000xi32, #tpu.memory_space<vmem>>, vector<16xi32>,
      %shift_right_arithmetic3A_280 = arith.constant 20 : i32
      %shift_right_arithmetic3A_281 = vector.broadcast %shift_right_arithmetic3A_280 : i32 to vector<16xi32>
      %shift_right_arithmetic3A_282 = arith.shrsi %xor3A_277, %shift_right_arithmetic3A_281 : vector<16xi32>
      %add3A_283 = arith.constant 18432 : i32
      %add3A_284 = vector.broadcast %add3A_283 : i32 to vector<16xi32>
      %add3A_285 = arith.addi %shift_right_arithmetic3A_282, %add3A_284 : vector<16xi32>
      tpu.vector_store_idx %arg13[%add3A_285], %convert_element_type3A {add = true} : memref<20480xi32, #tpu.memory_space<vmem>>[vector<16xi32>], vector<16xi32>,
      %scan3A_286 = arith.constant 0 : i32
      scf.yield %scan3A_286 : i32
    }
    %scan3A_144 = arith.constant 125 : i32
    %mul3A_145 = arith.constant 50000 : i32
    %mul3A_146 = arith.muli %add3A, %mul3A_145 : i32
    %add3A_147 = arith.constant 40000 : i32
    %add3A_148 = arith.addi %mul3A_146, %add3A_147 : i32
    %dma_start3A_149 = tpu.memref_slice %arg5[%add3A_148] : memref<1600000xi32, #tpu.memory_space<hbm>> -> memref<10000xi32, #tpu.memory_space<hbm>>
    %dma_start3A_150 = tpu.memref_slice %arg5[%add3A_148] : memref<1600000xi32, #tpu.memory_space<hbm>> -> memref<10000xi32, #tpu.memory_space<hbm>>
    tpu.enqueue_dma source(%arg9 : memref<10000xi32, #tpu.memory_space<vmem>>) target(%dma_start3A_150 : memref<10000xi32, #tpu.memory_space<hbm>>) target_semaphore(%arg16 : memref<!tpu.dma_semaphore, #tpu.memory_space<semaphore_mem>>)
    %dma_wait3A_151 = tpu.memref_slice %arg5[%add3A_129] : memref<1600000xi32, #tpu.memory_space<hbm>> -> memref<10000xi32, #tpu.memory_space<hbm>>
    %dma_wait3A_152 = tpu.memref_slice %arg5[%add3A_129] : memref<1600000xi32, #tpu.memory_space<hbm>> -> memref<10000xi32, #tpu.memory_space<hbm>>
    tpu.wait_dma2 semaphore(%arg19 : memref<!tpu.dma_semaphore, #tpu.memory_space<semaphore_mem>>) src(%arg12 : memref<10000xi32, #tpu.memory_space<vmem>>) dst(%dma_wait3A_152 : memref<10000xi32, #tpu.memory_space<hbm>>)
    %dma_wait3A_153 = tpu.memref_slice %arg5[%add3A_148] : memref<1600000xi32, #tpu.memory_space<hbm>> -> memref<10000xi32, #tpu.memory_space<hbm>>
    %dma_wait3A_154 = tpu.memref_slice %arg5[%add3A_148] : memref<1600000xi32, #tpu.memory_space<hbm>> -> memref<10000xi32, #tpu.memory_space<hbm>>
    tpu.wait_dma2 semaphore(%arg16 : memref<!tpu.dma_semaphore, #tpu.memory_space<semaphore_mem>>) src(%arg9 : memref<10000xi32, #tpu.memory_space<vmem>>) dst(%dma_wait3A_154 : memref<10000xi32, #tpu.memory_space<hbm>>)
    "tpu.region"() ({
      %run_scoped3A = tpu.sem_alloc : memref<!tpu.dma_semaphore, #tpu.memory_space<semaphore_mem>>
      %dma_start3A_155 = arith.constant 0 : i32
      %dma_start3A_156 = tpu.memref_slice %arg6[%add3A, %dma_start3A_155] : memref<32x20480xi32, #tpu.memory_space<hbm>> -> memref<1x20480xi32, #tpu.memory_space<hbm>>
      %dma_start3A_157 = tpu.memref_squeeze %dma_start3A_156 : memref<1x20480xi32, #tpu.memory_space<hbm>> -> memref<20480xi32, #tpu.memory_space<hbm>>
      %dma_start3A_158 = arith.constant 0 : i32
      %dma_start3A_159 = tpu.memref_slice %arg6[%add3A, %dma_start3A_158] : memref<32x20480xi32, #tpu.memory_space<hbm>> -> memref<1x20480xi32, #tpu.memory_space<hbm>>
      %dma_start3A_160 = tpu.memref_squeeze %dma_start3A_159 : memref<1x20480xi32, #tpu.memory_space<hbm>> -> memref<20480xi32, #tpu.memory_space<hbm>>
      tpu.enqueue_dma source(%arg13 : memref<20480xi32, #tpu.memory_space<vmem>>) target(%dma_start3A_160 : memref<20480xi32, #tpu.memory_space<hbm>>) target_semaphore(%run_scoped3A : memref<!tpu.dma_semaphore, #tpu.memory_space<semaphore_mem>>)
      %dma_wait3A_161 = arith.constant 0 : i32
      %dma_wait3A_162 = tpu.memref_slice %arg6[%add3A, %dma_wait3A_161] : memref<32x20480xi32, #tpu.memory_space<hbm>> -> memref<1x20480xi32, #tpu.memory_space<hbm>>
      %dma_wait3A_163 = tpu.memref_squeeze %dma_wait3A_162 : memref<1x20480xi32, #tpu.memory_space<hbm>> -> memref<20480xi32, #tpu.memory_space<hbm>>
      %dma_wait3A_164 = arith.constant 0 : i32
      %dma_wait3A_165 = tpu.memref_slice %arg6[%add3A, %dma_wait3A_164] : memref<32x20480xi32, #tpu.memory_space<hbm>> -> memref<1x20480xi32, #tpu.memory_space<hbm>>
      %dma_wait3A_166 = tpu.memref_squeeze %dma_wait3A_165 : memref<1x20480xi32, #tpu.memory_space<hbm>> -> memref<20480xi32, #tpu.memory_space<hbm>>
      tpu.wait_dma2 semaphore(%run_scoped3A : memref<!tpu.dma_semaphore, #tpu.memory_space<semaphore_mem>>) src(%arg13 : memref<20480xi32, #tpu.memory_space<vmem>>) dst(%dma_wait3A_166 : memref<20480xi32, #tpu.memory_space<hbm>>)
      tpu.yield
    }) : () -> ()
    return
  }
}

#map = affine_map<(d0, d1) -> (0)>
#map1 = affine_map<(d0, d1) -> (0, 0)>
module attributes {stable_mosaic.version = 14 : i64} {
  func.func @_sc_compact_body(%arg0: i32, %arg1: i32, %arg2: memref<1600000xi32, #tpu.memory_space<hbm>>, %arg3: memref<1024xi32, #tpu.memory_space<hbm>>, %arg4: memref<20800xi32, #tpu.memory_space<hbm>>, %arg5: memref<32x20800xi32, #tpu.memory_space<hbm>>, %arg6: memref<10000xi32, #tpu.memory_space<vmem>>, %arg7: memref<10000xi32, #tpu.memory_space<vmem>>, %arg8: memref<16xi32, #tpu.memory_space<vmem>>, %arg9: memref<20800xi32, #tpu.memory_space<vmem>>, %arg10: memref<!tpu.dma_semaphore, #tpu.memory_space<semaphore_mem>>, %arg11: memref<!tpu.dma_semaphore, #tpu.memory_space<semaphore_mem>>, %arg12: memref<!tpu.dma_semaphore, #tpu.memory_space<semaphore_mem>>, %arg13: memref<!tpu.dma_semaphore, #tpu.memory_space<semaphore_mem>>) attributes {dimension_semantics = [#tpu.dimension_semantics<core_parallel>, #tpu.dimension_semantics<subcore_parallel>], iteration_bounds = array<i64: 2, 16>, scalar_prefetch = 0 : i64, scratch_operands = 8 : i64, tpu.core_type = #tpu.core_type<sc_vector_subcore>, window_params = [{transform_indices = #map}, {transform_indices = #map}, {transform_indices = #map}, {transform_indices = #map1}]} {
    %mul3A = arith.constant 2 : i32
    %mul3A_0 = arith.muli %arg1, %mul3A : i32
    %add3A = arith.addi %mul3A_0, %arg0 : i32
    %iota3A = tpu.iota {dimensions = array<i32: 0>} : vector<16xi32>
    %mul3A_1 = arith.constant 257 : i32
    %mul3A_2 = vector.broadcast %mul3A_1 : i32 to vector<16xi32>
    %mul3A_3 = arith.muli %iota3A, %mul3A_2 : vector<16xi32>
    tpu.enqueue_dma source(%arg4 : memref<20800xi32, #tpu.memory_space<hbm>>) target(%arg9 : memref<20800xi32, #tpu.memory_space<vmem>>) target_semaphore(%arg13 : memref<!tpu.dma_semaphore, #tpu.memory_space<semaphore_mem>>)
    %dma_start3A = arith.constant 0 : i32
    %dma_start3A_4 = tpu.memref_slice %arg3[%dma_start3A] : memref<1024xi32, #tpu.memory_space<hbm>> -> memref<16xi32, #tpu.memory_space<hbm>>
    %dma_start3A_5 = arith.constant 0 : i32
    %dma_start3A_6 = tpu.memref_slice %arg3[%dma_start3A_5] : memref<1024xi32, #tpu.memory_space<hbm>> -> memref<16xi32, #tpu.memory_space<hbm>>
    tpu.enqueue_dma source(%dma_start3A_6 : memref<16xi32, #tpu.memory_space<hbm>>) target(%arg8 : memref<16xi32, #tpu.memory_space<vmem>>) target_semaphore(%arg12 : memref<!tpu.dma_semaphore, #tpu.memory_space<semaphore_mem>>)
    %mul3A_7 = arith.constant 50000 : i32
    %mul3A_8 = arith.muli %add3A, %mul3A_7 : i32
    %add3A_9 = arith.constant 0 : i32
    %add3A_10 = arith.addi %mul3A_8, %add3A_9 : i32
    %dma_start3A_11 = tpu.memref_slice %arg2[%add3A_10] : memref<1600000xi32, #tpu.memory_space<hbm>> -> memref<10000xi32, #tpu.memory_space<hbm>>
    %dma_start3A_12 = tpu.memref_slice %arg2[%add3A_10] : memref<1600000xi32, #tpu.memory_space<hbm>> -> memref<10000xi32, #tpu.memory_space<hbm>>
    tpu.enqueue_dma source(%dma_start3A_12 : memref<10000xi32, #tpu.memory_space<hbm>>) target(%arg6 : memref<10000xi32, #tpu.memory_space<vmem>>) target_semaphore(%arg10 : memref<!tpu.dma_semaphore, #tpu.memory_space<semaphore_mem>>)
    %dma_wait3A = arith.constant 0 : i32
    %dma_wait3A_13 = tpu.memref_slice %arg3[%dma_wait3A] : memref<1024xi32, #tpu.memory_space<hbm>> -> memref<16xi32, #tpu.memory_space<hbm>>
    %dma_wait3A_14 = arith.constant 0 : i32
    %dma_wait3A_15 = tpu.memref_slice %arg3[%dma_wait3A_14] : memref<1024xi32, #tpu.memory_space<hbm>> -> memref<16xi32, #tpu.memory_space<hbm>>
    tpu.wait_dma2 semaphore(%arg12 : memref<!tpu.dma_semaphore, #tpu.memory_space<semaphore_mem>>) src(%dma_wait3A_15 : memref<16xi32, #tpu.memory_space<hbm>>) dst(%arg8 : memref<16xi32, #tpu.memory_space<vmem>>)
    %get3A = arith.constant 0 : index
    %get3A_16 = tpu.vector_load %arg8[%get3A] {strides = array<i32>} : memref<16xi32, #tpu.memory_space<vmem>>, vector<16xi32>,
    tpu.wait_dma2 semaphore(%arg13 : memref<!tpu.dma_semaphore, #tpu.memory_space<semaphore_mem>>) src(%arg4 : memref<20800xi32, #tpu.memory_space<hbm>>) dst(%arg9 : memref<20800xi32, #tpu.memory_space<vmem>>)
    %broadcast_in_dim3A = arith.constant 0 : i32
    %broadcast_in_dim3A_17 = vector.broadcast %broadcast_in_dim3A : i32 to vector<16xi32>
    %mul3A_18 = arith.constant 50000 : i32
    %mul3A_19 = arith.muli %add3A, %mul3A_18 : i32
    %add3A_20 = arith.constant 10000 : i32
    %add3A_21 = arith.addi %mul3A_19, %add3A_20 : i32
    %dma_start3A_22 = tpu.memref_slice %arg2[%add3A_21] : memref<1600000xi32, #tpu.memory_space<hbm>> -> memref<10000xi32, #tpu.memory_space<hbm>>
    %dma_start3A_23 = tpu.memref_slice %arg2[%add3A_21] : memref<1600000xi32, #tpu.memory_space<hbm>> -> memref<10000xi32, #tpu.memory_space<hbm>>
    tpu.enqueue_dma source(%dma_start3A_23 : memref<10000xi32, #tpu.memory_space<hbm>>) target(%arg7 : memref<10000xi32, #tpu.memory_space<vmem>>) target_semaphore(%arg11 : memref<!tpu.dma_semaphore, #tpu.memory_space<semaphore_mem>>)
    %dma_wait3A_24 = tpu.memref_slice %arg2[%add3A_10] : memref<1600000xi32, #tpu.memory_space<hbm>> -> memref<10000xi32, #tpu.memory_space<hbm>>
    %dma_wait3A_25 = tpu.memref_slice %arg2[%add3A_10] : memref<1600000xi32, #tpu.memory_space<hbm>> -> memref<10000xi32, #tpu.memory_space<hbm>>
    tpu.wait_dma2 semaphore(%arg10 : memref<!tpu.dma_semaphore, #tpu.memory_space<semaphore_mem>>) src(%dma_wait3A_25 : memref<10000xi32, #tpu.memory_space<hbm>>) dst(%arg6 : memref<10000xi32, #tpu.memory_space<vmem>>)
    %scan3A = arith.constant 0 : i32
    %scan3A_26 = arith.constant 125 : i32
    %scan3A_27 = arith.addi %scan3A, %scan3A_26 : i32
    %scan3A_28 = arith.constant 1 : i32
    %scan3A_29:5 = scf.for %scan3A_81 = %scan3A to %scan3A_27 step %scan3A_28 iter_args(%scan3A_82 = %broadcast_in_dim3A_17, %scan3A_83 = %broadcast_in_dim3A_17, %scan3A_84 = %broadcast_in_dim3A_17, %scan3A_85 = %broadcast_in_dim3A_17, %scan3A_86 = %broadcast_in_dim3A_17) -> (vector<16xi32>, vector<16xi32>, vector<16xi32>, vector<16xi32>, vector<16xi32>)  : i32 {
      %mul3A_87 = arith.constant 5 : i32
      %mul3A_88 = arith.muli %scan3A_81, %mul3A_87 : i32
      %add3A_89 = arith.constant 0 : i32
      %add3A_90 = arith.addi %mul3A_88, %add3A_89 : i32
      %mul3A_91 = arith.constant 16 : i32
      %mul3A_92 = arith.muli %add3A_90, %mul3A_91 : i32
      %get3A_93 = arith.index_cast %mul3A_92 : i32 to index
      %get3A_94 = tpu.vector_load %arg6[%get3A_93] {strides = array<i32>} : memref<10000xi32, #tpu.memory_space<vmem>>, vector<16xi32>,
      %shift_right_arithmetic3A = arith.constant 20 : i32
      %shift_right_arithmetic3A_95 = vector.broadcast %shift_right_arithmetic3A : i32 to vector<16xi32>
      %shift_right_arithmetic3A_96 = arith.shrsi %get3A_94, %shift_right_arithmetic3A_95 : vector<16xi32>
      %add3A_97 = arith.constant 2048 : i32
      %add3A_98 = vector.broadcast %add3A_97 : i32 to vector<16xi32>
      %add3A_99 = arith.addi %shift_right_arithmetic3A_96, %add3A_98 : vector<16xi32>
      %eq3A = arith.cmpi eq, %add3A_99, %get3A_16 : vector<16xi32>
      %and3A = arith.constant 1048575 : i32
      %and3A_100 = vector.broadcast %and3A : i32 to vector<16xi32>
      %and3A_101 = arith.andi %get3A_94, %and3A_100 : vector<16xi32>
      %add3A_102 = arith.constant 0 : i32
      %add3A_103 = vector.broadcast %add3A_102 : i32 to vector<16xi32>
      %add3A_104 = arith.addi %add3A_103, %mul3A_3 : vector<16xi32>
      %min3A = arith.constant 256 : i32
      %min3A_105 = vector.broadcast %min3A : i32 to vector<16xi32>
      %min3A_106 = arith.minsi %scan3A_82, %min3A_105 : vector<16xi32>
      %add3A_107 = arith.addi %add3A_104, %min3A_106 : vector<16xi32>
      tpu.vector_store_idx %arg9[%add3A_107], %and3A_101 masked %eq3A : memref<20800xi32, #tpu.memory_space<vmem>>[vector<16xi32>], vector<16xi32>, vector<16xi1>
      %convert_element_type3A = arith.extui %eq3A : vector<16xi1> to vector<16xi32>
      %add3A_108 = arith.addi %scan3A_82, %convert_element_type3A : vector<16xi32>
      %mul3A_109 = arith.constant 5 : i32
      %mul3A_110 = arith.muli %scan3A_81, %mul3A_109 : i32
      %add3A_111 = arith.constant 1 : i32
      %add3A_112 = arith.addi %mul3A_110, %add3A_111 : i32
      %mul3A_113 = arith.constant 16 : i32
      %mul3A_114 = arith.muli %add3A_112, %mul3A_113 : i32
      %get3A_115 = arith.index_cast %mul3A_114 : i32 to index
      %get3A_116 = tpu.vector_load %arg6[%get3A_115] {strides = array<i32>} : memref<10000xi32, #tpu.memory_space<vmem>>, vector<16xi32>,
      %shift_right_arithmetic3A_117 = arith.constant 20 : i32
      %shift_right_arithmetic3A_118 = vector.broadcast %shift_right_arithmetic3A_117 : i32 to vector<16xi32>
      %shift_right_arithmetic3A_119 = arith.shrsi %get3A_116, %shift_right_arithmetic3A_118 : vector<16xi32>
      %add3A_120 = arith.constant 2048 : i32
      %add3A_121 = vector.broadcast %add3A_120 : i32 to vector<16xi32>
      %add3A_122 = arith.addi %shift_right_arithmetic3A_119, %add3A_121 : vector<16xi32>
      %eq3A_123 = arith.cmpi eq, %add3A_122, %get3A_16 : vector<16xi32>
      %and3A_124 = arith.constant 1048575 : i32
      %and3A_125 = vector.broadcast %and3A_124 : i32 to vector<16xi32>
      %and3A_126 = arith.andi %get3A_116, %and3A_125 : vector<16xi32>
      %add3A_127 = arith.constant 4160 : i32
      %add3A_128 = vector.broadcast %add3A_127 : i32 to vector<16xi32>
      %add3A_129 = arith.addi %add3A_128, %mul3A_3 : vector<16xi32>
      %min3A_130 = arith.constant 256 : i32
      %min3A_131 = vector.broadcast %min3A_130 : i32 to vector<16xi32>
      %min3A_132 = arith.minsi %scan3A_83, %min3A_131 : vector<16xi32>
      %add3A_133 = arith.addi %add3A_129, %min3A_132 : vector<16xi32>
      tpu.vector_store_idx %arg9[%add3A_133], %and3A_126 masked %eq3A_123 : memref<20800xi32, #tpu.memory_space<vmem>>[vector<16xi32>], vector<16xi32>, vector<16xi1>
      %convert_element_type3A_134 = arith.extui %eq3A_123 : vector<16xi1> to vector<16xi32>
      %add3A_135 = arith.addi %scan3A_83, %convert_element_type3A_134 : vector<16xi32>
      %mul3A_136 = arith.constant 5 : i32
      %mul3A_137 = arith.muli %scan3A_81, %mul3A_136 : i32
      %add3A_138 = arith.constant 2 : i32
      %add3A_139 = arith.addi %mul3A_137, %add3A_138 : i32
      %mul3A_140 = arith.constant 16 : i32
      %mul3A_141 = arith.muli %add3A_139, %mul3A_140 : i32
      %get3A_142 = arith.index_cast %mul3A_141 : i32 to index
      %get3A_143 = tpu.vector_load %arg6[%get3A_142] {strides = array<i32>} : memref<10000xi32, #tpu.memory_space<vmem>>, vector<16xi32>,
      %shift_right_arithmetic3A_144 = arith.constant 20 : i32
      %shift_right_arithmetic3A_145 = vector.broadcast %shift_right_arithmetic3A_144 : i32 to vector<16xi32>
      %shift_right_arithmetic3A_146 = arith.shrsi %get3A_143, %shift_right_arithmetic3A_145 : vector<16xi32>
      %add3A_147 = arith.constant 2048 : i32
      %add3A_148 = vector.broadcast %add3A_147 : i32 to vector<16xi32>
      %add3A_149 = arith.addi %shift_right_arithmetic3A_146, %add3A_148 : vector<16xi32>
      %eq3A_150 = arith.cmpi eq, %add3A_149, %get3A_16 : vector<16xi32>
      %and3A_151 = arith.constant 1048575 : i32
      %and3A_152 = vector.broadcast %and3A_151 : i32 to vector<16xi32>
      %and3A_153 = arith.andi %get3A_143, %and3A_152 : vector<16xi32>
      %add3A_154 = arith.constant 8320 : i32
      %add3A_155 = vector.broadcast %add3A_154 : i32 to vector<16xi32>
      %add3A_156 = arith.addi %add3A_155, %mul3A_3 : vector<16xi32>
      %min3A_157 = arith.constant 256 : i32
      %min3A_158 = vector.broadcast %min3A_157 : i32 to vector<16xi32>
      %min3A_159 = arith.minsi %scan3A_84, %min3A_158 : vector<16xi32>
      %add3A_160 = arith.addi %add3A_156, %min3A_159 : vector<16xi32>
      tpu.vector_store_idx %arg9[%add3A_160], %and3A_153 masked %eq3A_150 : memref<20800xi32, #tpu.memory_space<vmem>>[vector<16xi32>], vector<16xi32>, vector<16xi1>
      %convert_element_type3A_161 = arith.extui %eq3A_150 : vector<16xi1> to vector<16xi32>
      %add3A_162 = arith.addi %scan3A_84, %convert_element_type3A_161 : vector<16xi32>
      %mul3A_163 = arith.constant 5 : i32
      %mul3A_164 = arith.muli %scan3A_81, %mul3A_163 : i32
      %add3A_165 = arith.constant 3 : i32
      %add3A_166 = arith.addi %mul3A_164, %add3A_165 : i32
      %mul3A_167 = arith.constant 16 : i32
      %mul3A_168 = arith.muli %add3A_166, %mul3A_167 : i32
      %get3A_169 = arith.index_cast %mul3A_168 : i32 to index
      %get3A_170 = tpu.vector_load %arg6[%get3A_169] {strides = array<i32>} : memref<10000xi32, #tpu.memory_space<vmem>>, vector<16xi32>,
      %shift_right_arithmetic3A_171 = arith.constant 20 : i32
      %shift_right_arithmetic3A_172 = vector.broadcast %shift_right_arithmetic3A_171 : i32 to vector<16xi32>
      %shift_right_arithmetic3A_173 = arith.shrsi %get3A_170, %shift_right_arithmetic3A_172 : vector<16xi32>
      %add3A_174 = arith.constant 2048 : i32
      %add3A_175 = vector.broadcast %add3A_174 : i32 to vector<16xi32>
      %add3A_176 = arith.addi %shift_right_arithmetic3A_173, %add3A_175 : vector<16xi32>
      %eq3A_177 = arith.cmpi eq, %add3A_176, %get3A_16 : vector<16xi32>
      %and3A_178 = arith.constant 1048575 : i32
      %and3A_179 = vector.broadcast %and3A_178 : i32 to vector<16xi32>
      %and3A_180 = arith.andi %get3A_170, %and3A_179 : vector<16xi32>
      %add3A_181 = arith.constant 12480 : i32
      %add3A_182 = vector.broadcast %add3A_181 : i32 to vector<16xi32>
      %add3A_183 = arith.addi %add3A_182, %mul3A_3 : vector<16xi32>
      %min3A_184 = arith.constant 256 : i32
      %min3A_185 = vector.broadcast %min3A_184 : i32 to vector<16xi32>
      %min3A_186 = arith.minsi %scan3A_85, %min3A_185 : vector<16xi32>
      %add3A_187 = arith.addi %add3A_183, %min3A_186 : vector<16xi32>
      tpu.vector_store_idx %arg9[%add3A_187], %and3A_180 masked %eq3A_177 : memref<20800xi32, #tpu.memory_space<vmem>>[vector<16xi32>], vector<16xi32>, vector<16xi1>
      %convert_element_type3A_188 = arith.extui %eq3A_177 : vector<16xi1> to vector<16xi32>
      %add3A_189 = arith.addi %scan3A_85, %convert_element_type3A_188 : vector<16xi32>
      %mul3A_190 = arith.constant 5 : i32
      %mul3A_191 = arith.muli %scan3A_81, %mul3A_190 : i32
      %add3A_192 = arith.constant 4 : i32
      %add3A_193 = arith.addi %mul3A_191, %add3A_192 : i32
      %mul3A_194 = arith.constant 16 : i32
      %mul3A_195 = arith.muli %add3A_193, %mul3A_194 : i32
      %get3A_196 = arith.index_cast %mul3A_195 : i32 to index
      %get3A_197 = tpu.vector_load %arg6[%get3A_196] {strides = array<i32>} : memref<10000xi32, #tpu.memory_space<vmem>>, vector<16xi32>,
      %shift_right_arithmetic3A_198 = arith.constant 20 : i32
      %shift_right_arithmetic3A_199 = vector.broadcast %shift_right_arithmetic3A_198 : i32 to vector<16xi32>
      %shift_right_arithmetic3A_200 = arith.shrsi %get3A_197, %shift_right_arithmetic3A_199 : vector<16xi32>
      %add3A_201 = arith.constant 2048 : i32
      %add3A_202 = vector.broadcast %add3A_201 : i32 to vector<16xi32>
      %add3A_203 = arith.addi %shift_right_arithmetic3A_200, %add3A_202 : vector<16xi32>
      %eq3A_204 = arith.cmpi eq, %add3A_203, %get3A_16 : vector<16xi32>
      %and3A_205 = arith.constant 1048575 : i32
      %and3A_206 = vector.broadcast %and3A_205 : i32 to vector<16xi32>
      %and3A_207 = arith.andi %get3A_197, %and3A_206 : vector<16xi32>
      %add3A_208 = arith.constant 16640 : i32
      %add3A_209 = vector.broadcast %add3A_208 : i32 to vector<16xi32>
      %add3A_210 = arith.addi %add3A_209, %mul3A_3 : vector<16xi32>
      %min3A_211 = arith.constant 256 : i32
      %min3A_212 = vector.broadcast %min3A_211 : i32 to vector<16xi32>
      %min3A_213 = arith.minsi %scan3A_86, %min3A_212 : vector<16xi32>
      %add3A_214 = arith.addi %add3A_210, %min3A_213 : vector<16xi32>
      tpu.vector_store_idx %arg9[%add3A_214], %and3A_207 masked %eq3A_204 : memref<20800xi32, #tpu.memory_space<vmem>>[vector<16xi32>], vector<16xi32>, vector<16xi1>
      %convert_element_type3A_215 = arith.extui %eq3A_204 : vector<16xi1> to vector<16xi32>
      %add3A_216 = arith.addi %scan3A_86, %convert_element_type3A_215 : vector<16xi32>
      scf.yield %add3A_108, %add3A_135, %add3A_162, %add3A_189, %add3A_216 : vector<16xi32>, vector<16xi32>, vector<16xi32>, vector<16xi32>, vector<16xi32>
    }
    %scan3A_30 = arith.constant 125 : i32
    %mul3A_31 = arith.constant 50000 : i32
    %mul3A_32 = arith.muli %add3A, %mul3A_31 : i32
    %add3A_33 = arith.constant 20000 : i32
    %add3A_34 = arith.addi %mul3A_32, %add3A_33 : i32
    %dma_start3A_35 = tpu.memref_slice %arg2[%add3A_34] : memref<1600000xi32, #tpu.memory_space<hbm>> -> memref<10000xi32, #tpu.memory_space<hbm>>
    %dma_start3A_36 = tpu.memref_slice %arg2[%add3A_34] : memref<1600000xi32, #tpu.memory_space<hbm>> -> memref<10000xi32, #tpu.memory_space<hbm>>
    tpu.enqueue_dma source(%dma_start3A_36 : memref<10000xi32, #tpu.memory_space<hbm>>) target(%arg6 : memref<10000xi32, #tpu.memory_space<vmem>>) target_semaphore(%arg10 : memref<!tpu.dma_semaphore, #tpu.memory_space<semaphore_mem>>)
    %dma_wait3A_37 = tpu.memref_slice %arg2[%add3A_21] : memref<1600000xi32, #tpu.memory_space<hbm>> -> memref<10000xi32, #tpu.memory_space<hbm>>
    %dma_wait3A_38 = tpu.memref_slice %arg2[%add3A_21] : memref<1600000xi32, #tpu.memory_space<hbm>> -> memref<10000xi32, #tpu.memory_space<hbm>>
    tpu.wait_dma2 semaphore(%arg11 : memref<!tpu.dma_semaphore, #tpu.memory_space<semaphore_mem>>) src(%dma_wait3A_38 : memref<10000xi32, #tpu.memory_space<hbm>>) dst(%arg7 : memref<10000xi32, #tpu.memory_space<vmem>>)
    %scan3A_39 = arith.constant 0 : i32
    %scan3A_40 = arith.constant 125 : i32
    %scan3A_41 = arith.addi %scan3A_39, %scan3A_40 : i32
    %scan3A_42 = arith.constant 1 : i32
    %scan3A_43:5 = scf.for %scan3A_81 = %scan3A_39 to %scan3A_41 step %scan3A_42 iter_args(%scan3A_82 = %scan3A_29#0, %scan3A_83 = %scan3A_29#1, %scan3A_84 = %scan3A_29#2, %scan3A_85 = %scan3A_29#3, %scan3A_86 = %scan3A_29#4) -> (vector<16xi32>, vector<16xi32>, vector<16xi32>, vector<16xi32>, vector<16xi32>)  : i32 {
      %mul3A_87 = arith.constant 5 : i32
      %mul3A_88 = arith.muli %scan3A_81, %mul3A_87 : i32
      %add3A_89 = arith.constant 0 : i32
      %add3A_90 = arith.addi %mul3A_88, %add3A_89 : i32
      %mul3A_91 = arith.constant 16 : i32
      %mul3A_92 = arith.muli %add3A_90, %mul3A_91 : i32
      %get3A_93 = arith.index_cast %mul3A_92 : i32 to index
      %get3A_94 = tpu.vector_load %arg7[%get3A_93] {strides = array<i32>} : memref<10000xi32, #tpu.memory_space<vmem>>, vector<16xi32>,
      %shift_right_arithmetic3A = arith.constant 20 : i32
      %shift_right_arithmetic3A_95 = vector.broadcast %shift_right_arithmetic3A : i32 to vector<16xi32>
      %shift_right_arithmetic3A_96 = arith.shrsi %get3A_94, %shift_right_arithmetic3A_95 : vector<16xi32>
      %add3A_97 = arith.constant 2048 : i32
      %add3A_98 = vector.broadcast %add3A_97 : i32 to vector<16xi32>
      %add3A_99 = arith.addi %shift_right_arithmetic3A_96, %add3A_98 : vector<16xi32>
      %eq3A = arith.cmpi eq, %add3A_99, %get3A_16 : vector<16xi32>
      %and3A = arith.constant 1048575 : i32
      %and3A_100 = vector.broadcast %and3A : i32 to vector<16xi32>
      %and3A_101 = arith.andi %get3A_94, %and3A_100 : vector<16xi32>
      %add3A_102 = arith.constant 0 : i32
      %add3A_103 = vector.broadcast %add3A_102 : i32 to vector<16xi32>
      %add3A_104 = arith.addi %add3A_103, %mul3A_3 : vector<16xi32>
      %min3A = arith.constant 256 : i32
      %min3A_105 = vector.broadcast %min3A : i32 to vector<16xi32>
      %min3A_106 = arith.minsi %scan3A_82, %min3A_105 : vector<16xi32>
      %add3A_107 = arith.addi %add3A_104, %min3A_106 : vector<16xi32>
      tpu.vector_store_idx %arg9[%add3A_107], %and3A_101 masked %eq3A : memref<20800xi32, #tpu.memory_space<vmem>>[vector<16xi32>], vector<16xi32>, vector<16xi1>
      %convert_element_type3A = arith.extui %eq3A : vector<16xi1> to vector<16xi32>
      %add3A_108 = arith.addi %scan3A_82, %convert_element_type3A : vector<16xi32>
      %mul3A_109 = arith.constant 5 : i32
      %mul3A_110 = arith.muli %scan3A_81, %mul3A_109 : i32
      %add3A_111 = arith.constant 1 : i32
      %add3A_112 = arith.addi %mul3A_110, %add3A_111 : i32
      %mul3A_113 = arith.constant 16 : i32
      %mul3A_114 = arith.muli %add3A_112, %mul3A_113 : i32
      %get3A_115 = arith.index_cast %mul3A_114 : i32 to index
      %get3A_116 = tpu.vector_load %arg7[%get3A_115] {strides = array<i32>} : memref<10000xi32, #tpu.memory_space<vmem>>, vector<16xi32>,
      %shift_right_arithmetic3A_117 = arith.constant 20 : i32
      %shift_right_arithmetic3A_118 = vector.broadcast %shift_right_arithmetic3A_117 : i32 to vector<16xi32>
      %shift_right_arithmetic3A_119 = arith.shrsi %get3A_116, %shift_right_arithmetic3A_118 : vector<16xi32>
      %add3A_120 = arith.constant 2048 : i32
      %add3A_121 = vector.broadcast %add3A_120 : i32 to vector<16xi32>
      %add3A_122 = arith.addi %shift_right_arithmetic3A_119, %add3A_121 : vector<16xi32>
      %eq3A_123 = arith.cmpi eq, %add3A_122, %get3A_16 : vector<16xi32>
      %and3A_124 = arith.constant 1048575 : i32
      %and3A_125 = vector.broadcast %and3A_124 : i32 to vector<16xi32>
      %and3A_126 = arith.andi %get3A_116, %and3A_125 : vector<16xi32>
      %add3A_127 = arith.constant 4160 : i32
      %add3A_128 = vector.broadcast %add3A_127 : i32 to vector<16xi32>
      %add3A_129 = arith.addi %add3A_128, %mul3A_3 : vector<16xi32>
      %min3A_130 = arith.constant 256 : i32
      %min3A_131 = vector.broadcast %min3A_130 : i32 to vector<16xi32>
      %min3A_132 = arith.minsi %scan3A_83, %min3A_131 : vector<16xi32>
      %add3A_133 = arith.addi %add3A_129, %min3A_132 : vector<16xi32>
      tpu.vector_store_idx %arg9[%add3A_133], %and3A_126 masked %eq3A_123 : memref<20800xi32, #tpu.memory_space<vmem>>[vector<16xi32>], vector<16xi32>, vector<16xi1>
      %convert_element_type3A_134 = arith.extui %eq3A_123 : vector<16xi1> to vector<16xi32>
      %add3A_135 = arith.addi %scan3A_83, %convert_element_type3A_134 : vector<16xi32>
      %mul3A_136 = arith.constant 5 : i32
      %mul3A_137 = arith.muli %scan3A_81, %mul3A_136 : i32
      %add3A_138 = arith.constant 2 : i32
      %add3A_139 = arith.addi %mul3A_137, %add3A_138 : i32
      %mul3A_140 = arith.constant 16 : i32
      %mul3A_141 = arith.muli %add3A_139, %mul3A_140 : i32
      %get3A_142 = arith.index_cast %mul3A_141 : i32 to index
      %get3A_143 = tpu.vector_load %arg7[%get3A_142] {strides = array<i32>} : memref<10000xi32, #tpu.memory_space<vmem>>, vector<16xi32>,
      %shift_right_arithmetic3A_144 = arith.constant 20 : i32
      %shift_right_arithmetic3A_145 = vector.broadcast %shift_right_arithmetic3A_144 : i32 to vector<16xi32>
      %shift_right_arithmetic3A_146 = arith.shrsi %get3A_143, %shift_right_arithmetic3A_145 : vector<16xi32>
      %add3A_147 = arith.constant 2048 : i32
      %add3A_148 = vector.broadcast %add3A_147 : i32 to vector<16xi32>
      %add3A_149 = arith.addi %shift_right_arithmetic3A_146, %add3A_148 : vector<16xi32>
      %eq3A_150 = arith.cmpi eq, %add3A_149, %get3A_16 : vector<16xi32>
      %and3A_151 = arith.constant 1048575 : i32
      %and3A_152 = vector.broadcast %and3A_151 : i32 to vector<16xi32>
      %and3A_153 = arith.andi %get3A_143, %and3A_152 : vector<16xi32>
      %add3A_154 = arith.constant 8320 : i32
      %add3A_155 = vector.broadcast %add3A_154 : i32 to vector<16xi32>
      %add3A_156 = arith.addi %add3A_155, %mul3A_3 : vector<16xi32>
      %min3A_157 = arith.constant 256 : i32
      %min3A_158 = vector.broadcast %min3A_157 : i32 to vector<16xi32>
      %min3A_159 = arith.minsi %scan3A_84, %min3A_158 : vector<16xi32>
      %add3A_160 = arith.addi %add3A_156, %min3A_159 : vector<16xi32>
      tpu.vector_store_idx %arg9[%add3A_160], %and3A_153 masked %eq3A_150 : memref<20800xi32, #tpu.memory_space<vmem>>[vector<16xi32>], vector<16xi32>, vector<16xi1>
      %convert_element_type3A_161 = arith.extui %eq3A_150 : vector<16xi1> to vector<16xi32>
      %add3A_162 = arith.addi %scan3A_84, %convert_element_type3A_161 : vector<16xi32>
      %mul3A_163 = arith.constant 5 : i32
      %mul3A_164 = arith.muli %scan3A_81, %mul3A_163 : i32
      %add3A_165 = arith.constant 3 : i32
      %add3A_166 = arith.addi %mul3A_164, %add3A_165 : i32
      %mul3A_167 = arith.constant 16 : i32
      %mul3A_168 = arith.muli %add3A_166, %mul3A_167 : i32
      %get3A_169 = arith.index_cast %mul3A_168 : i32 to index
      %get3A_170 = tpu.vector_load %arg7[%get3A_169] {strides = array<i32>} : memref<10000xi32, #tpu.memory_space<vmem>>, vector<16xi32>,
      %shift_right_arithmetic3A_171 = arith.constant 20 : i32
      %shift_right_arithmetic3A_172 = vector.broadcast %shift_right_arithmetic3A_171 : i32 to vector<16xi32>
      %shift_right_arithmetic3A_173 = arith.shrsi %get3A_170, %shift_right_arithmetic3A_172 : vector<16xi32>
      %add3A_174 = arith.constant 2048 : i32
      %add3A_175 = vector.broadcast %add3A_174 : i32 to vector<16xi32>
      %add3A_176 = arith.addi %shift_right_arithmetic3A_173, %add3A_175 : vector<16xi32>
      %eq3A_177 = arith.cmpi eq, %add3A_176, %get3A_16 : vector<16xi32>
      %and3A_178 = arith.constant 1048575 : i32
      %and3A_179 = vector.broadcast %and3A_178 : i32 to vector<16xi32>
      %and3A_180 = arith.andi %get3A_170, %and3A_179 : vector<16xi32>
      %add3A_181 = arith.constant 12480 : i32
      %add3A_182 = vector.broadcast %add3A_181 : i32 to vector<16xi32>
      %add3A_183 = arith.addi %add3A_182, %mul3A_3 : vector<16xi32>
      %min3A_184 = arith.constant 256 : i32
      %min3A_185 = vector.broadcast %min3A_184 : i32 to vector<16xi32>
      %min3A_186 = arith.minsi %scan3A_85, %min3A_185 : vector<16xi32>
      %add3A_187 = arith.addi %add3A_183, %min3A_186 : vector<16xi32>
      tpu.vector_store_idx %arg9[%add3A_187], %and3A_180 masked %eq3A_177 : memref<20800xi32, #tpu.memory_space<vmem>>[vector<16xi32>], vector<16xi32>, vector<16xi1>
      %convert_element_type3A_188 = arith.extui %eq3A_177 : vector<16xi1> to vector<16xi32>
      %add3A_189 = arith.addi %scan3A_85, %convert_element_type3A_188 : vector<16xi32>
      %mul3A_190 = arith.constant 5 : i32
      %mul3A_191 = arith.muli %scan3A_81, %mul3A_190 : i32
      %add3A_192 = arith.constant 4 : i32
      %add3A_193 = arith.addi %mul3A_191, %add3A_192 : i32
      %mul3A_194 = arith.constant 16 : i32
      %mul3A_195 = arith.muli %add3A_193, %mul3A_194 : i32
      %get3A_196 = arith.index_cast %mul3A_195 : i32 to index
      %get3A_197 = tpu.vector_load %arg7[%get3A_196] {strides = array<i32>} : memref<10000xi32, #tpu.memory_space<vmem>>, vector<16xi32>,
      %shift_right_arithmetic3A_198 = arith.constant 20 : i32
      %shift_right_arithmetic3A_199 = vector.broadcast %shift_right_arithmetic3A_198 : i32 to vector<16xi32>
      %shift_right_arithmetic3A_200 = arith.shrsi %get3A_197, %shift_right_arithmetic3A_199 : vector<16xi32>
      %add3A_201 = arith.constant 2048 : i32
      %add3A_202 = vector.broadcast %add3A_201 : i32 to vector<16xi32>
      %add3A_203 = arith.addi %shift_right_arithmetic3A_200, %add3A_202 : vector<16xi32>
      %eq3A_204 = arith.cmpi eq, %add3A_203, %get3A_16 : vector<16xi32>
      %and3A_205 = arith.constant 1048575 : i32
      %and3A_206 = vector.broadcast %and3A_205 : i32 to vector<16xi32>
      %and3A_207 = arith.andi %get3A_197, %and3A_206 : vector<16xi32>
      %add3A_208 = arith.constant 16640 : i32
      %add3A_209 = vector.broadcast %add3A_208 : i32 to vector<16xi32>
      %add3A_210 = arith.addi %add3A_209, %mul3A_3 : vector<16xi32>
      %min3A_211 = arith.constant 256 : i32
      %min3A_212 = vector.broadcast %min3A_211 : i32 to vector<16xi32>
      %min3A_213 = arith.minsi %scan3A_86, %min3A_212 : vector<16xi32>
      %add3A_214 = arith.addi %add3A_210, %min3A_213 : vector<16xi32>
      tpu.vector_store_idx %arg9[%add3A_214], %and3A_207 masked %eq3A_204 : memref<20800xi32, #tpu.memory_space<vmem>>[vector<16xi32>], vector<16xi32>, vector<16xi1>
      %convert_element_type3A_215 = arith.extui %eq3A_204 : vector<16xi1> to vector<16xi32>
      %add3A_216 = arith.addi %scan3A_86, %convert_element_type3A_215 : vector<16xi32>
      scf.yield %add3A_108, %add3A_135, %add3A_162, %add3A_189, %add3A_216 : vector<16xi32>, vector<16xi32>, vector<16xi32>, vector<16xi32>, vector<16xi32>
    }
    %scan3A_44 = arith.constant 125 : i32
    %mul3A_45 = arith.constant 50000 : i32
    %mul3A_46 = arith.muli %add3A, %mul3A_45 : i32
    %add3A_47 = arith.constant 30000 : i32
    %add3A_48 = arith.addi %mul3A_46, %add3A_47 : i32
    %dma_start3A_49 = tpu.memref_slice %arg2[%add3A_48] : memref<1600000xi32, #tpu.memory_space<hbm>> -> memref<10000xi32, #tpu.memory_space<hbm>>
    %dma_start3A_50 = tpu.memref_slice %arg2[%add3A_48] : memref<1600000xi32, #tpu.memory_space<hbm>> -> memref<10000xi32, #tpu.memory_space<hbm>>
    tpu.enqueue_dma source(%dma_start3A_50 : memref<10000xi32, #tpu.memory_space<hbm>>) target(%arg7 : memref<10000xi32, #tpu.memory_space<vmem>>) target_semaphore(%arg11 : memref<!tpu.dma_semaphore, #tpu.memory_space<semaphore_mem>>)
    %dma_wait3A_51 = tpu.memref_slice %arg2[%add3A_34] : memref<1600000xi32, #tpu.memory_space<hbm>> -> memref<10000xi32, #tpu.memory_space<hbm>>
    %dma_wait3A_52 = tpu.memref_slice %arg2[%add3A_34] : memref<1600000xi32, #tpu.memory_space<hbm>> -> memref<10000xi32, #tpu.memory_space<hbm>>
    tpu.wait_dma2 semaphore(%arg10 : memref<!tpu.dma_semaphore, #tpu.memory_space<semaphore_mem>>) src(%dma_wait3A_52 : memref<10000xi32, #tpu.memory_space<hbm>>) dst(%arg6 : memref<10000xi32, #tpu.memory_space<vmem>>)
    %scan3A_53 = arith.constant 0 : i32
    %scan3A_54 = arith.constant 125 : i32
    %scan3A_55 = arith.addi %scan3A_53, %scan3A_54 : i32
    %scan3A_56 = arith.constant 1 : i32
    %scan3A_57:5 = scf.for %scan3A_81 = %scan3A_53 to %scan3A_55 step %scan3A_56 iter_args(%scan3A_82 = %scan3A_43#0, %scan3A_83 = %scan3A_43#1, %scan3A_84 = %scan3A_43#2, %scan3A_85 = %scan3A_43#3, %scan3A_86 = %scan3A_43#4) -> (vector<16xi32>, vector<16xi32>, vector<16xi32>, vector<16xi32>, vector<16xi32>)  : i32 {
      %mul3A_87 = arith.constant 5 : i32
      %mul3A_88 = arith.muli %scan3A_81, %mul3A_87 : i32
      %add3A_89 = arith.constant 0 : i32
      %add3A_90 = arith.addi %mul3A_88, %add3A_89 : i32
      %mul3A_91 = arith.constant 16 : i32
      %mul3A_92 = arith.muli %add3A_90, %mul3A_91 : i32
      %get3A_93 = arith.index_cast %mul3A_92 : i32 to index
      %get3A_94 = tpu.vector_load %arg6[%get3A_93] {strides = array<i32>} : memref<10000xi32, #tpu.memory_space<vmem>>, vector<16xi32>,
      %shift_right_arithmetic3A = arith.constant 20 : i32
      %shift_right_arithmetic3A_95 = vector.broadcast %shift_right_arithmetic3A : i32 to vector<16xi32>
      %shift_right_arithmetic3A_96 = arith.shrsi %get3A_94, %shift_right_arithmetic3A_95 : vector<16xi32>
      %add3A_97 = arith.constant 2048 : i32
      %add3A_98 = vector.broadcast %add3A_97 : i32 to vector<16xi32>
      %add3A_99 = arith.addi %shift_right_arithmetic3A_96, %add3A_98 : vector<16xi32>
      %eq3A = arith.cmpi eq, %add3A_99, %get3A_16 : vector<16xi32>
      %and3A = arith.constant 1048575 : i32
      %and3A_100 = vector.broadcast %and3A : i32 to vector<16xi32>
      %and3A_101 = arith.andi %get3A_94, %and3A_100 : vector<16xi32>
      %add3A_102 = arith.constant 0 : i32
      %add3A_103 = vector.broadcast %add3A_102 : i32 to vector<16xi32>
      %add3A_104 = arith.addi %add3A_103, %mul3A_3 : vector<16xi32>
      %min3A = arith.constant 256 : i32
      %min3A_105 = vector.broadcast %min3A : i32 to vector<16xi32>
      %min3A_106 = arith.minsi %scan3A_82, %min3A_105 : vector<16xi32>
      %add3A_107 = arith.addi %add3A_104, %min3A_106 : vector<16xi32>
      tpu.vector_store_idx %arg9[%add3A_107], %and3A_101 masked %eq3A : memref<20800xi32, #tpu.memory_space<vmem>>[vector<16xi32>], vector<16xi32>, vector<16xi1>
      %convert_element_type3A = arith.extui %eq3A : vector<16xi1> to vector<16xi32>
      %add3A_108 = arith.addi %scan3A_82, %convert_element_type3A : vector<16xi32>
      %mul3A_109 = arith.constant 5 : i32
      %mul3A_110 = arith.muli %scan3A_81, %mul3A_109 : i32
      %add3A_111 = arith.constant 1 : i32
      %add3A_112 = arith.addi %mul3A_110, %add3A_111 : i32
      %mul3A_113 = arith.constant 16 : i32
      %mul3A_114 = arith.muli %add3A_112, %mul3A_113 : i32
      %get3A_115 = arith.index_cast %mul3A_114 : i32 to index
      %get3A_116 = tpu.vector_load %arg6[%get3A_115] {strides = array<i32>} : memref<10000xi32, #tpu.memory_space<vmem>>, vector<16xi32>,
      %shift_right_arithmetic3A_117 = arith.constant 20 : i32
      %shift_right_arithmetic3A_118 = vector.broadcast %shift_right_arithmetic3A_117 : i32 to vector<16xi32>
      %shift_right_arithmetic3A_119 = arith.shrsi %get3A_116, %shift_right_arithmetic3A_118 : vector<16xi32>
      %add3A_120 = arith.constant 2048 : i32
      %add3A_121 = vector.broadcast %add3A_120 : i32 to vector<16xi32>
      %add3A_122 = arith.addi %shift_right_arithmetic3A_119, %add3A_121 : vector<16xi32>
      %eq3A_123 = arith.cmpi eq, %add3A_122, %get3A_16 : vector<16xi32>
      %and3A_124 = arith.constant 1048575 : i32
      %and3A_125 = vector.broadcast %and3A_124 : i32 to vector<16xi32>
      %and3A_126 = arith.andi %get3A_116, %and3A_125 : vector<16xi32>
      %add3A_127 = arith.constant 4160 : i32
      %add3A_128 = vector.broadcast %add3A_127 : i32 to vector<16xi32>
      %add3A_129 = arith.addi %add3A_128, %mul3A_3 : vector<16xi32>
      %min3A_130 = arith.constant 256 : i32
      %min3A_131 = vector.broadcast %min3A_130 : i32 to vector<16xi32>
      %min3A_132 = arith.minsi %scan3A_83, %min3A_131 : vector<16xi32>
      %add3A_133 = arith.addi %add3A_129, %min3A_132 : vector<16xi32>
      tpu.vector_store_idx %arg9[%add3A_133], %and3A_126 masked %eq3A_123 : memref<20800xi32, #tpu.memory_space<vmem>>[vector<16xi32>], vector<16xi32>, vector<16xi1>
      %convert_element_type3A_134 = arith.extui %eq3A_123 : vector<16xi1> to vector<16xi32>
      %add3A_135 = arith.addi %scan3A_83, %convert_element_type3A_134 : vector<16xi32>
      %mul3A_136 = arith.constant 5 : i32
      %mul3A_137 = arith.muli %scan3A_81, %mul3A_136 : i32
      %add3A_138 = arith.constant 2 : i32
      %add3A_139 = arith.addi %mul3A_137, %add3A_138 : i32
      %mul3A_140 = arith.constant 16 : i32
      %mul3A_141 = arith.muli %add3A_139, %mul3A_140 : i32
      %get3A_142 = arith.index_cast %mul3A_141 : i32 to index
      %get3A_143 = tpu.vector_load %arg6[%get3A_142] {strides = array<i32>} : memref<10000xi32, #tpu.memory_space<vmem>>, vector<16xi32>,
      %shift_right_arithmetic3A_144 = arith.constant 20 : i32
      %shift_right_arithmetic3A_145 = vector.broadcast %shift_right_arithmetic3A_144 : i32 to vector<16xi32>
      %shift_right_arithmetic3A_146 = arith.shrsi %get3A_143, %shift_right_arithmetic3A_145 : vector<16xi32>
      %add3A_147 = arith.constant 2048 : i32
      %add3A_148 = vector.broadcast %add3A_147 : i32 to vector<16xi32>
      %add3A_149 = arith.addi %shift_right_arithmetic3A_146, %add3A_148 : vector<16xi32>
      %eq3A_150 = arith.cmpi eq, %add3A_149, %get3A_16 : vector<16xi32>
      %and3A_151 = arith.constant 1048575 : i32
      %and3A_152 = vector.broadcast %and3A_151 : i32 to vector<16xi32>
      %and3A_153 = arith.andi %get3A_143, %and3A_152 : vector<16xi32>
      %add3A_154 = arith.constant 8320 : i32
      %add3A_155 = vector.broadcast %add3A_154 : i32 to vector<16xi32>
      %add3A_156 = arith.addi %add3A_155, %mul3A_3 : vector<16xi32>
      %min3A_157 = arith.constant 256 : i32
      %min3A_158 = vector.broadcast %min3A_157 : i32 to vector<16xi32>
      %min3A_159 = arith.minsi %scan3A_84, %min3A_158 : vector<16xi32>
      %add3A_160 = arith.addi %add3A_156, %min3A_159 : vector<16xi32>
      tpu.vector_store_idx %arg9[%add3A_160], %and3A_153 masked %eq3A_150 : memref<20800xi32, #tpu.memory_space<vmem>>[vector<16xi32>], vector<16xi32>, vector<16xi1>
      %convert_element_type3A_161 = arith.extui %eq3A_150 : vector<16xi1> to vector<16xi32>
      %add3A_162 = arith.addi %scan3A_84, %convert_element_type3A_161 : vector<16xi32>
      %mul3A_163 = arith.constant 5 : i32
      %mul3A_164 = arith.muli %scan3A_81, %mul3A_163 : i32
      %add3A_165 = arith.constant 3 : i32
      %add3A_166 = arith.addi %mul3A_164, %add3A_165 : i32
      %mul3A_167 = arith.constant 16 : i32
      %mul3A_168 = arith.muli %add3A_166, %mul3A_167 : i32
      %get3A_169 = arith.index_cast %mul3A_168 : i32 to index
      %get3A_170 = tpu.vector_load %arg6[%get3A_169] {strides = array<i32>} : memref<10000xi32, #tpu.memory_space<vmem>>, vector<16xi32>,
      %shift_right_arithmetic3A_171 = arith.constant 20 : i32
      %shift_right_arithmetic3A_172 = vector.broadcast %shift_right_arithmetic3A_171 : i32 to vector<16xi32>
      %shift_right_arithmetic3A_173 = arith.shrsi %get3A_170, %shift_right_arithmetic3A_172 : vector<16xi32>
      %add3A_174 = arith.constant 2048 : i32
      %add3A_175 = vector.broadcast %add3A_174 : i32 to vector<16xi32>
      %add3A_176 = arith.addi %shift_right_arithmetic3A_173, %add3A_175 : vector<16xi32>
      %eq3A_177 = arith.cmpi eq, %add3A_176, %get3A_16 : vector<16xi32>
      %and3A_178 = arith.constant 1048575 : i32
      %and3A_179 = vector.broadcast %and3A_178 : i32 to vector<16xi32>
      %and3A_180 = arith.andi %get3A_170, %and3A_179 : vector<16xi32>
      %add3A_181 = arith.constant 12480 : i32
      %add3A_182 = vector.broadcast %add3A_181 : i32 to vector<16xi32>
      %add3A_183 = arith.addi %add3A_182, %mul3A_3 : vector<16xi32>
      %min3A_184 = arith.constant 256 : i32
      %min3A_185 = vector.broadcast %min3A_184 : i32 to vector<16xi32>
      %min3A_186 = arith.minsi %scan3A_85, %min3A_185 : vector<16xi32>
      %add3A_187 = arith.addi %add3A_183, %min3A_186 : vector<16xi32>
      tpu.vector_store_idx %arg9[%add3A_187], %and3A_180 masked %eq3A_177 : memref<20800xi32, #tpu.memory_space<vmem>>[vector<16xi32>], vector<16xi32>, vector<16xi1>
      %convert_element_type3A_188 = arith.extui %eq3A_177 : vector<16xi1> to vector<16xi32>
      %add3A_189 = arith.addi %scan3A_85, %convert_element_type3A_188 : vector<16xi32>
      %mul3A_190 = arith.constant 5 : i32
      %mul3A_191 = arith.muli %scan3A_81, %mul3A_190 : i32
      %add3A_192 = arith.constant 4 : i32
      %add3A_193 = arith.addi %mul3A_191, %add3A_192 : i32
      %mul3A_194 = arith.constant 16 : i32
      %mul3A_195 = arith.muli %add3A_193, %mul3A_194 : i32
      %get3A_196 = arith.index_cast %mul3A_195 : i32 to index
      %get3A_197 = tpu.vector_load %arg6[%get3A_196] {strides = array<i32>} : memref<10000xi32, #tpu.memory_space<vmem>>, vector<16xi32>,
      %shift_right_arithmetic3A_198 = arith.constant 20 : i32
      %shift_right_arithmetic3A_199 = vector.broadcast %shift_right_arithmetic3A_198 : i32 to vector<16xi32>
      %shift_right_arithmetic3A_200 = arith.shrsi %get3A_197, %shift_right_arithmetic3A_199 : vector<16xi32>
      %add3A_201 = arith.constant 2048 : i32
      %add3A_202 = vector.broadcast %add3A_201 : i32 to vector<16xi32>
      %add3A_203 = arith.addi %shift_right_arithmetic3A_200, %add3A_202 : vector<16xi32>
      %eq3A_204 = arith.cmpi eq, %add3A_203, %get3A_16 : vector<16xi32>
      %and3A_205 = arith.constant 1048575 : i32
      %and3A_206 = vector.broadcast %and3A_205 : i32 to vector<16xi32>
      %and3A_207 = arith.andi %get3A_197, %and3A_206 : vector<16xi32>
      %add3A_208 = arith.constant 16640 : i32
      %add3A_209 = vector.broadcast %add3A_208 : i32 to vector<16xi32>
      %add3A_210 = arith.addi %add3A_209, %mul3A_3 : vector<16xi32>
      %min3A_211 = arith.constant 256 : i32
      %min3A_212 = vector.broadcast %min3A_211 : i32 to vector<16xi32>
      %min3A_213 = arith.minsi %scan3A_86, %min3A_212 : vector<16xi32>
      %add3A_214 = arith.addi %add3A_210, %min3A_213 : vector<16xi32>
      tpu.vector_store_idx %arg9[%add3A_214], %and3A_207 masked %eq3A_204 : memref<20800xi32, #tpu.memory_space<vmem>>[vector<16xi32>], vector<16xi32>, vector<16xi1>
      %convert_element_type3A_215 = arith.extui %eq3A_204 : vector<16xi1> to vector<16xi32>
      %add3A_216 = arith.addi %scan3A_86, %convert_element_type3A_215 : vector<16xi32>
      scf.yield %add3A_108, %add3A_135, %add3A_162, %add3A_189, %add3A_216 : vector<16xi32>, vector<16xi32>, vector<16xi32>, vector<16xi32>, vector<16xi32>
    }
    %scan3A_58 = arith.constant 125 : i32
    %mul3A_59 = arith.constant 50000 : i32
    %mul3A_60 = arith.muli %add3A, %mul3A_59 : i32
    %add3A_61 = arith.constant 40000 : i32
    %add3A_62 = arith.addi %mul3A_60, %add3A_61 : i32
    %dma_start3A_63 = tpu.memref_slice %arg2[%add3A_62] : memref<1600000xi32, #tpu.memory_space<hbm>> -> memref<10000xi32, #tpu.memory_space<hbm>>
    %dma_start3A_64 = tpu.memref_slice %arg2[%add3A_62] : memref<1600000xi32, #tpu.memory_space<hbm>> -> memref<10000xi32, #tpu.memory_space<hbm>>
    tpu.enqueue_dma source(%dma_start3A_64 : memref<10000xi32, #tpu.memory_space<hbm>>) target(%arg6 : memref<10000xi32, #tpu.memory_space<vmem>>) target_semaphore(%arg10 : memref<!tpu.dma_semaphore, #tpu.memory_space<semaphore_mem>>)
    %dma_wait3A_65 = tpu.memref_slice %arg2[%add3A_48] : memref<1600000xi32, #tpu.memory_space<hbm>> -> memref<10000xi32, #tpu.memory_space<hbm>>
    %dma_wait3A_66 = tpu.memref_slice %arg2[%add3A_48] : memref<1600000xi32, #tpu.memory_space<hbm>> -> memref<10000xi32, #tpu.memory_space<hbm>>
    tpu.wait_dma2 semaphore(%arg11 : memref<!tpu.dma_semaphore, #tpu.memory_space<semaphore_mem>>) src(%dma_wait3A_66 : memref<10000xi32, #tpu.memory_space<hbm>>) dst(%arg7 : memref<10000xi32, #tpu.memory_space<vmem>>)
    %scan3A_67 = arith.constant 0 : i32
    %scan3A_68 = arith.constant 125 : i32
    %scan3A_69 = arith.addi %scan3A_67, %scan3A_68 : i32
    %scan3A_70 = arith.constant 1 : i32
    %scan3A_71:5 = scf.for %scan3A_81 = %scan3A_67 to %scan3A_69 step %scan3A_70 iter_args(%scan3A_82 = %scan3A_57#0, %scan3A_83 = %scan3A_57#1, %scan3A_84 = %scan3A_57#2, %scan3A_85 = %scan3A_57#3, %scan3A_86 = %scan3A_57#4) -> (vector<16xi32>, vector<16xi32>, vector<16xi32>, vector<16xi32>, vector<16xi32>)  : i32 {
      %mul3A_87 = arith.constant 5 : i32
      %mul3A_88 = arith.muli %scan3A_81, %mul3A_87 : i32
      %add3A_89 = arith.constant 0 : i32
      %add3A_90 = arith.addi %mul3A_88, %add3A_89 : i32
      %mul3A_91 = arith.constant 16 : i32
      %mul3A_92 = arith.muli %add3A_90, %mul3A_91 : i32
      %get3A_93 = arith.index_cast %mul3A_92 : i32 to index
      %get3A_94 = tpu.vector_load %arg7[%get3A_93] {strides = array<i32>} : memref<10000xi32, #tpu.memory_space<vmem>>, vector<16xi32>,
      %shift_right_arithmetic3A = arith.constant 20 : i32
      %shift_right_arithmetic3A_95 = vector.broadcast %shift_right_arithmetic3A : i32 to vector<16xi32>
      %shift_right_arithmetic3A_96 = arith.shrsi %get3A_94, %shift_right_arithmetic3A_95 : vector<16xi32>
      %add3A_97 = arith.constant 2048 : i32
      %add3A_98 = vector.broadcast %add3A_97 : i32 to vector<16xi32>
      %add3A_99 = arith.addi %shift_right_arithmetic3A_96, %add3A_98 : vector<16xi32>
      %eq3A = arith.cmpi eq, %add3A_99, %get3A_16 : vector<16xi32>
      %and3A = arith.constant 1048575 : i32
      %and3A_100 = vector.broadcast %and3A : i32 to vector<16xi32>
      %and3A_101 = arith.andi %get3A_94, %and3A_100 : vector<16xi32>
      %add3A_102 = arith.constant 0 : i32
      %add3A_103 = vector.broadcast %add3A_102 : i32 to vector<16xi32>
      %add3A_104 = arith.addi %add3A_103, %mul3A_3 : vector<16xi32>
      %min3A = arith.constant 256 : i32
      %min3A_105 = vector.broadcast %min3A : i32 to vector<16xi32>
      %min3A_106 = arith.minsi %scan3A_82, %min3A_105 : vector<16xi32>
      %add3A_107 = arith.addi %add3A_104, %min3A_106 : vector<16xi32>
      tpu.vector_store_idx %arg9[%add3A_107], %and3A_101 masked %eq3A : memref<20800xi32, #tpu.memory_space<vmem>>[vector<16xi32>], vector<16xi32>, vector<16xi1>
      %convert_element_type3A = arith.extui %eq3A : vector<16xi1> to vector<16xi32>
      %add3A_108 = arith.addi %scan3A_82, %convert_element_type3A : vector<16xi32>
      %mul3A_109 = arith.constant 5 : i32
      %mul3A_110 = arith.muli %scan3A_81, %mul3A_109 : i32
      %add3A_111 = arith.constant 1 : i32
      %add3A_112 = arith.addi %mul3A_110, %add3A_111 : i32
      %mul3A_113 = arith.constant 16 : i32
      %mul3A_114 = arith.muli %add3A_112, %mul3A_113 : i32
      %get3A_115 = arith.index_cast %mul3A_114 : i32 to index
      %get3A_116 = tpu.vector_load %arg7[%get3A_115] {strides = array<i32>} : memref<10000xi32, #tpu.memory_space<vmem>>, vector<16xi32>,
      %shift_right_arithmetic3A_117 = arith.constant 20 : i32
      %shift_right_arithmetic3A_118 = vector.broadcast %shift_right_arithmetic3A_117 : i32 to vector<16xi32>
      %shift_right_arithmetic3A_119 = arith.shrsi %get3A_116, %shift_right_arithmetic3A_118 : vector<16xi32>
      %add3A_120 = arith.constant 2048 : i32
      %add3A_121 = vector.broadcast %add3A_120 : i32 to vector<16xi32>
      %add3A_122 = arith.addi %shift_right_arithmetic3A_119, %add3A_121 : vector<16xi32>
      %eq3A_123 = arith.cmpi eq, %add3A_122, %get3A_16 : vector<16xi32>
      %and3A_124 = arith.constant 1048575 : i32
      %and3A_125 = vector.broadcast %and3A_124 : i32 to vector<16xi32>
      %and3A_126 = arith.andi %get3A_116, %and3A_125 : vector<16xi32>
      %add3A_127 = arith.constant 4160 : i32
      %add3A_128 = vector.broadcast %add3A_127 : i32 to vector<16xi32>
      %add3A_129 = arith.addi %add3A_128, %mul3A_3 : vector<16xi32>
      %min3A_130 = arith.constant 256 : i32
      %min3A_131 = vector.broadcast %min3A_130 : i32 to vector<16xi32>
      %min3A_132 = arith.minsi %scan3A_83, %min3A_131 : vector<16xi32>
      %add3A_133 = arith.addi %add3A_129, %min3A_132 : vector<16xi32>
      tpu.vector_store_idx %arg9[%add3A_133], %and3A_126 masked %eq3A_123 : memref<20800xi32, #tpu.memory_space<vmem>>[vector<16xi32>], vector<16xi32>, vector<16xi1>
      %convert_element_type3A_134 = arith.extui %eq3A_123 : vector<16xi1> to vector<16xi32>
      %add3A_135 = arith.addi %scan3A_83, %convert_element_type3A_134 : vector<16xi32>
      %mul3A_136 = arith.constant 5 : i32
      %mul3A_137 = arith.muli %scan3A_81, %mul3A_136 : i32
      %add3A_138 = arith.constant 2 : i32
      %add3A_139 = arith.addi %mul3A_137, %add3A_138 : i32
      %mul3A_140 = arith.constant 16 : i32
      %mul3A_141 = arith.muli %add3A_139, %mul3A_140 : i32
      %get3A_142 = arith.index_cast %mul3A_141 : i32 to index
      %get3A_143 = tpu.vector_load %arg7[%get3A_142] {strides = array<i32>} : memref<10000xi32, #tpu.memory_space<vmem>>, vector<16xi32>,
      %shift_right_arithmetic3A_144 = arith.constant 20 : i32
      %shift_right_arithmetic3A_145 = vector.broadcast %shift_right_arithmetic3A_144 : i32 to vector<16xi32>
      %shift_right_arithmetic3A_146 = arith.shrsi %get3A_143, %shift_right_arithmetic3A_145 : vector<16xi32>
      %add3A_147 = arith.constant 2048 : i32
      %add3A_148 = vector.broadcast %add3A_147 : i32 to vector<16xi32>
      %add3A_149 = arith.addi %shift_right_arithmetic3A_146, %add3A_148 : vector<16xi32>
      %eq3A_150 = arith.cmpi eq, %add3A_149, %get3A_16 : vector<16xi32>
      %and3A_151 = arith.constant 1048575 : i32
      %and3A_152 = vector.broadcast %and3A_151 : i32 to vector<16xi32>
      %and3A_153 = arith.andi %get3A_143, %and3A_152 : vector<16xi32>
      %add3A_154 = arith.constant 8320 : i32
      %add3A_155 = vector.broadcast %add3A_154 : i32 to vector<16xi32>
      %add3A_156 = arith.addi %add3A_155, %mul3A_3 : vector<16xi32>
      %min3A_157 = arith.constant 256 : i32
      %min3A_158 = vector.broadcast %min3A_157 : i32 to vector<16xi32>
      %min3A_159 = arith.minsi %scan3A_84, %min3A_158 : vector<16xi32>
      %add3A_160 = arith.addi %add3A_156, %min3A_159 : vector<16xi32>
      tpu.vector_store_idx %arg9[%add3A_160], %and3A_153 masked %eq3A_150 : memref<20800xi32, #tpu.memory_space<vmem>>[vector<16xi32>], vector<16xi32>, vector<16xi1>
      %convert_element_type3A_161 = arith.extui %eq3A_150 : vector<16xi1> to vector<16xi32>
      %add3A_162 = arith.addi %scan3A_84, %convert_element_type3A_161 : vector<16xi32>
      %mul3A_163 = arith.constant 5 : i32
      %mul3A_164 = arith.muli %scan3A_81, %mul3A_163 : i32
      %add3A_165 = arith.constant 3 : i32
      %add3A_166 = arith.addi %mul3A_164, %add3A_165 : i32
      %mul3A_167 = arith.constant 16 : i32
      %mul3A_168 = arith.muli %add3A_166, %mul3A_167 : i32
      %get3A_169 = arith.index_cast %mul3A_168 : i32 to index
      %get3A_170 = tpu.vector_load %arg7[%get3A_169] {strides = array<i32>} : memref<10000xi32, #tpu.memory_space<vmem>>, vector<16xi32>,
      %shift_right_arithmetic3A_171 = arith.constant 20 : i32
      %shift_right_arithmetic3A_172 = vector.broadcast %shift_right_arithmetic3A_171 : i32 to vector<16xi32>
      %shift_right_arithmetic3A_173 = arith.shrsi %get3A_170, %shift_right_arithmetic3A_172 : vector<16xi32>
      %add3A_174 = arith.constant 2048 : i32
      %add3A_175 = vector.broadcast %add3A_174 : i32 to vector<16xi32>
      %add3A_176 = arith.addi %shift_right_arithmetic3A_173, %add3A_175 : vector<16xi32>
      %eq3A_177 = arith.cmpi eq, %add3A_176, %get3A_16 : vector<16xi32>
      %and3A_178 = arith.constant 1048575 : i32
      %and3A_179 = vector.broadcast %and3A_178 : i32 to vector<16xi32>
      %and3A_180 = arith.andi %get3A_170, %and3A_179 : vector<16xi32>
      %add3A_181 = arith.constant 12480 : i32
      %add3A_182 = vector.broadcast %add3A_181 : i32 to vector<16xi32>
      %add3A_183 = arith.addi %add3A_182, %mul3A_3 : vector<16xi32>
      %min3A_184 = arith.constant 256 : i32
      %min3A_185 = vector.broadcast %min3A_184 : i32 to vector<16xi32>
      %min3A_186 = arith.minsi %scan3A_85, %min3A_185 : vector<16xi32>
      %add3A_187 = arith.addi %add3A_183, %min3A_186 : vector<16xi32>
      tpu.vector_store_idx %arg9[%add3A_187], %and3A_180 masked %eq3A_177 : memref<20800xi32, #tpu.memory_space<vmem>>[vector<16xi32>], vector<16xi32>, vector<16xi1>
      %convert_element_type3A_188 = arith.extui %eq3A_177 : vector<16xi1> to vector<16xi32>
      %add3A_189 = arith.addi %scan3A_85, %convert_element_type3A_188 : vector<16xi32>
      %mul3A_190 = arith.constant 5 : i32
      %mul3A_191 = arith.muli %scan3A_81, %mul3A_190 : i32
      %add3A_192 = arith.constant 4 : i32
      %add3A_193 = arith.addi %mul3A_191, %add3A_192 : i32
      %mul3A_194 = arith.constant 16 : i32
      %mul3A_195 = arith.muli %add3A_193, %mul3A_194 : i32
      %get3A_196 = arith.index_cast %mul3A_195 : i32 to index
      %get3A_197 = tpu.vector_load %arg7[%get3A_196] {strides = array<i32>} : memref<10000xi32, #tpu.memory_space<vmem>>, vector<16xi32>,
      %shift_right_arithmetic3A_198 = arith.constant 20 : i32
      %shift_right_arithmetic3A_199 = vector.broadcast %shift_right_arithmetic3A_198 : i32 to vector<16xi32>
      %shift_right_arithmetic3A_200 = arith.shrsi %get3A_197, %shift_right_arithmetic3A_199 : vector<16xi32>
      %add3A_201 = arith.constant 2048 : i32
      %add3A_202 = vector.broadcast %add3A_201 : i32 to vector<16xi32>
      %add3A_203 = arith.addi %shift_right_arithmetic3A_200, %add3A_202 : vector<16xi32>
      %eq3A_204 = arith.cmpi eq, %add3A_203, %get3A_16 : vector<16xi32>
      %and3A_205 = arith.constant 1048575 : i32
      %and3A_206 = vector.broadcast %and3A_205 : i32 to vector<16xi32>
      %and3A_207 = arith.andi %get3A_197, %and3A_206 : vector<16xi32>
      %add3A_208 = arith.constant 16640 : i32
      %add3A_209 = vector.broadcast %add3A_208 : i32 to vector<16xi32>
      %add3A_210 = arith.addi %add3A_209, %mul3A_3 : vector<16xi32>
      %min3A_211 = arith.constant 256 : i32
      %min3A_212 = vector.broadcast %min3A_211 : i32 to vector<16xi32>
      %min3A_213 = arith.minsi %scan3A_86, %min3A_212 : vector<16xi32>
      %add3A_214 = arith.addi %add3A_210, %min3A_213 : vector<16xi32>
      tpu.vector_store_idx %arg9[%add3A_214], %and3A_207 masked %eq3A_204 : memref<20800xi32, #tpu.memory_space<vmem>>[vector<16xi32>], vector<16xi32>, vector<16xi1>
      %convert_element_type3A_215 = arith.extui %eq3A_204 : vector<16xi1> to vector<16xi32>
      %add3A_216 = arith.addi %scan3A_86, %convert_element_type3A_215 : vector<16xi32>
      scf.yield %add3A_108, %add3A_135, %add3A_162, %add3A_189, %add3A_216 : vector<16xi32>, vector<16xi32>, vector<16xi32>, vector<16xi32>, vector<16xi32>
    }
    %scan3A_72 = arith.constant 125 : i32
    %dma_wait3A_73 = tpu.memref_slice %arg2[%add3A_62] : memref<1600000xi32, #tpu.memory_space<hbm>> -> memref<10000xi32, #tpu.memory_space<hbm>>
    %dma_wait3A_74 = tpu.memref_slice %arg2[%add3A_62] : memref<1600000xi32, #tpu.memory_space<hbm>> -> memref<10000xi32, #tpu.memory_space<hbm>>
    tpu.wait_dma2 semaphore(%arg10 : memref<!tpu.dma_semaphore, #tpu.memory_space<semaphore_mem>>) src(%dma_wait3A_74 : memref<10000xi32, #tpu.memory_space<hbm>>) dst(%arg6 : memref<10000xi32, #tpu.memory_space<vmem>>)
    %scan3A_75 = arith.constant 0 : i32
    %scan3A_76 = arith.constant 125 : i32
    %scan3A_77 = arith.addi %scan3A_75, %scan3A_76 : i32
    %scan3A_78 = arith.constant 1 : i32
    %scan3A_79:5 = scf.for %scan3A_81 = %scan3A_75 to %scan3A_77 step %scan3A_78 iter_args(%scan3A_82 = %scan3A_71#0, %scan3A_83 = %scan3A_71#1, %scan3A_84 = %scan3A_71#2, %scan3A_85 = %scan3A_71#3, %scan3A_86 = %scan3A_71#4) -> (vector<16xi32>, vector<16xi32>, vector<16xi32>, vector<16xi32>, vector<16xi32>)  : i32 {
      %mul3A_87 = arith.constant 5 : i32
      %mul3A_88 = arith.muli %scan3A_81, %mul3A_87 : i32
      %add3A_89 = arith.constant 0 : i32
      %add3A_90 = arith.addi %mul3A_88, %add3A_89 : i32
      %mul3A_91 = arith.constant 16 : i32
      %mul3A_92 = arith.muli %add3A_90, %mul3A_91 : i32
      %get3A_93 = arith.index_cast %mul3A_92 : i32 to index
      %get3A_94 = tpu.vector_load %arg6[%get3A_93] {strides = array<i32>} : memref<10000xi32, #tpu.memory_space<vmem>>, vector<16xi32>,
      %shift_right_arithmetic3A = arith.constant 20 : i32
      %shift_right_arithmetic3A_95 = vector.broadcast %shift_right_arithmetic3A : i32 to vector<16xi32>
      %shift_right_arithmetic3A_96 = arith.shrsi %get3A_94, %shift_right_arithmetic3A_95 : vector<16xi32>
      %add3A_97 = arith.constant 2048 : i32
      %add3A_98 = vector.broadcast %add3A_97 : i32 to vector<16xi32>
      %add3A_99 = arith.addi %shift_right_arithmetic3A_96, %add3A_98 : vector<16xi32>
      %eq3A = arith.cmpi eq, %add3A_99, %get3A_16 : vector<16xi32>
      %and3A = arith.constant 1048575 : i32
      %and3A_100 = vector.broadcast %and3A : i32 to vector<16xi32>
      %and3A_101 = arith.andi %get3A_94, %and3A_100 : vector<16xi32>
      %add3A_102 = arith.constant 0 : i32
      %add3A_103 = vector.broadcast %add3A_102 : i32 to vector<16xi32>
      %add3A_104 = arith.addi %add3A_103, %mul3A_3 : vector<16xi32>
      %min3A = arith.constant 256 : i32
      %min3A_105 = vector.broadcast %min3A : i32 to vector<16xi32>
      %min3A_106 = arith.minsi %scan3A_82, %min3A_105 : vector<16xi32>
      %add3A_107 = arith.addi %add3A_104, %min3A_106 : vector<16xi32>
      tpu.vector_store_idx %arg9[%add3A_107], %and3A_101 masked %eq3A : memref<20800xi32, #tpu.memory_space<vmem>>[vector<16xi32>], vector<16xi32>, vector<16xi1>
      %convert_element_type3A = arith.extui %eq3A : vector<16xi1> to vector<16xi32>
      %add3A_108 = arith.addi %scan3A_82, %convert_element_type3A : vector<16xi32>
      %mul3A_109 = arith.constant 5 : i32
      %mul3A_110 = arith.muli %scan3A_81, %mul3A_109 : i32
      %add3A_111 = arith.constant 1 : i32
      %add3A_112 = arith.addi %mul3A_110, %add3A_111 : i32
      %mul3A_113 = arith.constant 16 : i32
      %mul3A_114 = arith.muli %add3A_112, %mul3A_113 : i32
      %get3A_115 = arith.index_cast %mul3A_114 : i32 to index
      %get3A_116 = tpu.vector_load %arg6[%get3A_115] {strides = array<i32>} : memref<10000xi32, #tpu.memory_space<vmem>>, vector<16xi32>,
      %shift_right_arithmetic3A_117 = arith.constant 20 : i32
      %shift_right_arithmetic3A_118 = vector.broadcast %shift_right_arithmetic3A_117 : i32 to vector<16xi32>
      %shift_right_arithmetic3A_119 = arith.shrsi %get3A_116, %shift_right_arithmetic3A_118 : vector<16xi32>
      %add3A_120 = arith.constant 2048 : i32
      %add3A_121 = vector.broadcast %add3A_120 : i32 to vector<16xi32>
      %add3A_122 = arith.addi %shift_right_arithmetic3A_119, %add3A_121 : vector<16xi32>
      %eq3A_123 = arith.cmpi eq, %add3A_122, %get3A_16 : vector<16xi32>
      %and3A_124 = arith.constant 1048575 : i32
      %and3A_125 = vector.broadcast %and3A_124 : i32 to vector<16xi32>
      %and3A_126 = arith.andi %get3A_116, %and3A_125 : vector<16xi32>
      %add3A_127 = arith.constant 4160 : i32
      %add3A_128 = vector.broadcast %add3A_127 : i32 to vector<16xi32>
      %add3A_129 = arith.addi %add3A_128, %mul3A_3 : vector<16xi32>
      %min3A_130 = arith.constant 256 : i32
      %min3A_131 = vector.broadcast %min3A_130 : i32 to vector<16xi32>
      %min3A_132 = arith.minsi %scan3A_83, %min3A_131 : vector<16xi32>
      %add3A_133 = arith.addi %add3A_129, %min3A_132 : vector<16xi32>
      tpu.vector_store_idx %arg9[%add3A_133], %and3A_126 masked %eq3A_123 : memref<20800xi32, #tpu.memory_space<vmem>>[vector<16xi32>], vector<16xi32>, vector<16xi1>
      %convert_element_type3A_134 = arith.extui %eq3A_123 : vector<16xi1> to vector<16xi32>
      %add3A_135 = arith.addi %scan3A_83, %convert_element_type3A_134 : vector<16xi32>
      %mul3A_136 = arith.constant 5 : i32
      %mul3A_137 = arith.muli %scan3A_81, %mul3A_136 : i32
      %add3A_138 = arith.constant 2 : i32
      %add3A_139 = arith.addi %mul3A_137, %add3A_138 : i32
      %mul3A_140 = arith.constant 16 : i32
      %mul3A_141 = arith.muli %add3A_139, %mul3A_140 : i32
      %get3A_142 = arith.index_cast %mul3A_141 : i32 to index
      %get3A_143 = tpu.vector_load %arg6[%get3A_142] {strides = array<i32>} : memref<10000xi32, #tpu.memory_space<vmem>>, vector<16xi32>,
      %shift_right_arithmetic3A_144 = arith.constant 20 : i32
      %shift_right_arithmetic3A_145 = vector.broadcast %shift_right_arithmetic3A_144 : i32 to vector<16xi32>
      %shift_right_arithmetic3A_146 = arith.shrsi %get3A_143, %shift_right_arithmetic3A_145 : vector<16xi32>
      %add3A_147 = arith.constant 2048 : i32
      %add3A_148 = vector.broadcast %add3A_147 : i32 to vector<16xi32>
      %add3A_149 = arith.addi %shift_right_arithmetic3A_146, %add3A_148 : vector<16xi32>
      %eq3A_150 = arith.cmpi eq, %add3A_149, %get3A_16 : vector<16xi32>
      %and3A_151 = arith.constant 1048575 : i32
      %and3A_152 = vector.broadcast %and3A_151 : i32 to vector<16xi32>
      %and3A_153 = arith.andi %get3A_143, %and3A_152 : vector<16xi32>
      %add3A_154 = arith.constant 8320 : i32
      %add3A_155 = vector.broadcast %add3A_154 : i32 to vector<16xi32>
      %add3A_156 = arith.addi %add3A_155, %mul3A_3 : vector<16xi32>
      %min3A_157 = arith.constant 256 : i32
      %min3A_158 = vector.broadcast %min3A_157 : i32 to vector<16xi32>
      %min3A_159 = arith.minsi %scan3A_84, %min3A_158 : vector<16xi32>
      %add3A_160 = arith.addi %add3A_156, %min3A_159 : vector<16xi32>
      tpu.vector_store_idx %arg9[%add3A_160], %and3A_153 masked %eq3A_150 : memref<20800xi32, #tpu.memory_space<vmem>>[vector<16xi32>], vector<16xi32>, vector<16xi1>
      %convert_element_type3A_161 = arith.extui %eq3A_150 : vector<16xi1> to vector<16xi32>
      %add3A_162 = arith.addi %scan3A_84, %convert_element_type3A_161 : vector<16xi32>
      %mul3A_163 = arith.constant 5 : i32
      %mul3A_164 = arith.muli %scan3A_81, %mul3A_163 : i32
      %add3A_165 = arith.constant 3 : i32
      %add3A_166 = arith.addi %mul3A_164, %add3A_165 : i32
      %mul3A_167 = arith.constant 16 : i32
      %mul3A_168 = arith.muli %add3A_166, %mul3A_167 : i32
      %get3A_169 = arith.index_cast %mul3A_168 : i32 to index
      %get3A_170 = tpu.vector_load %arg6[%get3A_169] {strides = array<i32>} : memref<10000xi32, #tpu.memory_space<vmem>>, vector<16xi32>,
      %shift_right_arithmetic3A_171 = arith.constant 20 : i32
      %shift_right_arithmetic3A_172 = vector.broadcast %shift_right_arithmetic3A_171 : i32 to vector<16xi32>
      %shift_right_arithmetic3A_173 = arith.shrsi %get3A_170, %shift_right_arithmetic3A_172 : vector<16xi32>
      %add3A_174 = arith.constant 2048 : i32
      %add3A_175 = vector.broadcast %add3A_174 : i32 to vector<16xi32>
      %add3A_176 = arith.addi %shift_right_arithmetic3A_173, %add3A_175 : vector<16xi32>
      %eq3A_177 = arith.cmpi eq, %add3A_176, %get3A_16 : vector<16xi32>
      %and3A_178 = arith.constant 1048575 : i32
      %and3A_179 = vector.broadcast %and3A_178 : i32 to vector<16xi32>
      %and3A_180 = arith.andi %get3A_170, %and3A_179 : vector<16xi32>
      %add3A_181 = arith.constant 12480 : i32
      %add3A_182 = vector.broadcast %add3A_181 : i32 to vector<16xi32>
      %add3A_183 = arith.addi %add3A_182, %mul3A_3 : vector<16xi32>
      %min3A_184 = arith.constant 256 : i32
      %min3A_185 = vector.broadcast %min3A_184 : i32 to vector<16xi32>
      %min3A_186 = arith.minsi %scan3A_85, %min3A_185 : vector<16xi32>
      %add3A_187 = arith.addi %add3A_183, %min3A_186 : vector<16xi32>
      tpu.vector_store_idx %arg9[%add3A_187], %and3A_180 masked %eq3A_177 : memref<20800xi32, #tpu.memory_space<vmem>>[vector<16xi32>], vector<16xi32>, vector<16xi1>
      %convert_element_type3A_188 = arith.extui %eq3A_177 : vector<16xi1> to vector<16xi32>
      %add3A_189 = arith.addi %scan3A_85, %convert_element_type3A_188 : vector<16xi32>
      %mul3A_190 = arith.constant 5 : i32
      %mul3A_191 = arith.muli %scan3A_81, %mul3A_190 : i32
      %add3A_192 = arith.constant 4 : i32
      %add3A_193 = arith.addi %mul3A_191, %add3A_192 : i32
      %mul3A_194 = arith.constant 16 : i32
      %mul3A_195 = arith.muli %add3A_193, %mul3A_194 : i32
      %get3A_196 = arith.index_cast %mul3A_195 : i32 to index
      %get3A_197 = tpu.vector_load %arg6[%get3A_196] {strides = array<i32>} : memref<10000xi32, #tpu.memory_space<vmem>>, vector<16xi32>,
      %shift_right_arithmetic3A_198 = arith.constant 20 : i32
      %shift_right_arithmetic3A_199 = vector.broadcast %shift_right_arithmetic3A_198 : i32 to vector<16xi32>
      %shift_right_arithmetic3A_200 = arith.shrsi %get3A_197, %shift_right_arithmetic3A_199 : vector<16xi32>
      %add3A_201 = arith.constant 2048 : i32
      %add3A_202 = vector.broadcast %add3A_201 : i32 to vector<16xi32>
      %add3A_203 = arith.addi %shift_right_arithmetic3A_200, %add3A_202 : vector<16xi32>
      %eq3A_204 = arith.cmpi eq, %add3A_203, %get3A_16 : vector<16xi32>
      %and3A_205 = arith.constant 1048575 : i32
      %and3A_206 = vector.broadcast %and3A_205 : i32 to vector<16xi32>
      %and3A_207 = arith.andi %get3A_197, %and3A_206 : vector<16xi32>
      %add3A_208 = arith.constant 16640 : i32
      %add3A_209 = vector.broadcast %add3A_208 : i32 to vector<16xi32>
      %add3A_210 = arith.addi %add3A_209, %mul3A_3 : vector<16xi32>
      %min3A_211 = arith.constant 256 : i32
      %min3A_212 = vector.broadcast %min3A_211 : i32 to vector<16xi32>
      %min3A_213 = arith.minsi %scan3A_86, %min3A_212 : vector<16xi32>
      %add3A_214 = arith.addi %add3A_210, %min3A_213 : vector<16xi32>
      tpu.vector_store_idx %arg9[%add3A_214], %and3A_207 masked %eq3A_204 : memref<20800xi32, #tpu.memory_space<vmem>>[vector<16xi32>], vector<16xi32>, vector<16xi1>
      %convert_element_type3A_215 = arith.extui %eq3A_204 : vector<16xi1> to vector<16xi32>
      %add3A_216 = arith.addi %scan3A_86, %convert_element_type3A_215 : vector<16xi32>
      scf.yield %add3A_108, %add3A_135, %add3A_162, %add3A_189, %add3A_216 : vector<16xi32>, vector<16xi32>, vector<16xi32>, vector<16xi32>, vector<16xi32>
    }
    %scan3A_80 = arith.constant 125 : i32
    "tpu.region"() ({
      %run_scoped3A = tpu.sem_alloc : memref<!tpu.dma_semaphore, #tpu.memory_space<semaphore_mem>>
      %dma_start3A_81 = arith.constant 0 : i32
      %dma_start3A_82 = tpu.memref_slice %arg5[%add3A, %dma_start3A_81] : memref<32x20800xi32, #tpu.memory_space<hbm>> -> memref<1x20800xi32, #tpu.memory_space<hbm>>
      %dma_start3A_83 = tpu.memref_squeeze %dma_start3A_82 : memref<1x20800xi32, #tpu.memory_space<hbm>> -> memref<20800xi32, #tpu.memory_space<hbm>>
      %dma_start3A_84 = arith.constant 0 : i32
      %dma_start3A_85 = tpu.memref_slice %arg5[%add3A, %dma_start3A_84] : memref<32x20800xi32, #tpu.memory_space<hbm>> -> memref<1x20800xi32, #tpu.memory_space<hbm>>
      %dma_start3A_86 = tpu.memref_squeeze %dma_start3A_85 : memref<1x20800xi32, #tpu.memory_space<hbm>> -> memref<20800xi32, #tpu.memory_space<hbm>>
      tpu.enqueue_dma source(%arg9 : memref<20800xi32, #tpu.memory_space<vmem>>) target(%dma_start3A_86 : memref<20800xi32, #tpu.memory_space<hbm>>) target_semaphore(%run_scoped3A : memref<!tpu.dma_semaphore, #tpu.memory_space<semaphore_mem>>)
      %dma_wait3A_87 = arith.constant 0 : i32
      %dma_wait3A_88 = tpu.memref_slice %arg5[%add3A, %dma_wait3A_87] : memref<32x20800xi32, #tpu.memory_space<hbm>> -> memref<1x20800xi32, #tpu.memory_space<hbm>>
      %dma_wait3A_89 = tpu.memref_squeeze %dma_wait3A_88 : memref<1x20800xi32, #tpu.memory_space<hbm>> -> memref<20800xi32, #tpu.memory_space<hbm>>
      %dma_wait3A_90 = arith.constant 0 : i32
      %dma_wait3A_91 = tpu.memref_slice %arg5[%add3A, %dma_wait3A_90] : memref<32x20800xi32, #tpu.memory_space<hbm>> -> memref<1x20800xi32, #tpu.memory_space<hbm>>
      %dma_wait3A_92 = tpu.memref_squeeze %dma_wait3A_91 : memref<1x20800xi32, #tpu.memory_space<hbm>> -> memref<20800xi32, #tpu.memory_space<hbm>>
      tpu.wait_dma2 semaphore(%run_scoped3A : memref<!tpu.dma_semaphore, #tpu.memory_space<semaphore_mem>>) src(%arg9 : memref<20800xi32, #tpu.memory_space<vmem>>) dst(%dma_wait3A_92 : memref<20800xi32, #tpu.memory_space<hbm>>)
      tpu.yield
    }) : () -> ()
    return
  }
}

module attributes {stable_mosaic.version = 14 : i64} {
  func.func @_tc_hist_body(%arg0: memref<1x1xi32, #tpu.memory_space<smem>>, %arg1: memref<160x32x128xi32, #tpu.memory_space<vmem>>, %arg2: memref<8x128xi32, #tpu.memory_space<vmem>>) attributes {dimension_semantics = [], scalar_prefetch = 0 : i64, scratch_operands = 0 : i64, tpu.core_type = #tpu.core_type<tc>} {
    %get3A = arith.constant 0 : index
    %get3A_0 = arith.constant 0 : index
    %get3A_1 = memref.load %arg0[%get3A, %get3A_0] : memref<1x1xi32, #tpu.memory_space<smem>>
    %get3A_2 = arith.constant 0 : index
    %get3A_3 = arith.constant 0 : index
    %get3A_4 = arith.constant 0 : index
    %get3A_5 = vector.load %arg1[%get3A_2, %get3A_3, %get3A_4] : memref<160x32x128xi32, #tpu.memory_space<vmem>>, vector<160x32x128xi32>
    %reduce_sum3A = arith.constant dense<0> : vector<32x128xi32>
    %reduce_sum3A_6 = vector.multi_reduction <add>, %get3A_5, %reduce_sum3A [0] : vector<160x32x128xi32> to vector<32x128xi32>
    %iota3A = tpu.iota {dimensions = array<i32: 0>} : vector<32x128xi32>
    %iota3A_7 = tpu.iota {dimensions = array<i32: 1>} : vector<32x128xi32>
    %mul3A = arith.constant 128 : i32
    %mul3A_8 = vector.broadcast %mul3A : i32 to vector<32x128xi32>
    %mul3A_9 = arith.muli %iota3A, %mul3A_8 : vector<32x128xi32>
    %add3A = arith.addi %mul3A_9, %iota3A_7 : vector<32x128xi32>
    %scan3A = arith.constant 0 : i32
    %scan3A_10 = arith.constant 0 : i32
    %scan3A_11 = arith.constant 12 : i32
    %scan3A_12 = arith.addi %scan3A_10, %scan3A_11 : i32
    %scan3A_13 = arith.constant 1 : i32
    %scan3A_14 = scf.for %scan3A_30 = %scan3A_10 to %scan3A_12 step %scan3A_13 iter_args(%scan3A_31 = %scan3A) -> (i32)  : i32 {
      %sub3A = arith.constant 11 : i32
      %sub3A_32 = arith.subi %sub3A, %scan3A_30 : i32
      %shift_left3A = arith.constant 1 : i32
      %shift_left3A_33 = arith.shli %shift_left3A, %sub3A_32 : i32
      %or3A = arith.ori %scan3A_31, %shift_left3A_33 : i32
      %ge3A = vector.broadcast %or3A : i32 to vector<32x128xi32>
      %ge3A_34 = arith.cmpi sge, %add3A, %ge3A : vector<32x128xi32>
      %jit3A_35 = arith.constant 0 : i32
      %broadcast_in_dim3A_36 = vector.broadcast %jit3A_35 : i32 to vector<32x128xi32>
      %select_n3A_37 = arith.select %ge3A_34, %reduce_sum3A_6, %broadcast_in_dim3A_36 : vector<32x128xi1>, vector<32x128xi32>
      %reduce_sum3A_38 = vector.shape_cast %select_n3A_37 : vector<32x128xi32> to vector<1x32x128xi32>
      %reduce_sum3A_39 = arith.constant dense<0> : vector<1xi32>
      %reduce_sum3A_40 = vector.multi_reduction <add>, %reduce_sum3A_38, %reduce_sum3A_39 [1, 2] : vector<1x32x128xi32> to vector<1xi32>
      %reduce_sum3A_41 = vector.shape_cast %reduce_sum3A_40 : vector<1xi32> to vector<1x1x1xi32>
      %reduce_sum3A_42 = vector.extract %reduce_sum3A_41[0, 0, 0] : i32 from vector<1x1x1xi32>
      %ge3A_43 = arith.cmpi sge, %reduce_sum3A_42, %get3A_1 : i32
      %select_n3A_44 = arith.select %ge3A_43, %or3A, %scan3A_31 : i32
      scf.yield %select_n3A_44 : i32
    }
    %scan3A_15 = arith.constant 12 : i32
    %gt3A = vector.broadcast %scan3A_14 : i32 to vector<32x128xi32>
    %gt3A_16 = arith.cmpi sgt, %add3A, %gt3A : vector<32x128xi32>
    %jit3A = arith.constant 0 : i32
    %broadcast_in_dim3A = vector.broadcast %jit3A : i32 to vector<32x128xi32>
    %select_n3A = arith.select %gt3A_16, %reduce_sum3A_6, %broadcast_in_dim3A : vector<32x128xi1>, vector<32x128xi32>
    %reduce_sum3A_17 = vector.shape_cast %select_n3A : vector<32x128xi32> to vector<1x32x128xi32>
    %reduce_sum3A_18 = arith.constant dense<0> : vector<1xi32>
    %reduce_sum3A_19 = vector.multi_reduction <add>, %reduce_sum3A_17, %reduce_sum3A_18 [1, 2] : vector<1x32x128xi32> to vector<1xi32>
    %reduce_sum3A_20 = vector.shape_cast %reduce_sum3A_19 : vector<1xi32> to vector<1x1x1xi32>
    %reduce_sum3A_21 = vector.extract %reduce_sum3A_20[0, 0, 0] : i32 from vector<1x1x1xi32>
    %iota3A_22 = tpu.iota {dimensions = array<i32: 1>} : vector<8x128xi32>
    %lt3A = arith.constant 64 : i32
    %lt3A_23 = vector.broadcast %lt3A : i32 to vector<8x128xi32>
    %lt3A_24 = arith.cmpi slt, %iota3A_22, %lt3A_23 : vector<8x128xi32>
    %broadcast_in_dim3A_25 = vector.broadcast %scan3A_14 : i32 to vector<8x128xi32>
    %broadcast_in_dim3A_26 = vector.broadcast %reduce_sum3A_21 : i32 to vector<8x128xi32>
    %select_n3A_27 = arith.select %lt3A_24, %broadcast_in_dim3A_25, %broadcast_in_dim3A_26 : vector<8x128xi1>, vector<8x128xi32>
    %swap3A = arith.constant 0 : index
    %swap3A_28 = arith.constant 0 : index
    %swap3A_29 = vector.load %arg2[%swap3A, %swap3A_28] : memref<8x128xi32, #tpu.memory_space<vmem>>, vector<8x128xi32>
    tpu.vector_store %arg2[%swap3A, %swap3A_28], %select_n3A_27 {strides = array<i32>} : memref<8x128xi32, #tpu.memory_space<vmem>>, vector<8x128xi32>,
    return
  }
}

module attributes {stable_mosaic.version = 14 : i64} {
  func.func @_tc_final_body(%arg0: memref<1x1xi32, #tpu.memory_space<smem>>, %arg1: memref<8x128xi32, #tpu.memory_space<smem>>, %arg2: memref<12500x128xi32, #tpu.memory_space<vmem>>, %arg3: memref<5200x128xi32, #tpu.memory_space<vmem>>, %arg4: memref<12500x128xf32, #tpu.memory_space<vmem>>) attributes {dimension_semantics = [], scalar_prefetch = 0 : i64, scratch_operands = 0 : i64, tpu.core_type = #tpu.core_type<tc>} {
    %get3A = arith.constant 0 : index
    %get3A_0 = arith.constant 0 : index
    %get3A_1 = memref.load %arg0[%get3A, %get3A_0] : memref<1x1xi32, #tpu.memory_space<smem>>
    %get3A_2 = arith.constant 0 : index
    %get3A_3 = arith.constant 0 : index
    %get3A_4 = memref.load %arg1[%get3A_2, %get3A_3] : memref<8x128xi32, #tpu.memory_space<smem>>
    %get3A_5 = arith.constant 0 : index
    %get3A_6 = arith.constant 64 : index
    %get3A_7 = memref.load %arg1[%get3A_5, %get3A_6] : memref<8x128xi32, #tpu.memory_space<smem>>
    %get3A_8 = arith.constant 0 : index
    %get3A_9 = arith.constant 0 : index
    %get3A_10 = vector.load %arg3[%get3A_8, %get3A_9] : memref<5200x128xi32, #tpu.memory_space<vmem>>, vector<5200x128xi32>
    %scan3A = arith.constant 0 : i32
    %scan3A_11 = arith.constant 0 : i32
    %scan3A_12 = arith.constant 20 : i32
    %scan3A_13 = arith.addi %scan3A_11, %scan3A_12 : i32
    %scan3A_14 = arith.constant 1 : i32
    %scan3A_15 = scf.for %scan3A_26 = %scan3A_11 to %scan3A_13 step %scan3A_14 iter_args(%scan3A_27 = %scan3A) -> (i32)  : i32 {
      %sub3A = arith.constant 19 : i32
      %sub3A_28 = arith.subi %sub3A, %scan3A_26 : i32
      %shift_left3A_29 = arith.constant 1 : i32
      %shift_left3A_30 = arith.shli %shift_left3A_29, %sub3A_28 : i32
      %or3A_31 = arith.ori %scan3A_27, %shift_left3A_30 : i32
      %ge3A_32 = vector.broadcast %or3A_31 : i32 to vector<5200x128xi32>
      %ge3A_33 = arith.cmpi sge, %get3A_10, %ge3A_32 : vector<5200x128xi32>
      %convert_element_type3A_34 = arith.extui %ge3A_33 : vector<5200x128xi1> to vector<5200x128xi32>
      %reduce_sum3A = vector.shape_cast %convert_element_type3A_34 : vector<5200x128xi32> to vector<1x5200x128xi32>
      %reduce_sum3A_35 = arith.constant dense<0> : vector<1xi32>
      %reduce_sum3A_36 = vector.multi_reduction <add>, %reduce_sum3A, %reduce_sum3A_35 [1, 2] : vector<1x5200x128xi32> to vector<1xi32>
      %reduce_sum3A_37 = vector.shape_cast %reduce_sum3A_36 : vector<1xi32> to vector<1x1x1xi32>
      %reduce_sum3A_38 = vector.extract %reduce_sum3A_37[0, 0, 0] : i32 from vector<1x1x1xi32>
      %add3A = arith.addi %get3A_7, %reduce_sum3A_38 : i32
      %ge3A_39 = arith.cmpi sge, %add3A, %get3A_1 : i32
      %select_n3A = arith.select %ge3A_39, %or3A_31, %scan3A_27 : i32
      scf.yield %select_n3A : i32
    }
    %scan3A_16 = arith.constant 20 : i32
    %xor3A = arith.constant 2048 : i32
    %xor3A_17 = arith.xori %get3A_4, %xor3A : i32
    %shift_left3A = arith.constant 20 : i32
    %shift_left3A_18 = arith.shli %xor3A_17, %shift_left3A : i32
    %or3A = arith.ori %shift_left3A_18, %scan3A_15 : i32
    %get3A_19 = arith.constant 0 : index
    %get3A_20 = arith.constant 0 : index
    %get3A_21 = vector.load %arg2[%get3A_19, %get3A_20] : memref<12500x128xi32, #tpu.memory_space<vmem>>, vector<12500x128xi32>
    %ge3A = vector.broadcast %or3A : i32 to vector<12500x128xi32>
    %ge3A_22 = arith.cmpi sge, %get3A_21, %ge3A : vector<12500x128xi32>
    %convert_element_type3A = arith.extui %ge3A_22 : vector<12500x128xi1> to vector<12500x128xi32>
    %convert_element_type3A_23 = arith.sitofp %convert_element_type3A : vector<12500x128xi32> to vector<12500x128xf32>
    %swap3A = arith.constant 0 : index
    %swap3A_24 = arith.constant 0 : index
    %swap3A_25 = vector.load %arg4[%swap3A, %swap3A_24] : memref<12500x128xf32, #tpu.memory_space<vmem>>, vector<12500x128xf32>
    tpu.vector_store %arg4[%swap3A, %swap3A_24], %convert_element_type3A_23 {strides = array<i32>} : memref<12500x128xf32, #tpu.memory_space<vmem>>, vector<12500x128xf32>,
    return
  }
}

</mosaic_0001>

<sc_bundles>
// kernel: kernel.6.cloned.1.call-start
scs
__scs_entry_jumppad:
0x0: {  	(pc) =	sbr.rel $0x88, $3  }
0x1: {  	(tag) =	ssettag $0x0;
	lr =	simm.s32 $0x1  }
0x2: {  	[smem:$0x3F9F] =	sst lr;
	_ =	strace $0xD0000000  }
0x3: {  	_ = 	snop  }
0x4: {  	_ = 	snop  }
0x5: {  	_ = 	snop  }
0x6: {  	_ = 	snop  }
0x7: {  	_ = 	snop  }
__scs_overlays_trampoline_lowered:
0x8: {  	[smem:$0x3FAE] =	sst s0  }
0x9: {  	[smem:$0x3FAF] =	sst s1  }
0xa: {  	[smem:$0x3FB0] =	sst s2  }
0xb: {  	[smem:$0x3FB1] =	sst s3  }
0xc: {  	[smem:$0x3FB2] =	sst s4  }
0xd: {  	[smem:$0x3FB3] =	sst s5  }
0xe: {  	[smem:$0x3FB4] =	sst s6  }
0xf: {  	[smem:$0x3FB5] =	sst s7  }
0x10: {  	[smem:$0x3FB6] =	sst s8  }
0x11: {  	[smem:$0x3FB7] =	sst s9;
	s0 =	simm.s32 @!p0 $0x0  }
0x12: {  	s1 =	sld [smem:$0x3F9D];
	s0 =	simm.s32 @p0 $0x1  }
0x13: {  	[smem:$0x3FB8] =	sst s0;
	s0 =	simm.s32 @!p1 $0x0  }
0x14: {  	s2 =	sld [smem:$0x3F9C];
	s0 =	simm.s32 @p1 $0x1  }
0x15: {  	[smem:$0x3FB9] =	sst s0;
	s0 =	simm.s32 @!p2 $0x0  }
0x16: {  	s3 =	sld [smem:$0x3FDB];
	s0 =	simm.s32 @p2 $0x1  }
0x17: {  	s4 =	simm.s32 $0x1BF5;
	[smem:$0x3FBB] =	sst s0  }
0x18: {  	s0 =	sld [smem:$0x3F9E];
	_ =	swait.ge [sflag:s4], $0x0  }
0x19: {  	s7 =	sld [smem:$0x3F9F]  }
0x1a: {  	s8 =	sadd.s32 $0xFFFFE003, lr  }
0x1b: {  	s9 =	sadd.s32 $0xFFFFFEF7, lr;
	s5 =	simm.s32 $0xFFFFFFFF;
	p2 =	slt.u32 s8, $0xFFFFF086  }
0x1c: {  	p1 =	slt.u32 s9, $0xF7A;
	s5 =	simm.s32 @!p2 $0x0  }
0x1d: {  	s5 =	simm.s32 @p1 $0x1;
	p0 =	seq.s32 s7, s2  }
0x1e: {  	s7 =	smul.u32 @!p0 $0xF7A, s2;
	p2 =	seq.s32 @!p0 s5, $0x0  }
0x1f: {  	s9 =	smul.u32 $0xF7A, s1;
	s8 =	simm.s32 @!p0 $0x1BF5;
	p2 =	por !p2, p0  }
0x20: {  	[sflag:s8] =	ssyncset.s32 @!p0 $0xFFFFF086;
	s6 =	sadd.s32 @!p0 s3, s7;
	s7 =	simm.s32 @!p0 $0x108  }
0x21: {  	s3 =	sadd.s32 s3, s9;
	s6 =	sadd.s32 @!p0 $0x88, s6;
	s7 =	simm.s32 @p2 $0x1082  }
0x22: {  	[simem:s7], [sflag:s8] =	dma.local @!p0 [hbm:s6], $0xF7A  }
0x23: {  	s9 =	sor.u32 $0xD0000000, s2;
	s6 =	simm.s32 $0x108;
	_ =	swait.ge @!p0 [sflag:s8], $0x0  }
0x24: {  	s3 =	sadd.s32 $0x88, s3;
	s6 =	simm.s32 @!p1 $0x1082;
	[sflag:s4] =	ssyncset.s32 $0xFFFFF086  }
0x25: {  	[simem:s6], [sflag:s4] =	dma.local [hbm:s3], $0xF7A  }
0x26: {  	[smem:$0x3F9F] =	sst s1;
	(tag) =	ssettag s2;
	_ =	strace s9  }
0x27: {  	s1 =	sld [smem:$0x3FAF]  }
0x28: {  	s2 =	sld [smem:$0x3FB0]  }
0x29: {  	s4 =	sld [smem:$0x3FB2]  }
0x2a: {  	p0 =	seq.s32 s5, $0x0;
	s5 =	sld [smem:$0x3FB3]  }
0x2b: {  	s6 =	sld [smem:$0x3FB4]  }
0x2c: {  	s7 =	sld [smem:$0x3FB5]  }
0x2d: {  	s3 =	simm.s32 $0x108;
	s8 =	sld [smem:$0x3FB6]  }
0x2e: {  	s3 =	simm.s32 @!p0 $0x1082;
	s9 =	sld [smem:$0x3FB7]  }
0x2f: {  	lr =	sadd.s32 s0, s3;
	s0 =	sld [smem:$0x3FAE]  }
0x30: {  	s3 =	sld [smem:$0x3FB1]  }
0x31: {  	[smem:$0x3FBA] =	sst s10  }
0x32: {  	s10 =	sld [smem:$0x3FB8];
	_ =	sdelay $0x3  }
0x33: {  	p0 =	seq.s32 s10, $0x1;
	s10 =	sld [smem:$0x3FBA];
	_ =	sdelay $0x3  }
0x34: {  	[smem:$0x3FBA] =	sst s10  }
0x35: {  	s10 =	sld [smem:$0x3FB9];
	_ =	sdelay $0x3  }
0x36: {  	p1 =	seq.s32 s10, $0x1;
	s10 =	sld [smem:$0x3FBA];
	_ =	sdelay $0x3  }
0x37: {  	[smem:$0x3FBA] =	sst s10  }
0x38: {  	s10 =	sld [smem:$0x3FBB]  }
0x39: {  	_ = 	snop;
	(pc) =	sbr.ind lr, $3  }
0x3a: {  	_ = 	snop  }
0x3b: {  	_ = 	snop  }
0x3c: {  	p2 =	seq.s32 s10, $0x1;
	s10 =	sld [smem:$0x3FBA]  }
0x3d: {  	_ =	shalt  }
0x3e: {  	_ =	shalt  }
0x3f: {  	_ =	shalt  }
0x40: {  	_ =	shalt  }
0x41: {  	_ =	shalt  }
0x42: {  	_ =	shalt  }
0x43: {  	_ =	shalt  }
0x44: {  	_ =	shalt  }
0x45: {  	_ =	shalt  }
0x46: {  	_ =	shalt  }
0x47: {  	_ =	shalt  }
0x48: {  	_ =	shalt  }
0x49: {  	_ =	shalt  }
0x4a: {  	_ =	shalt  }
0x4b: {  	_ =	shalt  }
0x4c: {  	_ =	shalt  }
0x4d: {  	_ =	shalt  }
0x4e: {  	_ =	shalt  }
0x4f: {  	_ =	shalt  }
0x50: {  	_ =	shalt  }
0x51: {  	_ =	shalt  }
0x52: {  	_ =	shalt  }
0x53: {  	_ =	shalt  }
0x54: {  	_ =	shalt  }
0x55: {  	_ =	shalt  }
0x56: {  	_ =	shalt  }
0x57: {  	_ =	shalt  }
0x58: {  	_ =	shalt  }
0x59: {  	_ =	shalt  }
0x5a: {  	_ =	shalt  }
0x5b: {  	_ =	shalt  }
0x5c: {  	_ =	shalt  }
0x5d: {  	_ =	shalt  }
0x5e: {  	_ =	shalt  }
0x5f: {  	_ =	shalt  }
0x60: {  	_ =	shalt  }
0x61: {  	_ =	shalt  }
0x62: {  	_ =	shalt  }
0x63: {  	_ =	shalt  }
0x64: {  	_ =	shalt  }
0x65: {  	_ =	shalt  }
0x66: {  	_ =	shalt  }
0x67: {  	_ =	shalt  }
0x68: {  	_ =	shalt  }
0x69: {  	_ =	shalt  }
0x6a: {  	_ =	shalt  }
0x6b: {  	_ =	shalt  }
0x6c: {  	_ =	shalt  }
0x6d: {  	_ =	shalt  }
0x6e: {  	_ =	shalt  }
0x6f: {  	_ =	shalt  }
0x70: {  	_ =	shalt  }
0x71: {  	_ =	shalt  }
0x72: {  	_ =	shalt  }
0x73: {  	_ =	shalt  }
0x74: {  	_ =	shalt  }
0x75: {  	_ =	shalt  }
0x76: {  	_ =	shalt  }
0x77: {  	_ =	shalt  }
0x78: {  	_ =	shalt  }
0x79: {  	_ =	shalt  }
0x7a: {  	_ =	shalt  }
0x7b: {  	_ =	shalt  }
0x7c: {  	_ =	shalt  }
0x7d: {  	_ =	shalt  }
0x7e: {  	_ =	shalt  }
0x7f: {  	_ =	shalt  }
0x80: {  	_ =	shalt  }
0x81: {  	_ =	shalt  }
0x82: {  	_ =	shalt  }
0x83: {  	_ =	shalt  }
0x84: {  	_ =	shalt  }
0x85: {  	_ =	shalt  }
0x86: {  	_ =	shalt  }
0x87: {  	_ =	shalt  }
.Lfunc_end0:
.L_simem_size_0:
called_computation_lowered:
.L_overlay_start_0:
0x88: {  	s2 =	sld [smem:$0x3FD9]  }
0x89: {  	s3 =	sld [smem:$0x3FFE];
	_ =	sdelay $0x1  }
0x8a: {  	s1 =	srdreg.scid  }
0x8b: {  	s0 =	sand.u32 $0x1, s1  }
0x8c: {  	s17 =	sshll.u32 s0, $0xA;
	s2 =	sadd.s32 s3, s2  }
0x8d: {  	s2 =	sadd.s32 s2, s17  }
0x8e: {  	[smem:$0x3FC6] =	sst s2  }
0x8f: {  	_ = 	snop  }
0x90: {  	s2 =	sld [smem:$0x3FC9]  }
0x91: {  	s18 =	sld [smem:$0x3FD0];
	(tm) =	ssettm $0x1  }
0x92: {  	s4 =	sld [smem:$0x3FFB];
	_ =	sdelay $0x3  }
0x93: {  	_ =	strace s4  }
0x94: {  	s4 =	sld [smem:$0x3FFC];
	_ =	sdelay $0x3  }
0x95: {  	_ =	strace s4  }
0x96: {  	s4 =	sld [smem:$0x3FFD];
	_ =	sdelay $0x3  }
0x97: {  	_ =	strace s4  }
0x98: {  	_ =	strace $0x8FFFFFFF  }
0x99: {  	s19 =	sld [smem:$0x3FDB];
	_ =	sdelay $0x1  }
0x9a: {  	s5 =	simm.s32 $_scs_section_size  }
0x9b: {  	s6 =	simm.s32 $_size__tile_overlayer_lowered;
	s7 =	simm.s32 $_tile_overlayer_lowered  }
0x9c: {  	s22 =	simm.s32 $0x1BFF;
	s21 =	sshll.u32 s7, $0x1;
	s4 =	sadd.s32 s5, s19  }
0x9d: {  	s8 =	simm.s32 $0x0;
	s20 =	sshll.u32 s6, $0x1;
	s6 =	sadd.s32 s21, s4  }
0x9e: {  	[timem:s8], [sflag:s22] =	dma.local [hbm:s6], s20  }
0x9f: {  	_ =	swait.ge [sflag:s22], s20  }
0xa0: {  	s5 =	ssub.s32 $0x0, s20;
	[sflag:s22] =	ssyncset.done $0x0  }
0xa1: {  	[sflag:s22] =	ssyncadd.s32 s5;
	_ =	sdelay $0x1  }
0xa2: {  	s23 =	simm.s32 $0x1B8B  }
0xa3: {  	_ =	swait.ge [sflag:s23], $0x1  }
0xa4: {  	[sflag:s23] =	ssyncset.done $0x0  }
0xa5: {  	s25 =	simm.s32 $0x1B8E;
	s24 =	sld [smem:$0x3FFE];
	[sflag:s23] =	ssyncadd.s32 $0xFFFFFFFF  }
0xa6: {  	s26 =	simm.s32 $execute0_lowered;
	[smem:$0x3FD2] =	sst s25  }
0xa7: {  	s6 =	sshll.u32 s26, $0x1;
	_ =	strace $0x80000046;
	[dreg:$0x1] =	wrdreg $0xFFFFFFFF  }
0xa8: {  	s28 =	simm.s32 $_size_execute0_lowered;
	s4 =	sadd.s32 s4, s6;
	[dreg:$0x0] =	wrdreg $0x0  }
0xa9: {  	s6 =	sshll.u32 s28, $0x1;
	[dreg:$0x2] =	wrdreg s4  }
0xaa: {  	[dreg:$0x3] =	wrdreg s6  }
0xab: {  	[dreg:$0x4] =	wrdreg $0xC0  }
0xac: {  	_ =	task [dreg:s8], $0x5FFFF  }
0xad: {  	[dreg:$0x1] =	wrdreg $0xFFFFFFFF  }
0xae: {  	[dreg:$0x0] =	wrdreg $0x60  }
0xaf: {  	[dreg:$0x2] =	wrdreg s2  }
0xb0: {  	[dreg:$0x3] =	wrdreg s18  }
0xb1: {  	[dreg:$0x4] =	wrdreg s24  }
0xb2: {  	[dreg:$0x5] =	wrdreg $0x9  }
0xb3: {  	_ =	task.clear_ibuf [dreg:s8], $0x6FFFF;
	_ =	strace $0x90000046  }
0xb4: {  	s29 =	simm.s32 $0x9;
	_ =	strace $0x80000048  }
0xb5: {  	_ =	swait.ge [sflag:s29], $0x1  }
0xb6: {  	[sflag:s29] =	ssyncadd.s32 $0xFFFFFFFF  }
0xb7: {  	_ =	strace $0x90000048  }
0xb8: {  	_ =	sfence  }
0xb9: {  	s30 =	sld [smem:$0x0];
	_ =	sdelay $0x2  }
0xba: {  	s31 =	sshll.u32 s1, $0xD;
	s1 =	sshrl.u32 s1, $0x2  }
0xbb: {  	s3 =	sand.u32 $0x4000, s31;
	s1 =	sadd.s32 s1, s30  }
0xbc: {  	s0 =	sor.u32 s3, s0;
	s1 =	sshll.u32 s1, $0x11  }
0xbd: {  	s0 =	sor.u32 s1, s0  }
0xbe: {  	s0 =	sadd.s32 $0x8F2B, s0  }
0xbf: {  	[sflag:s0] =	ssyncadd.remote.s32 $0x1  }
0xc0: {  	_ =	sfence.sel $0xFFFF  }
0xc1: {  	[dreg:$0x0] =	wrdreg $0xFFFFFFFF;
	(pc) =	sbr.abs _section_cstart, $3  }
0xc2: {  	[dreg:$0x1] =	wrdreg $0xFFFFFFFF  }
0xc3: {  	_ =	task.clear_ibuf [dreg:s8], $0x2FFFF;
	_ =	strace $0x9FFFFFFF  }
0xc4: {  	(tm) =	ssettm $0x7FFFFFFF  }
0xc5: {  	_ =	shalt  }
tec
execute0_lowered:
.L_overlay_start_1:
0x0: {  	(tag) =	ssettag $0x1  }
0x1: {  	s0 =	rddreg [dreg:$0x0]  }
0x2: {  	s1 =	rddreg [dreg:$0x1]  }
0x3: {  	s3 =	rddreg [dreg:$0x2]  }
0x4: {  	s2 =	srdreg.scid;
	s6 =	stileid.u32;
	s28 =	simm.s32 $0x2  }
0x5: {  	s29 =	simm.s32 $0x4F00;
	s30 =	simm.s32 $0x4;
	s31 =	simm.s32 $0x5  }
0x6: {  	s4 =	sand.u32 $0x1, s2;
	s5 =	sshll.u32 s6, $0x1;
	s2 =	simm.s32 $0x0  }
0x7: {  	s6 =	sshrl.u32 s6, $0x2;
	s8 =	sadd.s32 $0x1800, s3;
	s18 =	sadd.s32 $0x16200, s3  }
0x8: {  	s5 =	sor.u32 s4, s5;
	[smem:$0x7FF] =	sst s2;
	s6 =	smul.u32 $0x28000, s6  }
0x9: {  	s4 =	ssub.s32 $0x2, s4;
	s7 =	sshll.u32 s5, $0x7;
	_ =	strace $0x80000047  }
0xa: {  	s5 =	smul.u32 $0xC350, s5;
	s20 =	sshrl.u32 s4, $0x1;
	s7 =	sand.u32 $0x380, s7  }
0xb: {  	[dreg:$0x4] =	wrdreg s8;
	s4 =	ssub.s32 s4, s20;
	s6 =	sor.u32 s6, s7  }
0xc: {  	s5 =	sshrl.u32 s5, $0x3;
	s20 =	smax.u32 s4, $0x1;
	s4 =	simm.s32 $0x8  }
0xd: {  	s6 =	sshrl.u32 s6, $0x3;
	s21 =	sadd.s32 s0, s5;
	s22 =	sadd.s32 $0x4E2, s5  }
0xe: {  	s23 =	sadd.s32 s1, s5;
	s14 =	sadd.s32 $0x9C4, s5;
	s8 =	sadd.s32 s18, s5  }
0xf: {  	s26 =	sadd.s32 $0xEA6, s5;
	s5 =	sadd.s32 $0x1388, s5;
	[dreg:$0x5] =	wrdreg s21  }
0x10: {  	s3 =	sadd.s32 s6, s3;
	[dreg:$0x6] =	wrdreg s23;
	s24 =	sadd.s32 s0, s22  }
0x11: {  	s25 =	sadd.s32 s1, s22;
	s9 =	sadd.s32 s0, s14;
	s10 =	sadd.s32 s1, s14  }
0x12: {  	s11 =	sadd.s32 s18, s22;
	s12 =	sadd.s32 s0, s26;
	s13 =	sadd.s32 s1, s26  }
0x13: {  	s14 =	sadd.s32 s18, s14;
	s15 =	sadd.s32 s0, s5;
	s16 =	sadd.s32 s1, s5  }
0x14: {  	s17 =	sadd.s32 s18, s26;
	s18 =	sadd.s32 s18, s5;
	s21 =	simm.s32 $0xED00  }
0x15: {  	s22 =	simm.s32 $0x2780;
	s23 =	simm.s32 $0x7;
	s26 =	simm.s32 $0x1  }
0x16: {  	s0 =	simm.s32 $0xC580;
	s1 =	simm.s32 $0x3;
	[dreg:$0x7] =	wrdreg s24  }
0x17: {  	s5 =	simm.s32 $0x0;
	[dreg:$0x8] =	wrdreg s25;
	s19 =	sadd.s32 $0x2200, s3  }
0x18: {  	v0 =	vimm.s32 $0x1;
	s24 =	simm.s32 $0x7680;
	s25 =	simm.s32 $0x9E00;
	s3 =	simm.s32 $0x6  }
.LBB2_1:
0x19: {  	s6 =	rddreg [dreg:$0x4]  }
0x1a: {  	[tilespmem:s21], [sflag:$0x7] =	stream.linear.gather [hbm4b:s6+s2], $0x5000, $0x38;
	[tilespmem:$0x13D00] =	vst v63  }
0x1b: {  	s7 =	rddreg [dreg:$0x5]  }
0x1c: {  	[tilespmem:s2], [sflag:$0x1] =	stream.linear.gather [hbm4b:s7+s2], $0x2710, $0x38;
	[tilespmem:$0x13D00] =	vst v63  }
0x1d: {  	s7 =	rddreg [dreg:$0x6]  }
0x1e: {  	[tilespmem:s22], [sflag:$0x2] =	stream.linear.gather [hbm4b:s7+s2], $0x2710, $0x38;
	[tilespmem:$0x13D00] =	vst v63  }
0x1f: {  	_ =	swait.ge [sflag:s23], $0x5000  }
0x20: {  	[sflag:s23] =	ssyncset.done $0x0  }
0x21: {  	s7 =	rddreg [dreg:$0x7];
	[sflag:s23] =	ssyncadd.s32 $0xFFFFB000  }
0x22: {  	[tilespmem:s24], [sflag:$0x4] =	stream.linear.gather [hbm4b:s7+s2], $0x2710, $0x38;
	[tilespmem:$0x13D00] =	vst v63  }
0x23: {  	s7 =	rddreg [dreg:$0x8]  }
0x24: {  	[tilespmem:s25], [sflag:$0x5] =	stream.linear.gather [hbm4b:s7+s2], $0x2710, $0x38;
	[tilespmem:$0x13D00] =	vst v63  }
0x25: {  	_ =	swait.ge [sflag:s26], $0x2710  }
0x26: {  	[sflag:s26] =	ssyncset.done $0x0  }
0x27: {  	[sflag:s26] =	ssyncadd.s32 $0xFFFFD8F0  }
0x28: {  	_ =	swait.ge [sflag:s28], $0x2710  }
0x29: {  	[sflag:s28] =	ssyncset.done $0x0  }
0x2a: {  	s6 =	simm.s32 $0x0;
	[sflag:s28] =	ssyncadd.s32 $0xFFFFD8F0  }
.LBB2_2:
0x2b: {  	s7 =	sshra.s32 s6, $0x2  }
0x2c: {  	v1 =	vld [tilespmem:s7+$0x0]  }
0x2d: {  	v2 =	vld [tilespmem:s7+$0x2780];
	_ =	sdelay $0x4  }
0x2e: {  	v1 =	vadd.f32 v2, v1;
	_ =	sdelay $0x1  }
0x2f: {  	v2 =	vshra.s32 v1, $0x1F  }
0x30: {  	v2 =	vand.u32 $0x7FFFFFFF, v2  }
0x31: {  	v1 =	vxor.u32 v1, v2  }
0x32: {  	v2 =	vshra.s32 v1, $0x14  }
0x33: {  	v2 =	vadd.s32 $0x800, v2;
	_ =	sdelay $0x3  }
0x34: {  	[tilespmem:s7+$0x4F00] =	vst v1  }
0x35: {  	[tilespmem:v2+s21+$0x0] =	vst.idx.add.s32.msk $0xffff, v0  }
0x36: {  	v1 =	vld [tilespmem:s7+$0x10]  }
0x37: {  	v2 =	vld [tilespmem:s7+$0x2790];
	_ =	sdelay $0x4  }
0x38: {  	v1 =	vadd.f32 v2, v1;
	_ =	sdelay $0x1  }
0x39: {  	v2 =	vshra.s32 v1, $0x1F  }
0x3a: {  	v2 =	vand.u32 $0x7FFFFFFF, v2  }
0x3b: {  	v1 =	vxor.u32 v1, v2  }
0x3c: {  	v2 =	vshra.s32 v1, $0x14  }
0x3d: {  	v2 =	vadd.s32 $0x1800, v2;
	_ =	sdelay $0x3  }
0x3e: {  	[tilespmem:s7+$0x4F10] =	vst v1  }
0x3f: {  	[tilespmem:v2+s21+$0x0] =	vst.idx.add.s32.msk $0xffff, v0  }
0x40: {  	v1 =	vld [tilespmem:s7+$0x20]  }
0x41: {  	v2 =	vld [tilespmem:s7+$0x27A0];
	_ =	sdelay $0x4  }
0x42: {  	v1 =	vadd.f32 v2, v1;
	_ =	sdelay $0x1  }
0x43: {  	v2 =	vshra.s32 v1, $0x1F  }
0x44: {  	v2 =	vand.u32 $0x7FFFFFFF, v2  }
0x45: {  	v1 =	vxor.u32 v1, v2  }
0x46: {  	v2 =	vshra.s32 v1, $0x14  }
0x47: {  	v2 =	vadd.s32 $0x2800, v2;
	_ =	sdelay $0x3  }
0x48: {  	[tilespmem:s7+$0x4F20] =	vst v1  }
0x49: {  	[tilespmem:v2+s21+$0x0] =	vst.idx.add.s32.msk $0xffff, v0  }
0x4a: {  	v1 =	vld [tilespmem:s7+$0x30]  }
0x4b: {  	v2 =	vld [tilespmem:s7+$0x27B0];
	_ =	sdelay $0x4  }
0x4c: {  	v1 =	vadd.f32 v2, v1;
	_ =	sdelay $0x1  }
0x4d: {  	v2 =	vshra.s32 v1, $0x1F  }
0x4e: {  	v2 =	vand.u32 $0x7FFFFFFF, v2  }
0x4f: {  	v1 =	vxor.u32 v1, v2  }
0x50: {  	v2 =	vshra.s32 v1, $0x14  }
0x51: {  	v2 =	vadd.s32 $0x3800, v2;
	_ =	sdelay $0x3  }
0x52: {  	[tilespmem:s7+$0x4F30] =	vst v1  }
0x53: {  	[tilespmem:v2+s21+$0x0] =	vst.idx.add.s32.msk $0xffff, v0  }
0x54: {  	v1 =	vld [tilespmem:s7+$0x40]  }
0x55: {  	v2 =	vld [tilespmem:s7+$0x27C0];
	_ =	sdelay $0x4  }
0x56: {  	v1 =	vadd.f32 v2, v1;
	_ =	sdelay $0x1  }
0x57: {  	v2 =	vshra.s32 v1, $0x1F  }
0x58: {  	v2 =	vand.u32 $0x7FFFFFFF, v2  }
0x59: {  	v1 =	vxor.u32 v1, v2  }
0x5a: {  	v2 =	vshra.s32 v1, $0x14  }
0x5b: {  	p0 =	sne.s32 s6, $0x9B00;
	v2 =	vadd.s32 $0x4800, v2  }
.Ltmp0:
0x5c: {  	_ = 	snop;
	(pc) =	sbr.rel @p0 .LBB2_2-.Ltmp0, $3  }
0x5d: {  	_ =	sdelay $0x1  }
0x5e: {  	[tilespmem:s7+$0x4F40] =	vst v1  }
0x5f: {  	s6 =	sadd.s32 $0x140, s6;
	[tilespmem:v2+s21+$0x0] =	vst.idx.add.s32.msk $0xffff, v0  }
0x60: {  	s6 =	simm.s32 $0x0  }
0x61: {  	[hbm4b:s8+s6] =	stream.linear.scatter [tilespmem:s29], [sflag:$0x3], $0x2710, $0x38;
	[tilespmem:$0x13D00] =	vst v63  }
0x62: {  	_ = 	snop  }
0x63: {  	[tilespmem:s6], [sflag:$0x1] =	stream.linear.gather [hbm4b:s9+s6], $0x2710, $0x38;
	[tilespmem:$0x13D00] =	vst v63  }
0x64: {  	_ = 	snop  }
0x65: {  	[tilespmem:s22], [sflag:$0x2] =	stream.linear.gather [hbm4b:s10+s6], $0x2710, $0x38;
	[tilespmem:$0x13D00] =	vst v63  }
0x66: {  	_ =	swait.ge [sflag:s30], $0x2710  }
0x67: {  	[sflag:s30] =	ssyncset.done $0x0  }
0x68: {  	[sflag:s30] =	ssyncadd.s32 $0xFFFFD8F0  }
0x69: {  	_ =	swait.ge [sflag:s31], $0x2710  }
0x6a: {  	[sflag:s31] =	ssyncset.done $0x0  }
0x6b: {  	[sflag:s31] =	ssyncadd.s32 $0xFFFFD8F0  }
.LBB2_4:
0x6c: {  	s7 =	sshra.s32 s6, $0x2  }
0x6d: {  	v1 =	vld [tilespmem:s7+$0x7680]  }
0x6e: {  	v2 =	vld [tilespmem:s7+$0x9E00];
	_ =	sdelay $0x4  }
0x6f: {  	v1 =	vadd.f32 v2, v1;
	_ =	sdelay $0x1  }
0x70: {  	v2 =	vshra.s32 v1, $0x1F  }
0x71: {  	v2 =	vand.u32 $0x7FFFFFFF, v2  }
0x72: {  	v1 =	vxor.u32 v1, v2  }
0x73: {  	v2 =	vshra.s32 v1, $0x14  }
0x74: {  	v2 =	vadd.s32 $0x800, v2;
	_ =	sdelay $0x3  }
0x75: {  	[tilespmem:s7+$0xC580] =	vst v1  }
0x76: {  	[tilespmem:v2+s21+$0x0] =	vst.idx.add.s32.msk $0xffff, v0  }
0x77: {  	v1 =	vld [tilespmem:s7+$0x7690]  }
0x78: {  	v2 =	vld [tilespmem:s7+$0x9E10];
	_ =	sdelay $0x4  }
0x79: {  	v1 =	vadd.f32 v2, v1;
	_ =	sdelay $0x1  }
0x7a: {  	v2 =	vshra.s32 v1, $0x1F  }
0x7b: {  	v2 =	vand.u32 $0x7FFFFFFF, v2  }
0x7c: {  	v1 =	vxor.u32 v1, v2  }
0x7d: {  	v2 =	vshra.s32 v1, $0x14  }
0x7e: {  	v2 =	vadd.s32 $0x1800, v2;
	_ =	sdelay $0x3  }
0x7f: {  	[tilespmem:s7+$0xC590] =	vst v1  }
0x80: {  	[tilespmem:v2+s21+$0x0] =	vst.idx.add.s32.msk $0xffff, v0  }
0x81: {  	v1 =	vld [tilespmem:s7+$0x76A0]  }
0x82: {  	v2 =	vld [tilespmem:s7+$0x9E20];
	_ =	sdelay $0x4  }
0x83: {  	v1 =	vadd.f32 v2, v1;
	_ =	sdelay $0x1  }
0x84: {  	v2 =	vshra.s32 v1, $0x1F  }
0x85: {  	v2 =	vand.u32 $0x7FFFFFFF, v2  }
0x86: {  	v1 =	vxor.u32 v1, v2  }
0x87: {  	v2 =	vshra.s32 v1, $0x14  }
0x88: {  	v2 =	vadd.s32 $0x2800, v2;
	_ =	sdelay $0x3  }
0x89: {  	[tilespmem:s7+$0xC5A0] =	vst v1  }
0x8a: {  	[tilespmem:v2+s21+$0x0] =	vst.idx.add.s32.msk $0xffff, v0  }
0x8b: {  	v1 =	vld [tilespmem:s7+$0x76B0]  }
0x8c: {  	v2 =	vld [tilespmem:s7+$0x9E30];
	_ =	sdelay $0x4  }
0x8d: {  	v1 =	vadd.f32 v2, v1;
	_ =	sdelay $0x1  }
0x8e: {  	v2 =	vshra.s32 v1, $0x1F  }
0x8f: {  	v2 =	vand.u32 $0x7FFFFFFF, v2  }
0x90: {  	v1 =	vxor.u32 v1, v2  }
0x91: {  	v2 =	vshra.s32 v1, $0x14  }
0x92: {  	v2 =	vadd.s32 $0x3800, v2;
	_ =	sdelay $0x3  }
0x93: {  	[tilespmem:s7+$0xC5B0] =	vst v1  }
0x94: {  	[tilespmem:v2+s21+$0x0] =	vst.idx.add.s32.msk $0xffff, v0  }
0x95: {  	v1 =	vld [tilespmem:s7+$0x76C0]  }
0x96: {  	v2 =	vld [tilespmem:s7+$0x9E40];
	_ =	sdelay $0x4  }
0x97: {  	v1 =	vadd.f32 v2, v1;
	_ =	sdelay $0x1  }
0x98: {  	v2 =	vshra.s32 v1, $0x1F  }
0x99: {  	v2 =	vand.u32 $0x7FFFFFFF, v2  }
0x9a: {  	v1 =	vxor.u32 v1, v2  }
0x9b: {  	v2 =	vshra.s32 v1, $0x14  }
0x9c: {  	p0 =	sne.s32 s6, $0x9B00;
	v2 =	vadd.s32 $0x4800, v2  }
.Ltmp1:
0x9d: {  	_ = 	snop;
	(pc) =	sbr.rel @p0 .LBB2_4-.Ltmp1, $3  }
0x9e: {  	_ =	sdelay $0x1  }
0x9f: {  	[tilespmem:s7+$0xC5C0] =	vst v1  }
0xa0: {  	s6 =	sadd.s32 $0x140, s6;
	[tilespmem:v2+s21+$0x0] =	vst.idx.add.s32.msk $0xffff, v0  }
0xa1: {  	s6 =	simm.s32 $0x0  }
0xa2: {  	[hbm4b:s11+s6] =	stream.linear.scatter [tilespmem:s0], [sflag:$0x6], $0x2710, $0x38;
	[tilespmem:$0x13D00] =	vst v63  }
0xa3: {  	_ = 	snop  }
0xa4: {  	[tilespmem:s24], [sflag:$0x4] =	stream.linear.gather [hbm4b:s12+s6], $0x2710, $0x38;
	[tilespmem:$0x13D00] =	vst v63  }
0xa5: {  	_ = 	snop  }
0xa6: {  	[tilespmem:s25], [sflag:$0x5] =	stream.linear.gather [hbm4b:s13+s6], $0x2710, $0x38;
	[tilespmem:$0x13D00] =	vst v63  }
0xa7: {  	_ =	swait.ge [sflag:s26], $0x2710  }
0xa8: {  	[sflag:s26] =	ssyncset.done $0x0  }
0xa9: {  	[sflag:s26] =	ssyncadd.s32 $0xFFFFD8F0  }
0xaa: {  	_ =	swait.ge [sflag:s28], $0x2710  }
0xab: {  	[sflag:s28] =	ssyncset.done $0x0  }
0xac: {  	[sflag:s28] =	ssyncadd.s32 $0xFFFFD8F0  }
0xad: {  	_ =	swait.ge [sflag:s1], $0x2710  }
0xae: {  	[sflag:s1] =	ssyncset.done $0x0  }
0xaf: {  	[sflag:s1] =	ssyncadd.s32 $0xFFFFD8F0  }
.LBB2_6:
0xb0: {  	s7 =	sshra.s32 s6, $0x2  }
0xb1: {  	v1 =	vld [tilespmem:s7+$0x0]  }
0xb2: {  	v2 =	vld [tilespmem:s7+$0x2780];
	_ =	sdelay $0x4  }
0xb3: {  	v1 =	vadd.f32 v2, v1;
	_ =	sdelay $0x1  }
0xb4: {  	v2 =	vshra.s32 v1, $0x1F  }
0xb5: {  	v2 =	vand.u32 $0x7FFFFFFF, v2  }
0xb6: {  	v1 =	vxor.u32 v1, v2  }
0xb7: {  	v2 =	vshra.s32 v1, $0x14  }
0xb8: {  	v2 =	vadd.s32 $0x800, v2;
	_ =	sdelay $0x3  }
0xb9: {  	[tilespmem:s7+$0x4F00] =	vst v1  }
0xba: {  	[tilespmem:v2+s21+$0x0] =	vst.idx.add.s32.msk $0xffff, v0  }
0xbb: {  	v1 =	vld [tilespmem:s7+$0x10]  }
0xbc: {  	v2 =	vld [tilespmem:s7+$0x2790];
	_ =	sdelay $0x4  }
0xbd: {  	v1 =	vadd.f32 v2, v1;
	_ =	sdelay $0x1  }
0xbe: {  	v2 =	vshra.s32 v1, $0x1F  }
0xbf: {  	v2 =	vand.u32 $0x7FFFFFFF, v2  }
0xc0: {  	v1 =	vxor.u32 v1, v2  }
0xc1: {  	v2 =	vshra.s32 v1, $0x14  }
0xc2: {  	v2 =	vadd.s32 $0x1800, v2;
	_ =	sdelay $0x3  }
0xc3: {  	[tilespmem:s7+$0x4F10] =	vst v1  }
0xc4: {  	[tilespmem:v2+s21+$0x0] =	vst.idx.add.s32.msk $0xffff, v0  }
0xc5: {  	v1 =	vld [tilespmem:s7+$0x20]  }
0xc6: {  	v2 =	vld [tilespmem:s7+$0x27A0];
	_ =	sdelay $0x4  }
0xc7: {  	v1 =	vadd.f32 v2, v1;
	_ =	sdelay $0x1  }
0xc8: {  	v2 =	vshra.s32 v1, $0x1F  }
0xc9: {  	v2 =	vand.u32 $0x7FFFFFFF, v2  }
0xca: {  	v1 =	vxor.u32 v1, v2  }
0xcb: {  	v2 =	vshra.s32 v1, $0x14  }
0xcc: {  	v2 =	vadd.s32 $0x2800, v2;
	_ =	sdelay $0x3  }
0xcd: {  	[tilespmem:s7+$0x4F20] =	vst v1  }
0xce: {  	[tilespmem:v2+s21+$0x0] =	vst.idx.add.s32.msk $0xffff, v0  }
0xcf: {  	v1 =	vld [tilespmem:s7+$0x30]  }
0xd0: {  	v2 =	vld [tilespmem:s7+$0x27B0];
	_ =	sdelay $0x4  }
0xd1: {  	v1 =	vadd.f32 v2, v1;
	_ =	sdelay $0x1  }
0xd2: {  	v2 =	vshra.s32 v1, $0x1F  }
0xd3: {  	v2 =	vand.u32 $0x7FFFFFFF, v2  }
0xd4: {  	v1 =	vxor.u32 v1, v2  }
0xd5: {  	v2 =	vshra.s32 v1, $0x14  }
0xd6: {  	v2 =	vadd.s32 $0x3800, v2;
	_ =	sdelay $0x3  }
0xd7: {  	[tilespmem:s7+$0x4F30] =	vst v1  }
0xd8: {  	[tilespmem:v2+s21+$0x0] =	vst.idx.add.s32.msk $0xffff, v0  }
0xd9: {  	v1 =	vld [tilespmem:s7+$0x40]  }
0xda: {  	v2 =	vld [tilespmem:s7+$0x27C0];
	_ =	sdelay $0x4  }
0xdb: {  	v1 =	vadd.f32 v2, v1;
	_ =	sdelay $0x1  }
0xdc: {  	v2 =	vshra.s32 v1, $0x1F  }
0xdd: {  	v2 =	vand.u32 $0x7FFFFFFF, v2  }
0xde: {  	v1 =	vxor.u32 v1, v2  }
0xdf: {  	v2 =	vshra.s32 v1, $0x14  }
0xe0: {  	p0 =	sne.s32 s6, $0x9B00;
	v2 =	vadd.s32 $0x4800, v2  }
.Ltmp2:
0xe1: {  	_ = 	snop;
	(pc) =	sbr.rel @p0 .LBB2_6-.Ltmp2, $3  }
0xe2: {  	_ =	sdelay $0x1  }
0xe3: {  	[tilespmem:s7+$0x4F40] =	vst v1  }
0xe4: {  	s6 =	sadd.s32 $0x140, s6;
	[tilespmem:v2+s21+$0x0] =	vst.idx.add.s32.msk $0xffff, v0  }
0xe5: {  	s6 =	simm.s32 $0x0  }
0xe6: {  	[hbm4b:s14+s6] =	stream.linear.scatter [tilespmem:s29], [sflag:$0x3], $0x2710, $0x38;
	[tilespmem:$0x13D00] =	vst v63  }
0xe7: {  	_ = 	snop  }
0xe8: {  	[tilespmem:s6], [sflag:$0x1] =	stream.linear.gather [hbm4b:s15+s6], $0x2710, $0x38;
	[tilespmem:$0x13D00] =	vst v63  }
0xe9: {  	_ = 	snop  }
0xea: {  	[tilespmem:s22], [sflag:$0x2] =	stream.linear.gather [hbm4b:s16+s6], $0x2710, $0x38;
	[tilespmem:$0x13D00] =	vst v63  }
0xeb: {  	_ =	swait.ge [sflag:s30], $0x2710  }
0xec: {  	[sflag:s30] =	ssyncset.done $0x0  }
0xed: {  	[sflag:s30] =	ssyncadd.s32 $0xFFFFD8F0  }
0xee: {  	_ =	swait.ge [sflag:s31], $0x2710  }
0xef: {  	[sflag:s31] =	ssyncset.done $0x0  }
0xf0: {  	[sflag:s31] =	ssyncadd.s32 $0xFFFFD8F0  }
0xf1: {  	_ =	swait.ge [sflag:s3], $0x2710  }
0xf2: {  	[sflag:s3] =	ssyncset.done $0x0  }
0xf3: {  	[sflag:s3] =	ssyncadd.s32 $0xFFFFD8F0  }
.LBB2_8:
0xf4: {  	s7 =	sshra.s32 s6, $0x2  }
0xf5: {  	v1 =	vld [tilespmem:s7+$0x7680]  }
0xf6: {  	v2 =	vld [tilespmem:s7+$0x9E00];
	_ =	sdelay $0x4  }
0xf7: {  	v1 =	vadd.f32 v2, v1;
	_ =	sdelay $0x1  }
0xf8: {  	v2 =	vshra.s32 v1, $0x1F  }
0xf9: {  	v2 =	vand.u32 $0x7FFFFFFF, v2  }
0xfa: {  	v1 =	vxor.u32 v1, v2  }
0xfb: {  	v2 =	vshra.s32 v1, $0x14  }
0xfc: {  	v2 =	vadd.s32 $0x800, v2;
	_ =	sdelay $0x3  }
0xfd: {  	[tilespmem:s7+$0xC580] =	vst v1  }
0xfe: {  	[tilespmem:v2+s21+$0x0] =	vst.idx.add.s32.msk $0xffff, v0  }
0xff: {  	v1 =	vld [tilespmem:s7+$0x7690]  }
0x100: {  	v2 =	vld [tilespmem:s7+$0x9E10];
	_ =	sdelay $0x4  }
0x101: {  	v1 =	vadd.f32 v2, v1;
	_ =	sdelay $0x1  }
0x102: {  	v2 =	vshra.s32 v1, $0x1F  }
0x103: {  	v2 =	vand.u32 $0x7FFFFFFF, v2  }
0x104: {  	v1 =	vxor.u32 v1, v2  }
0x105: {  	v2 =	vshra.s32 v1, $0x14  }
0x106: {  	v2 =	vadd.s32 $0x1800, v2;
	_ =	sdelay $0x3  }
0x107: {  	[tilespmem:s7+$0xC590] =	vst v1  }
0x108: {  	[tilespmem:v2+s21+$0x0] =	vst.idx.add.s32.msk $0xffff, v0  }
0x109: {  	v1 =	vld [tilespmem:s7+$0x76A0]  }
0x10a: {  	v2 =	vld [tilespmem:s7+$0x9E20];
	_ =	sdelay $0x4  }
0x10b: {  	v1 =	vadd.f32 v2, v1;
	_ =	sdelay $0x1  }
0x10c: {  	v2 =	vshra.s32 v1, $0x1F  }
0x10d: {  	v2 =	vand.u32 $0x7FFFFFFF, v2  }
0x10e: {  	v1 =	vxor.u32 v1, v2  }
0x10f: {  	v2 =	vshra.s32 v1, $0x14  }
0x110: {  	v2 =	vadd.s32 $0x2800, v2;
	_ =	sdelay $0x3  }
0x111: {  	[tilespmem:s7+$0xC5A0] =	vst v1  }
0x112: {  	[tilespmem:v2+s21+$0x0] =	vst.idx.add.s32.msk $0xffff, v0  }
0x113: {  	v1 =	vld [tilespmem:s7+$0x76B0]  }
0x114: {  	v2 =	vld [tilespmem:s7+$0x9E30];
	_ =	sdelay $0x4  }
0x115: {  	v1 =	vadd.f32 v2, v1;
	_ =	sdelay $0x1  }
0x116: {  	v2 =	vshra.s32 v1, $0x1F  }
0x117: {  	v2 =	vand.u32 $0x7FFFFFFF, v2  }
0x118: {  	v1 =	vxor.u32 v1, v2  }
0x119: {  	v2 =	vshra.s32 v1, $0x14  }
0x11a: {  	v2 =	vadd.s32 $0x3800, v2;
	_ =	sdelay $0x3  }
0x11b: {  	[tilespmem:s7+$0xC5B0] =	vst v1  }
0x11c: {  	[tilespmem:v2+s21+$0x0] =	vst.idx.add.s32.msk $0xffff, v0  }
0x11d: {  	v1 =	vld [tilespmem:s7+$0x76C0]  }
0x11e: {  	v2 =	vld [tilespmem:s7+$0x9E40];
	_ =	sdelay $0x4  }
0x11f: {  	v1 =	vadd.f32 v2, v1;
	_ =	sdelay $0x1  }
0x120: {  	v2 =	vshra.s32 v1, $0x1F  }
0x121: {  	v2 =	vand.u32 $0x7FFFFFFF, v2  }
0x122: {  	v1 =	vxor.u32 v1, v2  }
0x123: {  	v2 =	vshra.s32 v1, $0x14  }
0x124: {  	p0 =	sne.s32 s6, $0x9B00;
	v2 =	vadd.s32 $0x4800, v2  }
.Ltmp3:
0x125: {  	_ = 	snop;
	(pc) =	sbr.rel @p0 .LBB2_8-.Ltmp3, $3  }
0x126: {  	_ =	sdelay $0x1  }
0x127: {  	[tilespmem:s7+$0xC5C0] =	vst v1  }
0x128: {  	s6 =	sadd.s32 $0x140, s6;
	[tilespmem:v2+s21+$0x0] =	vst.idx.add.s32.msk $0xffff, v0  }
0x129: {  	s6 =	simm.s32 $0x0  }
0x12a: {  	[hbm4b:s17+s6] =	stream.linear.scatter [tilespmem:s0], [sflag:$0x6], $0x2710, $0x38;
	[tilespmem:$0x13D00] =	vst v63  }
0x12b: {  	_ =	swait.ge [sflag:s26], $0x2710  }
0x12c: {  	[sflag:s26] =	ssyncset.done $0x0  }
0x12d: {  	[sflag:s26] =	ssyncadd.s32 $0xFFFFD8F0  }
0x12e: {  	_ =	swait.ge [sflag:s28], $0x2710  }
0x12f: {  	[sflag:s28] =	ssyncset.done $0x0  }
0x130: {  	[sflag:s28] =	ssyncadd.s32 $0xFFFFD8F0  }
0x131: {  	_ =	swait.ge [sflag:s1], $0x2710  }
0x132: {  	[sflag:s1] =	ssyncset.done $0x0  }
0x133: {  	[sflag:s1] =	ssyncadd.s32 $0xFFFFD8F0  }
.LBB2_10:
0x134: {  	s7 =	sshra.s32 s6, $0x2  }
0x135: {  	v1 =	vld [tilespmem:s7+$0x0]  }
0x136: {  	v2 =	vld [tilespmem:s7+$0x2780];
	_ =	sdelay $0x4  }
0x137: {  	v1 =	vadd.f32 v2, v1;
	_ =	sdelay $0x1  }
0x138: {  	v2 =	vshra.s32 v1, $0x1F  }
0x139: {  	v2 =	vand.u32 $0x7FFFFFFF, v2  }
0x13a: {  	v1 =	vxor.u32 v1, v2  }
0x13b: {  	v2 =	vshra.s32 v1, $0x14  }
0x13c: {  	v2 =	vadd.s32 $0x800, v2;
	_ =	sdelay $0x3  }
0x13d: {  	[tilespmem:s7+$0x4F00] =	vst v1  }
0x13e: {  	[tilespmem:v2+s21+$0x0] =	vst.idx.add.s32.msk $0xffff, v0  }
0x13f: {  	v1 =	vld [tilespmem:s7+$0x10]  }
0x140: {  	v2 =	vld [tilespmem:s7+$0x2790];
	_ =	sdelay $0x4  }
0x141: {  	v1 =	vadd.f32 v2, v1;
	_ =	sdelay $0x1  }
0x142: {  	v2 =	vshra.s32 v1, $0x1F  }
0x143: {  	v2 =	vand.u32 $0x7FFFFFFF, v2  }
0x144: {  	v1 =	vxor.u32 v1, v2  }
0x145: {  	v2 =	vshra.s32 v1, $0x14  }
0x146: {  	v2 =	vadd.s32 $0x1800, v2;
	_ =	sdelay $0x3  }
0x147: {  	[tilespmem:s7+$0x4F10] =	vst v1  }
0x148: {  	[tilespmem:v2+s21+$0x0] =	vst.idx.add.s32.msk $0xffff, v0  }
0x149: {  	v1 =	vld [tilespmem:s7+$0x20]  }
0x14a: {  	v2 =	vld [tilespmem:s7+$0x27A0];
	_ =	sdelay $0x4  }
0x14b: {  	v1 =	vadd.f32 v2, v1;
	_ =	sdelay $0x1  }
0x14c: {  	v2 =	vshra.s32 v1, $0x1F  }
0x14d: {  	v2 =	vand.u32 $0x7FFFFFFF, v2  }
0x14e: {  	v1 =	vxor.u32 v1, v2  }
0x14f: {  	v2 =	vshra.s32 v1, $0x14  }
0x150: {  	v2 =	vadd.s32 $0x2800, v2;
	_ =	sdelay $0x3  }
0x151: {  	[tilespmem:s7+$0x4F20] =	vst v1  }
0x152: {  	[tilespmem:v2+s21+$0x0] =	vst.idx.add.s32.msk $0xffff, v0  }
0x153: {  	v1 =	vld [tilespmem:s7+$0x30]  }
0x154: {  	v2 =	vld [tilespmem:s7+$0x27B0];
	_ =	sdelay $0x4  }
0x155: {  	v1 =	vadd.f32 v2, v1;
	_ =	sdelay $0x1  }
0x156: {  	v2 =	vshra.s32 v1, $0x1F  }
0x157: {  	v2 =	vand.u32 $0x7FFFFFFF, v2  }
0x158: {  	v1 =	vxor.u32 v1, v2  }
0x159: {  	v2 =	vshra.s32 v1, $0x14  }
0x15a: {  	v2 =	vadd.s32 $0x3800, v2;
	_ =	sdelay $0x3  }
0x15b: {  	[tilespmem:s7+$0x4F30] =	vst v1  }
0x15c: {  	[tilespmem:v2+s21+$0x0] =	vst.idx.add.s32.msk $0xffff, v0  }
0x15d: {  	v1 =	vld [tilespmem:s7+$0x40]  }
0x15e: {  	v2 =	vld [tilespmem:s7+$0x27C0];
	_ =	sdelay $0x4  }
0x15f: {  	v1 =	vadd.f32 v2, v1;
	_ =	sdelay $0x1  }
0x160: {  	v2 =	vshra.s32 v1, $0x1F  }
0x161: {  	v2 =	vand.u32 $0x7FFFFFFF, v2  }
0x162: {  	v1 =	vxor.u32 v1, v2  }
0x163: {  	v2 =	vshra.s32 v1, $0x14  }
0x164: {  	p0 =	sne.s32 s6, $0x9B00;
	v2 =	vadd.s32 $0x4800, v2  }
.Ltmp4:
0x165: {  	_ = 	snop;
	(pc) =	sbr.rel @p0 .LBB2_10-.Ltmp4, $3  }
0x166: {  	_ =	sdelay $0x1  }
0x167: {  	[tilespmem:s7+$0x4F40] =	vst v1  }
0x168: {  	s6 =	sadd.s32 $0x140, s6;
	[tilespmem:v2+s21+$0x0] =	vst.idx.add.s32.msk $0xffff, v0  }
0x169: {  	[hbm4b:s18+s2] =	stream.linear.scatter [tilespmem:s29], [sflag:$0x3], $0x2710, $0x38;
	[tilespmem:$0x13D00] =	vst v63  }
0x16a: {  	_ =	swait.ge [sflag:s3], $0x2710  }
0x16b: {  	[sflag:s3] =	ssyncset.done $0x0  }
0x16c: {  	[sflag:s3] =	ssyncadd.s32 $0xFFFFD8F0  }
0x16d: {  	s5 =	sadd.s32 $0x1, s5;
	_ =	swait.ge [sflag:s1], $0x2710  }
0x16e: {  	s6 =	simm.s32 $0x80;
	p0 =	sne.s32 s5, s20;
	[sflag:s1] =	ssyncset.done $0x0  }
.Ltmp5:
0x16f: {  	s7 =	simm.s32 $0x400;
	[sflag:s1] =	ssyncadd.s32 $0xFFFFD8F0;
	(pc) =	sbr.rel @p0 .LBB2_1-.Ltmp5, $4  }
0x170: {  	[hbm4b:s19+s6] =	stream.strided.scatter [tilespmem:s21], [sflag:$0x8], $0x5000, s7, s6, $0x38;
	[tilespmem:$0x13D00] =	vst v63  }
0x171: {  	_ =	swait.ge [sflag:s4], $0x5000  }
0x172: {  	[sflag:s4] =	ssyncset.done $0x0  }
0x173: {  	[sflag:s4] =	ssyncadd.s32 $0xFFFFB000  }
0x174: {  	_ =	sfence.sel $0x180000  }
0x175: {  	[bflag:$0x0] =	sbarrier.arrive $0xFFFF  }
0x176: {  	_ =	strace $0x90000047  }
0x177: {  	s0 =	stileid.u32;
	[bflag:$0x2] =	sbarrier.arrive $0xFFFF  }
0x178: {  	p0 =	sne.s32 s0, $0x0;
	s0 =	rddreg [dreg:$0x3]  }
0x179: {  	s0 =	sadd.s32 @!p0 $0x100000, s0  }
0x17a: {  	[sflag:s0] =	ssyncadd.tile.s32 @!p0 $0x1;
	_ =	shalt  }
.Lfunc_end2:
_tile_overlayer_lowered:
.L_overlay_start_2:
0x17b: {  	(tag) =	ssettag $0x2  }
0x17c: {  	s0 =	rddreg [dreg:$0x0];
	s2 =	stileid.u32  }
0x17d: {  	s1 =	rddreg [dreg:$0x1];
	p0 =	sne.s32 s2, $0x0  }
0x17e: {  	s3 =	rddreg [dreg:$0x2];
	[bflag:$0x3] =	sbarrier.arrive $0xFFFF;
	s2 =	simm.s32 @!p0 $0x1C08  }
0x17f: {  	[timem:s3], [sflag:s2] =	dma.local @!p0 [hbm:s0], s1  }
0x180: {  	s0 =	simm.s32 @!p0 $0x8  }
0x181: {  	_ =	swait.ge @!p0 [sflag:s0], s1  }
0x182: {  	s1 =	ssub.s32 @!p0 $0x0, s1;
	[sflag:s0] =	ssyncset.done @!p0 $0x0  }
0x183: {  	[sflag:s0] =	ssyncadd.s32 @!p0 s1  }
0x184: {  	[bflag:$0x3] =	sbarrier.arrive $0xFFFF  }
0x185: {  	_ =	shalt  }

// kernel: kernel.9.cloned.1.call-start
scs
__scs_entry_jumppad:
0x0: {  	(pc) =	sbr.rel $0x88, $3  }
0x1: {  	(tag) =	ssettag $0x0;
	lr =	simm.s32 $0x1  }
0x2: {  	[smem:$0x3F9F] =	sst lr;
	_ =	strace $0xD0000000  }
0x3: {  	_ = 	snop  }
0x4: {  	_ = 	snop  }
0x5: {  	_ = 	snop  }
0x6: {  	_ = 	snop  }
0x7: {  	_ = 	snop  }
__scs_overlays_trampoline_lowered:
0x8: {  	[smem:$0x3FAE] =	sst s0  }
0x9: {  	[smem:$0x3FAF] =	sst s1  }
0xa: {  	[smem:$0x3FB0] =	sst s2  }
0xb: {  	[smem:$0x3FB1] =	sst s3  }
0xc: {  	[smem:$0x3FB2] =	sst s4  }
0xd: {  	[smem:$0x3FB3] =	sst s5  }
0xe: {  	[smem:$0x3FB4] =	sst s6  }
0xf: {  	[smem:$0x3FB5] =	sst s7  }
0x10: {  	[smem:$0x3FB6] =	sst s8  }
0x11: {  	[smem:$0x3FB7] =	sst s9;
	s0 =	simm.s32 @!p0 $0x0  }
0x12: {  	s1 =	sld [smem:$0x3F9D];
	s0 =	simm.s32 @p0 $0x1  }
0x13: {  	[smem:$0x3FB8] =	sst s0;
	s0 =	simm.s32 @!p1 $0x0  }
0x14: {  	s2 =	sld [smem:$0x3F9C];
	s0 =	simm.s32 @p1 $0x1  }
0x15: {  	[smem:$0x3FB9] =	sst s0;
	s0 =	simm.s32 @!p2 $0x0  }
0x16: {  	s3 =	sld [smem:$0x3FDB];
	s0 =	simm.s32 @p2 $0x1  }
0x17: {  	s4 =	simm.s32 $0x1BF5;
	[smem:$0x3FBB] =	sst s0  }
0x18: {  	s0 =	sld [smem:$0x3F9E];
	_ =	swait.ge [sflag:s4], $0x0  }
0x19: {  	s7 =	sld [smem:$0x3F9F]  }
0x1a: {  	s8 =	sadd.s32 $0xFFFFE003, lr  }
0x1b: {  	s9 =	sadd.s32 $0xFFFFFEF7, lr;
	s5 =	simm.s32 $0xFFFFFFFF;
	p2 =	slt.u32 s8, $0xFFFFF086  }
0x1c: {  	p1 =	slt.u32 s9, $0xF7A;
	s5 =	simm.s32 @!p2 $0x0  }
0x1d: {  	s5 =	simm.s32 @p1 $0x1;
	p0 =	seq.s32 s7, s2  }
0x1e: {  	s7 =	smul.u32 @!p0 $0xF7A, s2;
	p2 =	seq.s32 @!p0 s5, $0x0  }
0x1f: {  	s9 =	smul.u32 $0xF7A, s1;
	s8 =	simm.s32 @!p0 $0x1BF5;
	p2 =	por !p2, p0  }
0x20: {  	[sflag:s8] =	ssyncset.s32 @!p0 $0xFFFFF086;
	s6 =	sadd.s32 @!p0 s3, s7;
	s7 =	simm.s32 @!p0 $0x108  }
0x21: {  	s3 =	sadd.s32 s3, s9;
	s6 =	sadd.s32 @!p0 $0x88, s6;
	s7 =	simm.s32 @p2 $0x1082  }
0x22: {  	[simem:s7], [sflag:s8] =	dma.local @!p0 [hbm:s6], $0xF7A  }
0x23: {  	s9 =	sor.u32 $0xD0000000, s2;
	s6 =	simm.s32 $0x108;
	_ =	swait.ge @!p0 [sflag:s8], $0x0  }
0x24: {  	s3 =	sadd.s32 $0x88, s3;
	s6 =	simm.s32 @!p1 $0x1082;
	[sflag:s4] =	ssyncset.s32 $0xFFFFF086  }
0x25: {  	[simem:s6], [sflag:s4] =	dma.local [hbm:s3], $0xF7A  }
0x26: {  	[smem:$0x3F9F] =	sst s1;
	(tag) =	ssettag s2;
	_ =	strace s9  }
0x27: {  	s1 =	sld [smem:$0x3FAF]  }
0x28: {  	s2 =	sld [smem:$0x3FB0]  }
0x29: {  	s4 =	sld [smem:$0x3FB2]  }
0x2a: {  	p0 =	seq.s32 s5, $0x0;
	s5 =	sld [smem:$0x3FB3]  }
0x2b: {  	s6 =	sld [smem:$0x3FB4]  }
0x2c: {  	s7 =	sld [smem:$0x3FB5]  }
0x2d: {  	s3 =	simm.s32 $0x108;
	s8 =	sld [smem:$0x3FB6]  }
0x2e: {  	s3 =	simm.s32 @!p0 $0x1082;
	s9 =	sld [smem:$0x3FB7]  }
0x2f: {  	lr =	sadd.s32 s0, s3;
	s0 =	sld [smem:$0x3FAE]  }
0x30: {  	s3 =	sld [smem:$0x3FB1]  }
0x31: {  	[smem:$0x3FBA] =	sst s10  }
0x32: {  	s10 =	sld [smem:$0x3FB8];
	_ =	sdelay $0x3  }
0x33: {  	p0 =	seq.s32 s10, $0x1;
	s10 =	sld [smem:$0x3FBA];
	_ =	sdelay $0x3  }
0x34: {  	[smem:$0x3FBA] =	sst s10  }
0x35: {  	s10 =	sld [smem:$0x3FB9];
	_ =	sdelay $0x3  }
0x36: {  	p1 =	seq.s32 s10, $0x1;
	s10 =	sld [smem:$0x3FBA];
	_ =	sdelay $0x3  }
0x37: {  	[smem:$0x3FBA] =	sst s10  }
0x38: {  	s10 =	sld [smem:$0x3FBB]  }
0x39: {  	_ = 	snop;
	(pc) =	sbr.ind lr, $3  }
0x3a: {  	_ = 	snop  }
0x3b: {  	_ = 	snop  }
0x3c: {  	p2 =	seq.s32 s10, $0x1;
	s10 =	sld [smem:$0x3FBA]  }
0x3d: {  	_ =	shalt  }
0x3e: {  	_ =	shalt  }
0x3f: {  	_ =	shalt  }
0x40: {  	_ =	shalt  }
0x41: {  	_ =	shalt  }
0x42: {  	_ =	shalt  }
0x43: {  	_ =	shalt  }
0x44: {  	_ =	shalt  }
0x45: {  	_ =	shalt  }
0x46: {  	_ =	shalt  }
0x47: {  	_ =	shalt  }
0x48: {  	_ =	shalt  }
0x49: {  	_ =	shalt  }
0x4a: {  	_ =	shalt  }
0x4b: {  	_ =	shalt  }
0x4c: {  	_ =	shalt  }
0x4d: {  	_ =	shalt  }
0x4e: {  	_ =	shalt  }
0x4f: {  	_ =	shalt  }
0x50: {  	_ =	shalt  }
0x51: {  	_ =	shalt  }
0x52: {  	_ =	shalt  }
0x53: {  	_ =	shalt  }
0x54: {  	_ =	shalt  }
0x55: {  	_ =	shalt  }
0x56: {  	_ =	shalt  }
0x57: {  	_ =	shalt  }
0x58: {  	_ =	shalt  }
0x59: {  	_ =	shalt  }
0x5a: {  	_ =	shalt  }
0x5b: {  	_ =	shalt  }
0x5c: {  	_ =	shalt  }
0x5d: {  	_ =	shalt  }
0x5e: {  	_ =	shalt  }
0x5f: {  	_ =	shalt  }
0x60: {  	_ =	shalt  }
0x61: {  	_ =	shalt  }
0x62: {  	_ =	shalt  }
0x63: {  	_ =	shalt  }
0x64: {  	_ =	shalt  }
0x65: {  	_ =	shalt  }
0x66: {  	_ =	shalt  }
0x67: {  	_ =	shalt  }
0x68: {  	_ =	shalt  }
0x69: {  	_ =	shalt  }
0x6a: {  	_ =	shalt  }
0x6b: {  	_ =	shalt  }
0x6c: {  	_ =	shalt  }
0x6d: {  	_ =	shalt  }
0x6e: {  	_ =	shalt  }
0x6f: {  	_ =	shalt  }
0x70: {  	_ =	shalt  }
0x71: {  	_ =	shalt  }
0x72: {  	_ =	shalt  }
0x73: {  	_ =	shalt  }
0x74: {  	_ =	shalt  }
0x75: {  	_ =	shalt  }
0x76: {  	_ =	shalt  }
0x77: {  	_ =	shalt  }
0x78: {  	_ =	shalt  }
0x79: {  	_ =	shalt  }
0x7a: {  	_ =	shalt  }
0x7b: {  	_ =	shalt  }
0x7c: {  	_ =	shalt  }
0x7d: {  	_ =	shalt  }
0x7e: {  	_ =	shalt  }
0x7f: {  	_ =	shalt  }
0x80: {  	_ =	shalt  }
0x81: {  	_ =	shalt  }
0x82: {  	_ =	shalt  }
0x83: {  	_ =	shalt  }
0x84: {  	_ =	shalt  }
0x85: {  	_ =	shalt  }
0x86: {  	_ =	shalt  }
0x87: {  	_ =	shalt  }
.Lfunc_end0:
.L_simem_size_0:
called_computation.1_lowered:
.L_overlay_start_0:
0x88: {  	s2 =	sld [smem:$0x3FD9]  }
0x89: {  	s3 =	sld [smem:$0x3FFE];
	_ =	sdelay $0x1  }
0x8a: {  	s1 =	srdreg.scid  }
0x8b: {  	s0 =	sand.u32 $0x1, s1  }
0x8c: {  	s17 =	sshll.u32 s0, $0xA;
	s2 =	sadd.s32 s3, s2  }
0x8d: {  	s2 =	sadd.s32 s2, s17  }
0x8e: {  	[smem:$0x3FC6] =	sst s2  }
0x8f: {  	_ = 	snop  }
0x90: {  	s2 =	sld [smem:$0x3FD0];
	(tm) =	ssettm $0x1  }
0x91: {  	s18 =	sld [smem:$0x3FFB];
	_ =	sdelay $0x3  }
0x92: {  	_ =	strace s18  }
0x93: {  	s3 =	sld [smem:$0x3FFC];
	_ =	sdelay $0x3  }
0x94: {  	_ =	strace s3  }
0x95: {  	s3 =	sld [smem:$0x3FFD];
	_ =	sdelay $0x3  }
0x96: {  	_ =	strace s3  }
0x97: {  	_ =	strace $0x8FFFFFFF  }
0x98: {  	s19 =	sld [smem:$0x3FDB];
	_ =	sdelay $0x1  }
0x99: {  	s4 =	simm.s32 $_scs_section_size  }
0x9a: {  	s5 =	simm.s32 $_size__tile_overlayer_lowered;
	s6 =	simm.s32 $_tile_overlayer_lowered  }
0x9b: {  	s22 =	simm.s32 $0x1BFF;
	s21 =	sshll.u32 s6, $0x1;
	s3 =	sadd.s32 s4, s19  }
0x9c: {  	s7 =	simm.s32 $0x0;
	s20 =	sshll.u32 s5, $0x1;
	s5 =	sadd.s32 s21, s3  }
0x9d: {  	[timem:s7], [sflag:s22] =	dma.local [hbm:s5], s20  }
0x9e: {  	_ =	swait.ge [sflag:s22], s20  }
0x9f: {  	s4 =	ssub.s32 $0x0, s20;
	[sflag:s22] =	ssyncset.done $0x0  }
0xa0: {  	[sflag:s22] =	ssyncadd.s32 s4;
	_ =	sdelay $0x1  }
0xa1: {  	s23 =	simm.s32 $0x1B8B  }
0xa2: {  	_ =	swait.ge [sflag:s23], $0x1  }
0xa3: {  	[sflag:s23] =	ssyncset.done $0x0  }
0xa4: {  	s25 =	simm.s32 $0x1B8E;
	s24 =	sld [smem:$0x3FFE];
	[sflag:s23] =	ssyncadd.s32 $0xFFFFFFFF  }
0xa5: {  	s26 =	simm.s32 $execute0_lowered;
	[smem:$0x3FD2] =	sst s25  }
0xa6: {  	s5 =	sshll.u32 s26, $0x1;
	_ =	strace $0x80000049;
	[dreg:$0x1] =	wrdreg $0xFFFFFFFF  }
0xa7: {  	s28 =	simm.s32 $_size_execute0_lowered;
	s3 =	sadd.s32 s3, s5;
	[dreg:$0x0] =	wrdreg $0x0  }
0xa8: {  	s5 =	sshll.u32 s28, $0x1;
	[dreg:$0x2] =	wrdreg s3  }
0xa9: {  	[dreg:$0x3] =	wrdreg s5  }
0xaa: {  	[dreg:$0x4] =	wrdreg $0xC0  }
0xab: {  	_ =	task [dreg:s7], $0x5FFFF  }
0xac: {  	[dreg:$0x1] =	wrdreg $0xFFFFFFFF  }
0xad: {  	[dreg:$0x0] =	wrdreg $0x60  }
0xae: {  	[dreg:$0x2] =	wrdreg s24  }
0xaf: {  	[dreg:$0x3] =	wrdreg s2  }
0xb0: {  	[dreg:$0x4] =	wrdreg $0x9  }
0xb1: {  	_ =	task.clear_ibuf [dreg:s7], $0x5FFFF;
	_ =	strace $0x90000049  }
0xb2: {  	s29 =	simm.s32 $0x9;
	_ =	strace $0x8000004B  }
0xb3: {  	_ =	swait.ge [sflag:s29], $0x1  }
0xb4: {  	[sflag:s29] =	ssyncadd.s32 $0xFFFFFFFF  }
0xb5: {  	_ =	strace $0x9000004B  }
0xb6: {  	_ =	sfence  }
0xb7: {  	s30 =	sld [smem:$0x0];
	_ =	sdelay $0x2  }
0xb8: {  	s31 =	sshll.u32 s1, $0xD;
	s1 =	sshrl.u32 s1, $0x2  }
0xb9: {  	s3 =	sand.u32 $0x4000, s31;
	s1 =	sadd.s32 s1, s30  }
0xba: {  	s0 =	sor.u32 s3, s0;
	s1 =	sshll.u32 s1, $0x11  }
0xbb: {  	s0 =	sor.u32 s1, s0  }
0xbc: {  	s0 =	sadd.s32 $0x8F2B, s0  }
0xbd: {  	[sflag:s0] =	ssyncadd.remote.s32 $0x1  }
0xbe: {  	_ =	sfence.sel $0xFFFF  }
0xbf: {  	[dreg:$0x0] =	wrdreg $0xFFFFFFFF;
	(pc) =	sbr.abs _section_cstart, $3  }
0xc0: {  	[dreg:$0x1] =	wrdreg $0xFFFFFFFF  }
0xc1: {  	_ =	task.clear_ibuf [dreg:s7], $0x2FFFF;
	_ =	strace $0x9FFFFFFF  }
0xc2: {  	(tm) =	ssettm $0x7FFFFFFF  }
0xc3: {  	_ =	shalt  }
tec
execute0_lowered:
.L_overlay_start_1:
0x0: {  	(tag) =	ssettag $0x1  }
0x1: {  	s1 =	srdreg.scid;
	s4 =	rddreg [dreg:$0x0]  }
0x2: {  	s0 =	stileid.u32;
	s10 =	rddreg [dreg:$0x1]  }
0x3: {  	s2 =	simm.s32 $0x0;
	s13 =	simm.s32 $0x4F00;
	s14 =	simm.s32 $0x3  }
0x4: {  	s15 =	simm.s32 $0x4;
	s16 =	simm.s32 $0x2780;
	s17 =	simm.s32 $0x1  }
0x5: {  	s18 =	simm.s32 $0x2;
	s19 =	simm.s32 $0x80;
	s20 =	simm.s32 $0x400  }
0x6: {  	s21 =	simm.s32 $0x5;
	s22 =	simm.s32 $0x0;
	s5 =	sand.u32 $0x1, s1  }
0x7: {  	s30 =	sshll.u32 s0, $0x1;
	s1 =	rddreg [dreg:$0x2];
	s7 =	sshrl.u32 s0, $0x2  }
0x8: {  	[smem:$0x7FF] =	sst s2;
	s6 =	sor.u32 s5, s30;
	s7 =	smul.u32 $0x28C00, s7  }
0x9: {  	s5 =	ssub.s32 $0x2, s5;
	s3 =	smul.u32 $0xC350, s6;
	s6 =	sshll.u32 s6, $0x7  }
0xa: {  	_ =	strace $0x8000004A;
	s8 =	sshrl.u32 s5, $0x1;
	s6 =	sand.u32 $0x380, s6  }
0xb: {  	v0 =	vlaneseq.u32;
	s11 =	ssub.s32 s5, s8;
	s3 =	sshrl.u32 s3, $0x3;
	s31 =	sor.u32 s7, s6  }
0xc: {  	v0 =	vmul.u32 $0x101, v0;
	s11 =	smax.u32 s11, $0x1;
	s9 =	sadd.s32 s3, s4;
	s3 =	sadd.s32 $0x1800, s4  }
0xd: {  	s4 =	sadd.s32 $0x1A00, s4;
	s12 =	sshrl.u32 s31, $0x3;
	s5 =	sadd.s32 $0x16200, s9  }
0xe: {  	v1 =	vimm.s32 $0x0;
	v2 =	vadd.s32 $0x1040, v0;
	s6 =	sadd.s32 $0x166E2, s9;
	s7 =	sadd.s32 $0x16BC4, s9;
	s8 =	sadd.s32 $0x170A6, s9  }
0xf: {  	v3 =	vadd.s32 $0x2080, v0;
	v4 =	vadd.s32 $0x30C0, v0;
	v5 =	vadd.s32 $0x4100, v0;
	s9 =	sadd.s32 $0x17588, s9;
	s10 =	sadd.s32 s10, s12;
	s12 =	simm.s32 $0x4F80  }
.LBB2_1:
0x10: {  	[tilespmem:s12], [sflag:$0x4] =	stream.linear.gather [hbm4b:s4+s2], $0x5180, $0x38;
	[tilespmem:$0xA100] =	vst v63  }
0x11: {  	_ = 	snop  }
0x12: {  	[tilespmem:s13], [sflag:$0x3] =	stream.linear.gather [hbm4b:s3+s2], $0x10, $0x38;
	[tilespmem:$0xA100] =	vst v63  }
0x13: {  	_ = 	snop  }
0x14: {  	[tilespmem:s2], [sflag:$0x1] =	stream.linear.gather [hbm4b:s5+s2], $0x2710, $0x38;
	[tilespmem:$0xA100] =	vst v63  }
0x15: {  	_ =	swait.ge [sflag:s14], $0x10  }
0x16: {  	[sflag:s14] =	ssyncset.done $0x0  }
0x17: {  	[sflag:s14] =	ssyncadd.s32 $0xFFFFFFF0  }
0x18: {  	v6 =	vld [tilespmem:$0x4F00];
	_ =	swait.ge [sflag:s15], $0x5180  }
0x19: {  	[sflag:s15] =	ssyncset.done $0x0  }
0x1a: {  	[sflag:s15] =	ssyncadd.s32 $0xFFFFAE80  }
0x1b: {  	[tilespmem:s16], [sflag:$0x2] =	stream.linear.gather [hbm4b:s6+s2], $0x2710, $0x38;
	[tilespmem:$0xA100] =	vst v63  }
0x1c: {  	_ =	swait.ge [sflag:s17], $0x2710  }
0x1d: {  	v7 =	vimm.s32 $0x0;
	v8 =	vimm.s32 $0x0;
	[sflag:s17] =	ssyncset.done $0x0  }
0x1e: {  	s23 =	simm.s32 $0x0;
	v9 =	vimm.s32 $0x0;
	v10 =	vimm.s32 $0x0;
	v11 =	vimm.s32 $0x0;
	[sflag:s17] =	ssyncadd.s32 $0xFFFFD8F0  }
.LBB2_2:
0x1f: {  	s24 =	sshra.s32 s23, $0x2  }
0x20: {  	v12 =	vld [tilespmem:s24+$0x0];
	_ =	sdelay $0x4  }
0x21: {  	v13 =	vshra.s32 v12, $0x14  }
0x22: {  	vm1 =	vlt.s32 v11, $0x100;
	v13 =	vadd.s32 $0x800, v13  }
0x23: {  	v52 =	vnsel vm1, $0x100, v11;
	vm0 =	veq.s32 v13, v6  }
0x24: {  	v13 =	vadd.s32 v0, v52;
	_ =	sdelay $0x3  }
0x25: {  	v12 =	vand.u32 $0xFFFFF, v12  }
0x26: {  	[tilespmem:v13+s12+$0x0] =	vst.idx.msk vm0, v12  }
0x27: {  	v12 =	vld [tilespmem:s24+$0x10];
	_ =	sdelay $0x4  }
0x28: {  	v53 =	vshra.s32 v12, $0x14  }
0x29: {  	vm11 =	vlt.s32 v10, $0x100;
	v13 =	vadd.s32 $0x800, v53  }
0x2a: {  	v54 =	vnsel vm11, $0x100, v10;
	vm2 =	veq.s32 v13, v6  }
0x2b: {  	v13 =	vadd.s32 v2, v54;
	_ =	sdelay $0x3  }
0x2c: {  	v12 =	vand.u32 $0xFFFFF, v12  }
0x2d: {  	[tilespmem:v13+s12+$0x0] =	vst.idx.msk vm2, v12  }
0x2e: {  	v12 =	vld [tilespmem:s24+$0x20];
	_ =	sdelay $0x4  }
0x2f: {  	v55 =	vshra.s32 v12, $0x14  }
0x30: {  	vm12 =	vlt.s32 v9, $0x100;
	v13 =	vadd.s32 $0x800, v55  }
0x31: {  	v56 =	vnsel vm12, $0x100, v9;
	vm3 =	veq.s32 v13, v6  }
0x32: {  	v13 =	vadd.s32 v3, v56;
	_ =	sdelay $0x3  }
0x33: {  	v12 =	vand.u32 $0xFFFFF, v12  }
0x34: {  	[tilespmem:v13+s12+$0x0] =	vst.idx.msk vm3, v12  }
0x35: {  	v12 =	vld [tilespmem:s24+$0x30];
	_ =	sdelay $0x4  }
0x36: {  	v57 =	vshra.s32 v12, $0x14  }
0x37: {  	vm13 =	vlt.s32 v8, $0x100;
	v13 =	vadd.s32 $0x800, v57  }
0x38: {  	v58 =	vnsel vm13, $0x100, v8;
	vm4 =	veq.s32 v13, v6  }
0x39: {  	v13 =	vadd.s32 v4, v58;
	_ =	sdelay $0x3  }
0x3a: {  	v12 =	vand.u32 $0xFFFFF, v12  }
0x3b: {  	[tilespmem:v13+s12+$0x0] =	vst.idx.msk vm4, v12  }
0x3c: {  	v12 =	vld [tilespmem:s24+$0x40];
	_ =	sdelay $0x4  }
0x3d: {  	v59 =	vshra.s32 v12, $0x14  }
0x3e: {  	vm14 =	vlt.s32 v7, $0x100;
	v13 =	vadd.s32 $0x800, v59  }
0x3f: {  	v14 =	vnsel vm14, $0x100, v7;
	vm15 =	veq.s32 v13, v6  }
0x40: {  	p0 =	sne.s32 s23, $0x9B00;
	v60 =	vadd.s32 v5, v14  }
.Ltmp0:
0x41: {  	_ = 	snop;
	(pc) =	sbr.rel @p0 .LBB2_2-.Ltmp0, $4  }
0x42: {  	v61 =	vsel vm0, $0x1, v1;
	v15 =	vsel vm2, $0x1, v1;
	v16 =	vsel vm3, $0x1, v1  }
0x43: {  	v11 =	vadd.s32 v61, v11;
	v10 =	vadd.s32 v15, v10;
	v9 =	vadd.s32 v16, v9  }
0x44: {  	v62 =	vsel vm4, $0x1, v1;
	v12 =	vand.u32 $0xFFFFF, v12;
	v63 =	vsel vm15, $0x1, v1  }
0x45: {  	s23 =	sadd.s32 $0x140, s23;
	v8 =	vadd.s32 v62, v8;
	v7 =	vadd.s32 v63, v7;
	[tilespmem:v60+s12+$0x0] =	vst.idx.msk vm15, v12  }
0x46: {  	s23 =	simm.s32 $0x0  }
0x47: {  	[tilespmem:s23], [sflag:$0x1] =	stream.linear.gather [hbm4b:s7+s23], $0x2710, $0x38;
	[tilespmem:$0xA100] =	vst v63  }
0x48: {  	_ =	swait.ge [sflag:s18], $0x2710  }
0x49: {  	[sflag:s18] =	ssyncset.done $0x0  }
0x4a: {  	[sflag:s18] =	ssyncadd.s32 $0xFFFFD8F0  }
.LBB2_4:
0x4b: {  	s24 =	sshra.s32 s23, $0x2  }
0x4c: {  	v12 =	vld [tilespmem:s24+$0x2780];
	_ =	sdelay $0x4  }
0x4d: {  	v13 =	vshra.s32 v12, $0x14  }
0x4e: {  	vm1 =	vlt.s32 v11, $0x100;
	v13 =	vadd.s32 $0x800, v13  }
0x4f: {  	v52 =	vnsel vm1, $0x100, v11;
	vm0 =	veq.s32 v13, v6  }
0x50: {  	v13 =	vadd.s32 v0, v52;
	_ =	sdelay $0x3  }
0x51: {  	v12 =	vand.u32 $0xFFFFF, v12  }
0x52: {  	[tilespmem:v13+s12+$0x0] =	vst.idx.msk vm0, v12  }
0x53: {  	v12 =	vld [tilespmem:s24+$0x2790];
	_ =	sdelay $0x4  }
0x54: {  	v53 =	vshra.s32 v12, $0x14  }
0x55: {  	vm11 =	vlt.s32 v10, $0x100;
	v13 =	vadd.s32 $0x800, v53  }
0x56: {  	v54 =	vnsel vm11, $0x100, v10;
	vm2 =	veq.s32 v13, v6  }
0x57: {  	v13 =	vadd.s32 v2, v54;
	_ =	sdelay $0x3  }
0x58: {  	v12 =	vand.u32 $0xFFFFF, v12  }
0x59: {  	[tilespmem:v13+s12+$0x0] =	vst.idx.msk vm2, v12  }
0x5a: {  	v12 =	vld [tilespmem:s24+$0x27A0];
	_ =	sdelay $0x4  }
0x5b: {  	v55 =	vshra.s32 v12, $0x14  }
0x5c: {  	vm12 =	vlt.s32 v9, $0x100;
	v13 =	vadd.s32 $0x800, v55  }
0x5d: {  	v56 =	vnsel vm12, $0x100, v9;
	vm3 =	veq.s32 v13, v6  }
0x5e: {  	v13 =	vadd.s32 v3, v56;
	_ =	sdelay $0x3  }
0x5f: {  	v12 =	vand.u32 $0xFFFFF, v12  }
0x60: {  	[tilespmem:v13+s12+$0x0] =	vst.idx.msk vm3, v12  }
0x61: {  	v12 =	vld [tilespmem:s24+$0x27B0];
	_ =	sdelay $0x4  }
0x62: {  	v57 =	vshra.s32 v12, $0x14  }
0x63: {  	vm13 =	vlt.s32 v8, $0x100;
	v13 =	vadd.s32 $0x800, v57  }
0x64: {  	v58 =	vnsel vm13, $0x100, v8;
	vm4 =	veq.s32 v13, v6  }
0x65: {  	v13 =	vadd.s32 v4, v58;
	_ =	sdelay $0x3  }
0x66: {  	v12 =	vand.u32 $0xFFFFF, v12  }
0x67: {  	[tilespmem:v13+s12+$0x0] =	vst.idx.msk vm4, v12  }
0x68: {  	v12 =	vld [tilespmem:s24+$0x27C0];
	_ =	sdelay $0x4  }
0x69: {  	v59 =	vshra.s32 v12, $0x14  }
0x6a: {  	vm14 =	vlt.s32 v7, $0x100;
	v13 =	vadd.s32 $0x800, v59  }
0x6b: {  	v14 =	vnsel vm14, $0x100, v7;
	vm15 =	veq.s32 v13, v6  }
0x6c: {  	p0 =	sne.s32 s23, $0x9B00;
	v60 =	vadd.s32 v5, v14  }
.Ltmp1:
0x6d: {  	_ = 	snop;
	(pc) =	sbr.rel @p0 .LBB2_4-.Ltmp1, $4  }
0x6e: {  	v61 =	vsel vm0, $0x1, v1;
	v15 =	vsel vm2, $0x1, v1;
	v16 =	vsel vm3, $0x1, v1  }
0x6f: {  	v11 =	vadd.s32 v61, v11;
	v10 =	vadd.s32 v15, v10;
	v9 =	vadd.s32 v16, v9  }
0x70: {  	v62 =	vsel vm4, $0x1, v1;
	v12 =	vand.u32 $0xFFFFF, v12;
	v63 =	vsel vm15, $0x1, v1  }
0x71: {  	s23 =	sadd.s32 $0x140, s23;
	v8 =	vadd.s32 v62, v8;
	v7 =	vadd.s32 v63, v7;
	[tilespmem:v60+s12+$0x0] =	vst.idx.msk vm15, v12  }
0x72: {  	s23 =	simm.s32 $0x0  }
0x73: {  	[tilespmem:s16], [sflag:$0x2] =	stream.linear.gather [hbm4b:s8+s23], $0x2710, $0x38;
	[tilespmem:$0xA100] =	vst v63  }
0x74: {  	_ =	swait.ge [sflag:s17], $0x2710  }
0x75: {  	[sflag:s17] =	ssyncset.done $0x0  }
0x76: {  	[sflag:s17] =	ssyncadd.s32 $0xFFFFD8F0  }
.LBB2_6:
0x77: {  	s24 =	sshra.s32 s23, $0x2  }
0x78: {  	v12 =	vld [tilespmem:s24+$0x0];
	_ =	sdelay $0x4  }
0x79: {  	v13 =	vshra.s32 v12, $0x14  }
0x7a: {  	vm1 =	vlt.s32 v11, $0x100;
	v13 =	vadd.s32 $0x800, v13  }
0x7b: {  	v52 =	vnsel vm1, $0x100, v11;
	vm0 =	veq.s32 v13, v6  }
0x7c: {  	v13 =	vadd.s32 v0, v52;
	_ =	sdelay $0x3  }
0x7d: {  	v12 =	vand.u32 $0xFFFFF, v12  }
0x7e: {  	[tilespmem:v13+s12+$0x0] =	vst.idx.msk vm0, v12  }
0x7f: {  	v12 =	vld [tilespmem:s24+$0x10];
	_ =	sdelay $0x4  }
0x80: {  	v53 =	vshra.s32 v12, $0x14  }
0x81: {  	vm11 =	vlt.s32 v10, $0x100;
	v13 =	vadd.s32 $0x800, v53  }
0x82: {  	v54 =	vnsel vm11, $0x100, v10;
	vm2 =	veq.s32 v13, v6  }
0x83: {  	v13 =	vadd.s32 v2, v54;
	_ =	sdelay $0x3  }
0x84: {  	v12 =	vand.u32 $0xFFFFF, v12  }
0x85: {  	[tilespmem:v13+s12+$0x0] =	vst.idx.msk vm2, v12  }
0x86: {  	v12 =	vld [tilespmem:s24+$0x20];
	_ =	sdelay $0x4  }
0x87: {  	v55 =	vshra.s32 v12, $0x14  }
0x88: {  	vm12 =	vlt.s32 v9, $0x100;
	v13 =	vadd.s32 $0x800, v55  }
0x89: {  	v56 =	vnsel vm12, $0x100, v9;
	vm3 =	veq.s32 v13, v6  }
0x8a: {  	v13 =	vadd.s32 v3, v56;
	_ =	sdelay $0x3  }
0x8b: {  	v12 =	vand.u32 $0xFFFFF, v12  }
0x8c: {  	[tilespmem:v13+s12+$0x0] =	vst.idx.msk vm3, v12  }
0x8d: {  	v12 =	vld [tilespmem:s24+$0x30];
	_ =	sdelay $0x4  }
0x8e: {  	v57 =	vshra.s32 v12, $0x14  }
0x8f: {  	vm13 =	vlt.s32 v8, $0x100;
	v13 =	vadd.s32 $0x800, v57  }
0x90: {  	v58 =	vnsel vm13, $0x100, v8;
	vm4 =	veq.s32 v13, v6  }
0x91: {  	v13 =	vadd.s32 v4, v58;
	_ =	sdelay $0x3  }
0x92: {  	v12 =	vand.u32 $0xFFFFF, v12  }
0x93: {  	[tilespmem:v13+s12+$0x0] =	vst.idx.msk vm4, v12  }
0x94: {  	v12 =	vld [tilespmem:s24+$0x40];
	_ =	sdelay $0x4  }
0x95: {  	v59 =	vshra.s32 v12, $0x14  }
0x96: {  	vm14 =	vlt.s32 v7, $0x100;
	v13 =	vadd.s32 $0x800, v59  }
0x97: {  	v14 =	vnsel vm14, $0x100, v7;
	vm15 =	veq.s32 v13, v6  }
0x98: {  	p0 =	sne.s32 s23, $0x9B00;
	v60 =	vadd.s32 v5, v14  }
.Ltmp2:
0x99: {  	_ = 	snop;
	(pc) =	sbr.rel @p0 .LBB2_6-.Ltmp2, $4  }
0x9a: {  	v61 =	vsel vm0, $0x1, v1;
	v15 =	vsel vm2, $0x1, v1;
	v16 =	vsel vm3, $0x1, v1  }
0x9b: {  	v11 =	vadd.s32 v61, v11;
	v10 =	vadd.s32 v15, v10;
	v9 =	vadd.s32 v16, v9  }
0x9c: {  	v62 =	vsel vm4, $0x1, v1;
	v12 =	vand.u32 $0xFFFFF, v12;
	v63 =	vsel vm15, $0x1, v1  }
0x9d: {  	s23 =	sadd.s32 $0x140, s23;
	v8 =	vadd.s32 v62, v8;
	v7 =	vadd.s32 v63, v7;
	[tilespmem:v60+s12+$0x0] =	vst.idx.msk vm15, v12  }
0x9e: {  	s23 =	simm.s32 $0x0  }
0x9f: {  	[tilespmem:s23], [sflag:$0x1] =	stream.linear.gather [hbm4b:s9+s23], $0x2710, $0x38;
	[tilespmem:$0xA100] =	vst v63  }
0xa0: {  	_ =	swait.ge [sflag:s18], $0x2710  }
0xa1: {  	[sflag:s18] =	ssyncset.done $0x0  }
0xa2: {  	[sflag:s18] =	ssyncadd.s32 $0xFFFFD8F0  }
.LBB2_8:
0xa3: {  	s24 =	sshra.s32 s23, $0x2  }
0xa4: {  	v12 =	vld [tilespmem:s24+$0x2780];
	_ =	sdelay $0x4  }
0xa5: {  	v13 =	vshra.s32 v12, $0x14  }
0xa6: {  	vm1 =	vlt.s32 v11, $0x100;
	v13 =	vadd.s32 $0x800, v13  }
0xa7: {  	v52 =	vnsel vm1, $0x100, v11;
	vm0 =	veq.s32 v13, v6  }
0xa8: {  	v13 =	vadd.s32 v0, v52;
	_ =	sdelay $0x3  }
0xa9: {  	v12 =	vand.u32 $0xFFFFF, v12  }
0xaa: {  	[tilespmem:v13+s12+$0x0] =	vst.idx.msk vm0, v12  }
0xab: {  	v12 =	vld [tilespmem:s24+$0x2790];
	_ =	sdelay $0x4  }
0xac: {  	v53 =	vshra.s32 v12, $0x14  }
0xad: {  	vm11 =	vlt.s32 v10, $0x100;
	v13 =	vadd.s32 $0x800, v53  }
0xae: {  	v54 =	vnsel vm11, $0x100, v10;
	vm2 =	veq.s32 v13, v6  }
0xaf: {  	v13 =	vadd.s32 v2, v54;
	_ =	sdelay $0x3  }
0xb0: {  	v12 =	vand.u32 $0xFFFFF, v12  }
0xb1: {  	[tilespmem:v13+s12+$0x0] =	vst.idx.msk vm2, v12  }
0xb2: {  	v12 =	vld [tilespmem:s24+$0x27A0];
	_ =	sdelay $0x4  }
0xb3: {  	v55 =	vshra.s32 v12, $0x14  }
0xb4: {  	vm12 =	vlt.s32 v9, $0x100;
	v13 =	vadd.s32 $0x800, v55  }
0xb5: {  	v56 =	vnsel vm12, $0x100, v9;
	vm3 =	veq.s32 v13, v6  }
0xb6: {  	v13 =	vadd.s32 v3, v56;
	_ =	sdelay $0x3  }
0xb7: {  	v12 =	vand.u32 $0xFFFFF, v12  }
0xb8: {  	[tilespmem:v13+s12+$0x0] =	vst.idx.msk vm3, v12  }
0xb9: {  	v12 =	vld [tilespmem:s24+$0x27B0];
	_ =	sdelay $0x4  }
0xba: {  	v57 =	vshra.s32 v12, $0x14  }
0xbb: {  	vm13 =	vlt.s32 v8, $0x100;
	v13 =	vadd.s32 $0x800, v57  }
0xbc: {  	v58 =	vnsel vm13, $0x100, v8;
	vm4 =	veq.s32 v13, v6  }
0xbd: {  	v13 =	vadd.s32 v4, v58;
	_ =	sdelay $0x3  }
0xbe: {  	v12 =	vand.u32 $0xFFFFF, v12  }
0xbf: {  	[tilespmem:v13+s12+$0x0] =	vst.idx.msk vm4, v12  }
0xc0: {  	v12 =	vld [tilespmem:s24+$0x27C0];
	_ =	sdelay $0x4  }
0xc1: {  	v59 =	vshra.s32 v12, $0x14  }
0xc2: {  	vm14 =	vlt.s32 v7, $0x100;
	v13 =	vadd.s32 $0x800, v59  }
0xc3: {  	v14 =	vnsel vm14, $0x100, v7;
	vm15 =	veq.s32 v13, v6  }
0xc4: {  	p0 =	sne.s32 s23, $0x9B00;
	v60 =	vadd.s32 v5, v14  }
.Ltmp3:
0xc5: {  	_ = 	snop;
	(pc) =	sbr.rel @p0 .LBB2_8-.Ltmp3, $4  }
0xc6: {  	v61 =	vsel vm0, $0x1, v1;
	v15 =	vsel vm2, $0x1, v1;
	v16 =	vsel vm3, $0x1, v1  }
0xc7: {  	v11 =	vadd.s32 v61, v11;
	v10 =	vadd.s32 v15, v10;
	v9 =	vadd.s32 v16, v9  }
0xc8: {  	v62 =	vsel vm4, $0x1, v1;
	v12 =	vand.u32 $0xFFFFF, v12;
	v63 =	vsel vm15, $0x1, v1  }
0xc9: {  	s23 =	sadd.s32 $0x140, s23;
	v8 =	vadd.s32 v62, v8;
	v7 =	vadd.s32 v63, v7;
	[tilespmem:v60+s12+$0x0] =	vst.idx.msk vm15, v12  }
0xca: {  	_ =	swait.ge [sflag:s17], $0x2710  }
0xcb: {  	[sflag:s17] =	ssyncset.done $0x0  }
0xcc: {  	s23 =	simm.s32 $0x0;
	[sflag:s17] =	ssyncadd.s32 $0xFFFFD8F0  }
.LBB2_10:
0xcd: {  	s24 =	sshra.s32 s23, $0x2  }
0xce: {  	v12 =	vld [tilespmem:s24+$0x0];
	_ =	sdelay $0x4  }
0xcf: {  	v13 =	vshra.s32 v12, $0x14  }
0xd0: {  	vm1 =	vlt.s32 v11, $0x100;
	v13 =	vadd.s32 $0x800, v13  }
0xd1: {  	v52 =	vnsel vm1, $0x100, v11;
	vm0 =	veq.s32 v13, v6  }
0xd2: {  	v13 =	vadd.s32 v0, v52;
	_ =	sdelay $0x3  }
0xd3: {  	v12 =	vand.u32 $0xFFFFF, v12  }
0xd4: {  	[tilespmem:v13+s12+$0x0] =	vst.idx.msk vm0, v12  }
0xd5: {  	v12 =	vld [tilespmem:s24+$0x10];
	_ =	sdelay $0x4  }
0xd6: {  	v53 =	vshra.s32 v12, $0x14  }
0xd7: {  	vm11 =	vlt.s32 v10, $0x100;
	v13 =	vadd.s32 $0x800, v53  }
0xd8: {  	v54 =	vnsel vm11, $0x100, v10;
	vm2 =	veq.s32 v13, v6  }
0xd9: {  	v13 =	vadd.s32 v2, v54;
	_ =	sdelay $0x3  }
0xda: {  	v12 =	vand.u32 $0xFFFFF, v12  }
0xdb: {  	[tilespmem:v13+s12+$0x0] =	vst.idx.msk vm2, v12  }
0xdc: {  	v12 =	vld [tilespmem:s24+$0x20];
	_ =	sdelay $0x4  }
0xdd: {  	v55 =	vshra.s32 v12, $0x14  }
0xde: {  	vm12 =	vlt.s32 v9, $0x100;
	v13 =	vadd.s32 $0x800, v55  }
0xdf: {  	v56 =	vnsel vm12, $0x100, v9;
	vm3 =	veq.s32 v13, v6  }
0xe0: {  	v13 =	vadd.s32 v3, v56;
	_ =	sdelay $0x3  }
0xe1: {  	v12 =	vand.u32 $0xFFFFF, v12  }
0xe2: {  	[tilespmem:v13+s12+$0x0] =	vst.idx.msk vm3, v12  }
0xe3: {  	v12 =	vld [tilespmem:s24+$0x30];
	_ =	sdelay $0x4  }
0xe4: {  	v57 =	vshra.s32 v12, $0x14  }
0xe5: {  	vm13 =	vlt.s32 v8, $0x100;
	v13 =	vadd.s32 $0x800, v57  }
0xe6: {  	v58 =	vnsel vm13, $0x100, v8;
	vm4 =	veq.s32 v13, v6  }
0xe7: {  	v13 =	vadd.s32 v4, v58;
	_ =	sdelay $0x3  }
0xe8: {  	v12 =	vand.u32 $0xFFFFF, v12  }
0xe9: {  	[tilespmem:v13+s12+$0x0] =	vst.idx.msk vm4, v12  }
0xea: {  	v12 =	vld [tilespmem:s24+$0x40];
	_ =	sdelay $0x4  }
0xeb: {  	v59 =	vshra.s32 v12, $0x14  }
0xec: {  	vm14 =	vlt.s32 v7, $0x100;
	v13 =	vadd.s32 $0x800, v59  }
0xed: {  	v14 =	vnsel vm14, $0x100, v7;
	vm15 =	veq.s32 v13, v6  }
0xee: {  	p0 =	sne.s32 s23, $0x9B00;
	v60 =	vadd.s32 v5, v14  }
.Ltmp4:
0xef: {  	_ = 	snop;
	(pc) =	sbr.rel @p0 .LBB2_10-.Ltmp4, $4  }
0xf0: {  	v61 =	vsel vm0, $0x1, v1;
	v15 =	vsel vm2, $0x1, v1;
	v16 =	vsel vm3, $0x1, v1  }
0xf1: {  	v11 =	vadd.s32 v61, v11;
	v10 =	vadd.s32 v15, v10;
	v9 =	vadd.s32 v16, v9  }
0xf2: {  	v62 =	vsel vm4, $0x1, v1;
	v12 =	vand.u32 $0xFFFFF, v12;
	v63 =	vsel vm15, $0x1, v1  }
0xf3: {  	s23 =	sadd.s32 $0x140, s23;
	v8 =	vadd.s32 v62, v8;
	v7 =	vadd.s32 v63, v7;
	[tilespmem:v60+s12+$0x0] =	vst.idx.msk vm15, v12  }
0xf4: {  	s22 =	sadd.s32 $0x1, s22  }
0xf5: {  	p0 =	sne.s32 s22, s11  }
.Ltmp5:
0xf6: {  	_ = 	snop;
	(pc) =	sbr.rel @p0 .LBB2_1-.Ltmp5, $4  }
0xf7: {  	[hbm4b:s10+s19] =	stream.strided.scatter [tilespmem:s12], [sflag:$0x5], $0x5180, s20, s19, $0x38;
	[tilespmem:$0xA100] =	vst v63  }
0xf8: {  	_ =	swait.ge [sflag:s21], $0x5180  }
0xf9: {  	[sflag:s21] =	ssyncset.done $0x0  }
0xfa: {  	[sflag:s21] =	ssyncadd.s32 $0xFFFFAE80  }
0xfb: {  	_ =	sfence.sel $0x180000  }
0xfc: {  	[bflag:$0x0] =	sbarrier.arrive $0xFFFF  }
0xfd: {  	p0 =	sne.s32 s0, $0x0;
	_ =	strace $0x9000004A  }
0xfe: {  	s0 =	sadd.s32 @!p0 $0x100000, s1;
	[bflag:$0x2] =	sbarrier.arrive $0xFFFF  }
0xff: {  	[sflag:s0] =	ssyncadd.tile.s32 @!p0 $0x1;
	_ =	shalt  }
.Lfunc_end2:
_tile_overlayer_lowered:
.L_overlay_start_2:
0x100: {  	(tag) =	ssettag $0x2  }
0x101: {  	s0 =	rddreg [dreg:$0x0];
	s2 =	stileid.u32  }
0x102: {  	s1 =	rddreg [dreg:$0x1];
	p0 =	sne.s32 s2, $0x0  }
0x103: {  	s3 =	rddreg [dreg:$0x2];
	[bflag:$0x3] =	sbarrier.arrive $0xFFFF;
	s2 =	simm.s32 @!p0 $0x1C05  }
0x104: {  	[timem:s3], [sflag:s2] =	dma.local @!p0 [hbm:s0], s1  }
0x105: {  	s0 =	simm.s32 @!p0 $0x5  }
0x106: {  	_ =	swait.ge @!p0 [sflag:s0], s1  }
0x107: {  	s1 =	ssub.s32 @!p0 $0x0, s1;
	[sflag:s0] =	ssyncset.done @!p0 $0x0  }
0x108: {  	[sflag:s0] =	ssyncadd.s32 @!p0 s1  }
0x109: {  	[bflag:$0x3] =	sbarrier.arrive $0xFFFF  }
0x10a: {  	_ =	shalt  }

</sc_bundles>
